<compile_context>
chip_gen: v7x
topology: tpu7x:2x2x1
jax: 0.10.2.dev20260603
libtpu: 0.0.44.dev20260713+nightly
codegen_flags: <defaults>
</compile_context>

<pallas_src>
import functools

import jax
import jax.numpy as jnp
from jax import lax
from jax.experimental import pallas as pl
from jax.experimental.pallas import tpu as pltpu
from jax.experimental.pallas import tpu_sc as plsc

NUM_NODES = 100000
E = 320000
D = 128
D_EDGE = 16
N_TYPES = 8

NTILES = 32
NPAD = 100096
EPW = E // NTILES
RPW = NPAD // NTILES


def _mesh():
    return plsc.VectorSubcoreMesh(core_axis_name="c", subcore_axis_name="s")


def _wid():
    return lax.axis_index("s") * 2 + lax.axis_index("c")


def _ring_gather_multi(jobs, base, C, nchunk):

    def sg(tab, idxref, j, buf, sem):
        pltpu.async_copy(tab.at[idxref.at[pl.ds(j * C, C)]], buf, sem)

    def wg(tab, buf, sem):
        pltpu.make_async_copy(tab.at[pl.ds(0, C)], buf, sem).wait()

    def out_cp(out, j, buf):
        pltpu.sync_copy(buf, out.at[pl.ds(base + j * C, C)])

    for tab, idx, out, ba, bb, sa, sb in jobs:
        sg(tab, idx, 0, ba, sa)
        sg(tab, idx, 1, bb, sb)
    npair = (nchunk - 2) // 2 if nchunk % 2 == 0 else (nchunk - 3) // 2

    def body(j2, _):
        j = 2 * j2
        for tab, idx, out, ba, bb, sa, sb in jobs:
            wg(tab, ba, sa)
            out_cp(out, j, ba)
            sg(tab, idx, j + 2, ba, sa)
            wg(tab, bb, sb)
            out_cp(out, j + 1, bb)
            sg(tab, idx, j + 3, bb, sb)
        return 0

    lax.fori_loop(0, npair, body, 0)
    for tab, idx, out, ba, bb, sa, sb in jobs:
        if nchunk % 2 == 0:
            wg(tab, ba, sa)
            out_cp(out, nchunk - 2, ba)
            wg(tab, bb, sb)
            out_cp(out, nchunk - 1, bb)
        else:
            wg(tab, ba, sa)
            out_cp(out, nchunk - 3, ba)
            sg(tab, idx, nchunk - 1, ba, sa)
            wg(tab, bb, sb)
            out_cp(out, nchunk - 2, bb)
            wg(tab, ba, sa)
            out_cp(out, nchunk - 1, ba)


def _sc_winner_tables(src, dst):
    grp = EPW // 16

    @functools.partial(
        pl.kernel,
        mesh=_mesh(),
        compiler_params=pltpu.CompilerParams(needs_layout_passes=False),
        out_type=[
            jax.ShapeDtypeStruct((NTILES, NPAD), jnp.int32),
            jax.ShapeDtypeStruct((NTILES, NPAD), jnp.int32),
        ],
        scratch_types=[
            pltpu.VMEM((NPAD,), jnp.int32),
            pltpu.VMEM((EPW,), jnp.int32),
            pltpu.VMEM((EPW,), jnp.int32),
            pltpu.SemaphoreType.DMA,
            pltpu.SemaphoreType.DMA,
        ],
    )
    def k(src_hbm, dst_hbm, ls_hbm, ld_hbm, tbl, chunk_s, chunk_d,
          sem_s, sem_d):
        wid = _wid()
        lane = lax.iota(jnp.int32, 16)
        pltpu.async_copy(src_hbm.at[pl.ds(wid * EPW, EPW)], chunk_s, sem_s)
        pltpu.async_copy(dst_hbm.at[pl.ds(wid * EPW, EPW)], chunk_d, sem_d)

        def init_tbl():
            def init_body(i, _):
                for u in range(4):
                    tbl[pl.ds((4 * i + u) * 16, 16)] = jnp.full(
                        (16,), jnp.int32(-1), jnp.int32)
                return 0

            lax.fori_loop(0, NPAD // 64, init_body, 0)

        def one_direction(ids_hbm, chunk, sem, out_hbm):
            init_tbl()
            pltpu.make_async_copy(
                ids_hbm.at[pl.ds(0, EPW)], chunk, sem).wait()

            def scat_body(g, _):
                node = chunk[pl.ds(g * 16, 16)]
                ev = wid * EPW + g * 16 + lane
                for j in range(16):
                    plsc.store_scatter(tbl, [node], ev, mask=lane == j)
                return 0

            lax.fori_loop(0, grp, scat_body, 0)
            pltpu.sync_copy(tbl, out_hbm.at[wid])

        one_direction(src_hbm, chunk_s, sem_s, ls_hbm)
        one_direction(dst_hbm, chunk_d, sem_d, ld_hbm)

    return k(src, dst)


def _merge_body(ls_ref, ld_ref, lsc_ref, ldc_ref, lw4_ref, selw_ref, hd_ref):
    ms = jnp.max(ls_ref[...], axis=0)
    md = jnp.max(ld_ref[...], axis=0)
    lsc = jnp.maximum(ms, 0)
    ldc = jnp.maximum(md, 0)
    lwin = jnp.where(md >= 0, ldc, lsc)
    lsc_ref[...] = lsc
    ldc_ref[...] = ldc
    lw4_ref[...] = lax.shift_right_logical(lwin, 2)
    selw_ref[...] = lwin & 3
    hd_ref[...] = (md >= 0).astype(jnp.float32)


def _merge_tc(Ls, Ld):
    return pl.pallas_call(
        _merge_body,
        out_shape=[
            jax.ShapeDtypeStruct((NPAD,), jnp.int32),
            jax.ShapeDtypeStruct((NPAD,), jnp.int32),
            jax.ShapeDtypeStruct((NPAD,), jnp.int32),
            jax.ShapeDtypeStruct((NPAD,), jnp.int32),
            jax.ShapeDtypeStruct((NPAD,), jnp.float32),
        ],
    )(Ls, Ld)


def _sc_node_gathers(x_src, x_dst, Z, lsc, ldc, lw4):
    C = 136
    nchunk = RPW // C

    @functools.partial(
        pl.kernel,
        mesh=_mesh(),
        compiler_params=pltpu.CompilerParams(needs_layout_passes=False),
        out_type=[jax.ShapeDtypeStruct((NPAD, D), jnp.float32)] * 3,
        scratch_types=[
            pltpu.VMEM((RPW,), jnp.int32),
            pltpu.VMEM((RPW,), jnp.int32),
            pltpu.VMEM((RPW,), jnp.int32),
        ]
        + [pltpu.VMEM((C, D), jnp.float32)] * 6
        + [pltpu.SemaphoreType.DMA] * 6,
    )
    def k(xs_hbm, xd_hbm, z_hbm, lsc_hbm, ldc_hbm, lw4_hbm,
          wxs_hbm, wxd_hbm, wzw_hbm, idx_s, idx_d, idx_w,
          b0, b1, b2, b3, b4, b5, s0, s1, s2, s3, s4, s5):
        wid = _wid()
        base = wid * RPW
        pltpu.sync_copy(lsc_hbm.at[pl.ds(base, RPW)], idx_s)
        pltpu.sync_copy(ldc_hbm.at[pl.ds(base, RPW)], idx_d)
        pltpu.sync_copy(lw4_hbm.at[pl.ds(base, RPW)], idx_w)
        _ring_gather_multi(
            [(xs_hbm, idx_s, wxs_hbm, b0, b1, s0, s1),
             (xd_hbm, idx_d, wxd_hbm, b2, b3, s2, s3),
             (z_hbm, idx_w, wzw_hbm, b4, b5, s4, s5)],
            base, C, nchunk)

    return k(x_src, x_dst, Z, lsc, ldc, lw4)


E2 = E
EPW2 = E2 // NTILES


def _sc_edge_gathers(A, B, src_h, dst_h):
    C = 200
    nchunk = EPW2 // C

    @functools.partial(
        pl.kernel,
        mesh=_mesh(),
        compiler_params=pltpu.CompilerParams(needs_layout_passes=False),
        out_type=[jax.ShapeDtypeStruct((E2, D), jnp.int32)] * 2,
        scratch_types=[
            pltpu.VMEM((EPW2,), jnp.int32),
            pltpu.VMEM((EPW2,), jnp.int32),
        ]
        + [pltpu.VMEM((C, D), jnp.int32)] * 4
        + [pltpu.SemaphoreType.DMA] * 4,
    )
    def k(a_hbm, b_hbm, src_hbm, dst_hbm, gs_hbm, gd_hbm, idx_s, idx_d,
          b0, b1, b2, b3, s0, s1, s2, s3):
        wid = _wid()
        base = wid * EPW2
        pltpu.sync_copy(src_hbm.at[pl.ds(base, EPW2)], idx_s)
        pltpu.sync_copy(dst_hbm.at[pl.ds(base, EPW2)], idx_d)
        _ring_gather_multi(
            [(a_hbm, idx_s, gs_hbm, b0, b1, s0, s1),
             (b_hbm, idx_d, gd_hbm, b2, b3, s2, s3)],
            base, C, nchunk)

    return k(A, B, src_h, dst_h)


def _sel32(z, sel):
    out = jnp.zeros((z.shape[0], 2 * D_EDGE), jnp.float32)
    for kk in range(4):
        out += jnp.where(sel == kk, z[:, 32 * kk:32 * kk + 32], 0.0)
    return out


def _node_enc_body(wxs_ref, wxd_ref, wzw_ref, selw_ref,
                   hd_ref, wenc_ref, wcat_ref, a_ref, b_ref):
    S = jax.nn.relu(
        jnp.dot(wxs_ref[...], wenc_ref[...], preferred_element_type=jnp.float32))
    T = jax.nn.relu(
        jnp.dot(wxd_ref[...], wenc_ref[...], preferred_element_type=jnp.float32))
    zw = _sel32(wzw_ref[...], selw_ref[...])
    WEH = jnp.dot(zw, wcat_ref[...], preferred_element_type=jnp.float32)
    hd = hd_ref[...]
    WH = jnp.where(hd > 0.5, T, S) + WEH

    def rnd(x):
        return lax.bitcast_convert_type(x, jnp.int32) + 0x8000

    wh_hi = rnd(WH) & jnp.int32(-65536)
    a_ref[...] = wh_hi | lax.shift_right_logical(rnd(S), 16)
    b_ref[...] = wh_hi | lax.shift_right_logical(rnd(T), 16)


def _node_enc(wx_src, wx_dst, wzw, selw, has_dst, W_enc, Wcat, n_rows):
    blk = 3128
    grid = (n_rows // blk,)
    return pl.pallas_call(
        _node_enc_body,
        grid=grid,
        in_specs=[
            pl.BlockSpec((blk, D), lambda i: (i, 0)),
            pl.BlockSpec((blk, D), lambda i: (i, 0)),
            pl.BlockSpec((blk, D), lambda i: (i, 0)),
            pl.BlockSpec((blk, 1), lambda i: (i, 0)),
            pl.BlockSpec((blk, 1), lambda i: (i, 0)),
            pl.BlockSpec((D, D), lambda i: (0, 0)),
            pl.BlockSpec((2 * D_EDGE, D), lambda i: (0, 0)),
        ],
        out_specs=[
            pl.BlockSpec((blk, D), lambda i: (i, 0)),
            pl.BlockSpec((blk, D), lambda i: (i, 0)),
        ],
        out_shape=[
            jax.ShapeDtypeStruct((n_rows, D), jnp.int32),
            jax.ShapeDtypeStruct((n_rows, D), jnp.int32),
        ],
    )(wx_src, wx_dst, wzw, selw, has_dst, W_enc, Wcat)


def _final_body(gs_ref, gd_ref, msg_ref, ef_ref, et_ref, wm_ref, we_ref,
                wdec_ref, tb_ref, out_ref, acc_ref, accv_ref):
    i = pl.program_id(0)

    @pl.when(i == 0)
    def _():
        acc_ref[0] = 0.0
        accv_ref[...] = jnp.zeros_like(accv_ref)

    EH = (jnp.dot(msg_ref[...], wm_ref[...], preferred_element_type=jnp.float32)
          + jnp.dot(ef_ref[...], we_ref[...], preferred_element_type=jnp.float32))
    gs = gs_ref[...]
    gd = gd_ref[...]

    def lo(w):
        return lax.bitcast_convert_type(lax.shift_left(w, 16), jnp.float32)

    def hi(w):
        return lax.bitcast_convert_type(w & jnp.int32(-65536), jnp.float32)

    h_src = lo(gs) + EH
    h_dst = lo(gd) + EH
    hdw = jnp.dot(h_dst, wdec_ref[...], preferred_element_type=jnp.float32)
    ones_d = jnp.ones((D,), jnp.float32)
    score = jnp.dot(h_src * hdw, ones_d, preferred_element_type=jnp.float32)
    et = et_ref[0, 0, :]
    bias = jnp.zeros_like(score)
    for k in range(N_TYPES):
        bias += jnp.where(et == k, tb_ref[k], 0.0)
    score = score + bias
    sp = jnp.maximum(-score, 0.0) + jnp.log1p(jnp.exp(-jnp.abs(score)))
    ds = h_src - hi(gs)
    dd = h_dst - hi(gd)
    q = ds * ds + dd * dd
    blkn = q.shape[0]
    accv_ref[...] += jnp.dot(jnp.ones((1, blkn), jnp.float32), q,
                             preferred_element_type=jnp.float32)
    acc_ref[0] += jnp.sum(sp)

    @pl.when(i == pl.num_programs(0) - 1)
    def _():
        out_ref[0] = acc_ref[0]
        out_ref[1] = jnp.sum(accv_ref[...])


def _final(Gs, Gd, msg, ef, edge_type, W_msg, W_ef, W_dec, type_bias):
    blk = 1600
    grid = (E2 // blk,)
    et3 = edge_type.astype(jnp.int32).reshape(E2 // blk, 1, blk)
    return pl.pallas_call(
        _final_body,
        grid=grid,
        in_specs=[
            pl.BlockSpec((blk, D), lambda i: (i, 0)),
            pl.BlockSpec((blk, D), lambda i: (i, 0)),
            pl.BlockSpec((blk, D_EDGE), lambda i: (i, 0)),
            pl.BlockSpec((blk, D_EDGE), lambda i: (i, 0)),
            pl.BlockSpec((1, 1, blk), lambda i: (i, 0, 0)),
            pl.BlockSpec((D_EDGE, D), lambda i: (0, 0)),
            pl.BlockSpec((D_EDGE, D), lambda i: (0, 0)),
            pl.BlockSpec((D, D), lambda i: (0, 0)),
            pl.BlockSpec(memory_space=pltpu.SMEM),
        ],
        out_specs=pl.BlockSpec(memory_space=pltpu.SMEM),
        out_shape=jax.ShapeDtypeStruct((2,), jnp.float32),
        scratch_shapes=[pltpu.SMEM((2,), jnp.float32),
                        pltpu.VMEM((1, D), jnp.float32)],
        compiler_params=pltpu.CompilerParams(
            dimension_semantics=("arbitrary",)),
    )(Gs, Gd, msg, ef, et3, W_msg, W_ef, W_dec, type_bias)


def kernel(x_src, x_dst, msg, edge_feats, W_enc, W_msg, W_ef, W_dec, type_bias,
           last_h_storage, src, dst, t, edge_type):
    src = src.astype(jnp.int32)
    dst = dst.astype(jnp.int32)

    Ls, Ld = _sc_winner_tables(src, dst)
    lsc, ldc, lw4, selw, hd = _merge_tc(Ls, Ld)

    Z = jnp.concatenate([msg, edge_feats], axis=1).reshape(E // 4, 4 * 2 * D_EDGE)
    Wcat = jnp.concatenate([W_msg, W_ef], axis=0)

    wx_src, wx_dst, wzw = _sc_node_gathers(x_src, x_dst, Z, lsc, ldc, lw4)

    A, B = _node_enc(wx_src, wx_dst, wzw, selw.reshape(NPAD, 1),
                     hd.reshape(NPAD, 1), W_enc, Wcat, NPAD)

    Gs, Gd = _sc_edge_gathers(A, B, src, dst)
    acc = _final(Gs, Gd, msg, edge_feats, edge_type,
                 W_msg, W_ef, W_dec, type_bias)
    return (acc[0] / E + 0.1 * (acc[1] / (E * D))).reshape(1)

# --- scband reference (transcript-rebuilt; emitter-appended) ---
"""Pipeline reference for scband-model-13675175870514 (READ-ONLY COPY).

The authoritative reference and input builder live on the scoring server;
editing this copy changes nothing except your own understanding.
"""

import jax, jax.numpy as jnp
import numpy as np

NUM_NODES = 100000
E = 320000
D = 128
D_EDGE = 16
N_TYPES = 8


def setup_inputs(seed: int = 0) -> dict:
    key = jax.random.key(seed)
    ks = jax.random.split(key, 12)
    return {
        "x_src": jax.random.normal(ks[0], (E, D), dtype=jnp.float32),
        "x_dst": jax.random.normal(ks[1], (E, D), dtype=jnp.float32),
        "msg": jax.random.normal(ks[2], (E, D_EDGE), dtype=jnp.float32),
        "edge_feats": jax.random.normal(ks[3], (E, D_EDGE), dtype=jnp.float32),
        "W_enc": jax.random.normal(ks[4], (D, D), dtype=jnp.float32) * 0.05,
        "W_msg": jax.random.normal(ks[5], (D_EDGE, D), dtype=jnp.float32) * 0.05,
        "W_ef": jax.random.normal(ks[6], (D_EDGE, D), dtype=jnp.float32) * 0.05,
        "W_dec": jax.random.normal(ks[7], (D, D), dtype=jnp.float32) * 0.05,
        "type_bias": jnp.zeros((N_TYPES,), dtype=jnp.float32),
        "last_h_storage": jnp.zeros((NUM_NODES, D), dtype=jnp.float32),
        "src": jax.random.randint(ks[8], (E,), 0, NUM_NODES),
        "dst": jax.random.randint(ks[9], (E,), 0, NUM_NODES),
        "t": jax.random.randint(ks[10], (E,), 0, 1000000),
        "edge_type": jax.random.randint(ks[11], (E,), 0, N_TYPES),
    }


def reference(x_src, x_dst, msg, edge_feats, W_enc, W_msg, W_ef, W_dec, type_bias, last_h_storage, src, dst, t, edge_type):
    # _relabel_graph compacted involved nodes to 0..k-1 and scattered/gathered at
    # the relabeled positions; using the global node ids directly into fixed-shape
    # (NUM_NODES, D) tables performs the identical per-row computation.
    # x_src[edge_index[0,:]] = batch_x_src ; x_dst[edge_index[1,:]] = batch_x_dst (scatter-overwrite)
    x_src_full = jnp.zeros((NUM_NODES, D), dtype=x_src.dtype).at[src].set(x_src)
    x_dst_full = jnp.zeros((NUM_NODES, D), dtype=x_dst.dtype).at[dst].set(x_dst)
    # encoder: per-node transform + per-edge message features -> per-edge embeddings
    h_src_nodes = jax.nn.relu(x_src_full @ W_enc)
    h_dst_nodes = jax.nn.relu(x_dst_full @ W_enc)
    edge_h = msg @ W_msg + edge_feats @ W_ef
    h_src = h_src_nodes[src] + edge_h
    h_dst = h_dst_nodes[dst] + edge_h
    # contrastive memory: last_h_storage[involved_nodes] = cat([h_src, h_dst]).detach()
    involved = jnp.concatenate([src, dst])
    storage = last_h_storage.at[involved].set(jax.lax.stop_gradient(jnp.concatenate([h_src, h_dst], axis=0)))
    # decoder: bilinear edge score + edge-type bias -> loss (train mode)
    score = jnp.sum(h_src * (h_dst @ W_dec), axis=1) + type_bias[edge_type]
    loss_main = jnp.mean(jax.nn.softplus(-score))
    contrast = jnp.mean((h_src - storage[src]) ** 2) + jnp.mean((h_dst - storage[dst]) ** 2)
    loss_or_scores = (loss_main + 0.1 * contrast).reshape(1)
    return loss_or_scores

if __name__ == "__main__":
    import jax
    _d = setup_inputs()
    print(jax.jit(kernel)(*tuple(_d.values())))

</pallas_src>

<mosaic_0001>
#map = affine_map<(d0, d1) -> (0)>
#map1 = affine_map<(d0, d1) -> (0, 0)>
module attributes {stable_mosaic.version = 14 : i64} {
  func.func @k(%arg0: i32, %arg1: i32, %arg2: memref<320000xi32, #tpu.memory_space<hbm>>, %arg3: memref<320000xi32, #tpu.memory_space<hbm>>, %arg4: memref<32x100096xi32, #tpu.memory_space<hbm>>, %arg5: memref<32x100096xi32, #tpu.memory_space<hbm>>, %arg6: memref<100096xi32, #tpu.memory_space<vmem>>, %arg7: memref<10000xi32, #tpu.memory_space<vmem>>, %arg8: memref<10000xi32, #tpu.memory_space<vmem>>, %arg9: memref<!tpu.dma_semaphore, #tpu.memory_space<semaphore_mem>>, %arg10: memref<!tpu.dma_semaphore, #tpu.memory_space<semaphore_mem>>) attributes {dimension_semantics = [#tpu.dimension_semantics<core_parallel>, #tpu.dimension_semantics<subcore_parallel>], iteration_bounds = array<i64: 2, 16>, scalar_prefetch = 0 : i64, scratch_operands = 5 : i64, tpu.core_type = #tpu.core_type<sc_vector_subcore>, window_params = [{transform_indices = #map}, {transform_indices = #map}, {transform_indices = #map1}, {transform_indices = #map1}]} {
    %mul3A = arith.constant 2 : i32
    %mul3A_0 = arith.muli %arg1, %mul3A : i32
    %add3A = arith.addi %mul3A_0, %arg0 : i32
    %iota3A = tpu.iota {dimensions = array<i32: 0>} : vector<16xi32>
    %mul3A_1 = arith.constant 10000 : i32
    %mul3A_2 = arith.muli %add3A, %mul3A_1 : i32
    %dma_start3A = tpu.memref_slice %arg2[%mul3A_2] : memref<320000xi32, #tpu.memory_space<hbm>> -> memref<10000xi32, #tpu.memory_space<hbm>>
    %dma_start3A_3 = tpu.memref_slice %arg2[%mul3A_2] : memref<320000xi32, #tpu.memory_space<hbm>> -> memref<10000xi32, #tpu.memory_space<hbm>>
    tpu.enqueue_dma source(%dma_start3A_3 : memref<10000xi32, #tpu.memory_space<hbm>>) target(%arg7 : memref<10000xi32, #tpu.memory_space<vmem>>) target_semaphore(%arg9 : memref<!tpu.dma_semaphore, #tpu.memory_space<semaphore_mem>>)
    %mul3A_4 = arith.constant 10000 : i32
    %mul3A_5 = arith.muli %add3A, %mul3A_4 : i32
    %dma_start3A_6 = tpu.memref_slice %arg3[%mul3A_5] : memref<320000xi32, #tpu.memory_space<hbm>> -> memref<10000xi32, #tpu.memory_space<hbm>>
    %dma_start3A_7 = tpu.memref_slice %arg3[%mul3A_5] : memref<320000xi32, #tpu.memory_space<hbm>> -> memref<10000xi32, #tpu.memory_space<hbm>>
    tpu.enqueue_dma source(%dma_start3A_7 : memref<10000xi32, #tpu.memory_space<hbm>>) target(%arg8 : memref<10000xi32, #tpu.memory_space<vmem>>) target_semaphore(%arg10 : memref<!tpu.dma_semaphore, #tpu.memory_space<semaphore_mem>>)
    %scan3A = arith.constant 0 : i32
    %scan3A_8 = arith.constant 0 : i32
    %scan3A_9 = arith.constant 1564 : i32
    %scan3A_10 = arith.addi %scan3A_8, %scan3A_9 : i32
    %scan3A_11 = arith.constant 1 : i32
    %scan3A_12 = scf.for %scan3A_42 = %scan3A_8 to %scan3A_10 step %scan3A_11 iter_args(%scan3A_43 = %scan3A) -> (i32)  : i32 {
      %broadcast_in_dim3A = arith.constant -1 : i32
      %broadcast_in_dim3A_44 = vector.broadcast %broadcast_in_dim3A : i32 to vector<16xi32>
      %mul3A_45 = arith.constant 4 : i32
      %mul3A_46 = arith.muli %mul3A_45, %scan3A_42 : i32
      %add3A_47 = arith.constant 0 : i32
      %add3A_48 = arith.addi %mul3A_46, %add3A_47 : i32
      %mul3A_49 = arith.constant 16 : i32
      %mul3A_50 = arith.muli %add3A_48, %mul3A_49 : i32
      %swap3A = arith.index_cast %mul3A_50 : i32 to index
      %swap3A_51 = tpu.vector_load %arg6[%swap3A] {strides = array<i32>} : memref<100096xi32, #tpu.memory_space<vmem>>, vector<16xi32>,
      tpu.vector_store %arg6[%swap3A], %broadcast_in_dim3A_44 {strides = array<i32>} : memref<100096xi32, #tpu.memory_space<vmem>>, vector<16xi32>,
      %broadcast_in_dim3A_52 = arith.constant -1 : i32
      %broadcast_in_dim3A_53 = vector.broadcast %broadcast_in_dim3A_52 : i32 to vector<16xi32>
      %mul3A_54 = arith.constant 4 : i32
      %mul3A_55 = arith.muli %mul3A_54, %scan3A_42 : i32
      %add3A_56 = arith.constant 1 : i32
      %add3A_57 = arith.addi %mul3A_55, %add3A_56 : i32
      %mul3A_58 = arith.constant 16 : i32
      %mul3A_59 = arith.muli %add3A_57, %mul3A_58 : i32
      %swap3A_60 = arith.index_cast %mul3A_59 : i32 to index
      %swap3A_61 = tpu.vector_load %arg6[%swap3A_60] {strides = array<i32>} : memref<100096xi32, #tpu.memory_space<vmem>>, vector<16xi32>,
      tpu.vector_store %arg6[%swap3A_60], %broadcast_in_dim3A_53 {strides = array<i32>} : memref<100096xi32, #tpu.memory_space<vmem>>, vector<16xi32>,
      %broadcast_in_dim3A_62 = arith.constant -1 : i32
      %broadcast_in_dim3A_63 = vector.broadcast %broadcast_in_dim3A_62 : i32 to vector<16xi32>
      %mul3A_64 = arith.constant 4 : i32
      %mul3A_65 = arith.muli %mul3A_64, %scan3A_42 : i32
      %add3A_66 = arith.constant 2 : i32
      %add3A_67 = arith.addi %mul3A_65, %add3A_66 : i32
      %mul3A_68 = arith.constant 16 : i32
      %mul3A_69 = arith.muli %add3A_67, %mul3A_68 : i32
      %swap3A_70 = arith.index_cast %mul3A_69 : i32 to index
      %swap3A_71 = tpu.vector_load %arg6[%swap3A_70] {strides = array<i32>} : memref<100096xi32, #tpu.memory_space<vmem>>, vector<16xi32>,
      tpu.vector_store %arg6[%swap3A_70], %broadcast_in_dim3A_63 {strides = array<i32>} : memref<100096xi32, #tpu.memory_space<vmem>>, vector<16xi32>,
      %broadcast_in_dim3A_72 = arith.constant -1 : i32
      %broadcast_in_dim3A_73 = vector.broadcast %broadcast_in_dim3A_72 : i32 to vector<16xi32>
      %mul3A_74 = arith.constant 4 : i32
      %mul3A_75 = arith.muli %mul3A_74, %scan3A_42 : i32
      %add3A_76 = arith.constant 3 : i32
      %add3A_77 = arith.addi %mul3A_75, %add3A_76 : i32
      %mul3A_78 = arith.constant 16 : i32
      %mul3A_79 = arith.muli %add3A_77, %mul3A_78 : i32
      %swap3A_80 = arith.index_cast %mul3A_79 : i32 to index
      %swap3A_81 = tpu.vector_load %arg6[%swap3A_80] {strides = array<i32>} : memref<100096xi32, #tpu.memory_space<vmem>>, vector<16xi32>,
      tpu.vector_store %arg6[%swap3A_80], %broadcast_in_dim3A_73 {strides = array<i32>} : memref<100096xi32, #tpu.memory_space<vmem>>, vector<16xi32>,
      %scan3A_82 = arith.constant 0 : i32
      scf.yield %scan3A_82 : i32
    }
    %scan3A_13 = arith.constant 1564 : i32
    %dma_wait3A = arith.constant 0 : i32
    %dma_wait3A_14 = tpu.memref_slice %arg2[%dma_wait3A] : memref<320000xi32, #tpu.memory_space<hbm>> -> memref<10000xi32, #tpu.memory_space<hbm>>
    %dma_wait3A_15 = arith.constant 0 : i32
    %dma_wait3A_16 = tpu.memref_slice %arg2[%dma_wait3A_15] : memref<320000xi32, #tpu.memory_space<hbm>> -> memref<10000xi32, #tpu.memory_space<hbm>>
    tpu.wait_dma2 semaphore(%arg9 : memref<!tpu.dma_semaphore, #tpu.memory_space<semaphore_mem>>) src(%dma_wait3A_16 : memref<10000xi32, #tpu.memory_space<hbm>>) dst(%arg7 : memref<10000xi32, #tpu.memory_space<vmem>>)
    %scan3A_17 = arith.constant 0 : i32
    %scan3A_18 = arith.constant 0 : i32
    %scan3A_19 = arith.constant 625 : i32
    %scan3A_20 = arith.addi %scan3A_18, %scan3A_19 : i32
    %scan3A_21 = arith.constant 1 : i32
    %scan3A_22 = scf.for %scan3A_42 = %scan3A_18 to %scan3A_20 step %scan3A_21 iter_args(%scan3A_43 = %scan3A_17) -> (i32)  : i32 {
      %mul3A_44 = arith.constant 16 : i32
      %mul3A_45 = arith.muli %scan3A_42, %mul3A_44 : i32
      %get3A = arith.index_cast %mul3A_45 : i32 to index
      %get3A_46 = tpu.vector_load %arg7[%get3A] {strides = array<i32>} : memref<10000xi32, #tpu.memory_space<vmem>>, vector<16xi32>,
      %mul3A_47 = arith.constant 10000 : i32
      %mul3A_48 = arith.muli %add3A, %mul3A_47 : i32
      %mul3A_49 = arith.constant 16 : i32
      %mul3A_50 = arith.muli %scan3A_42, %mul3A_49 : i32
      %add3A_51 = arith.addi %mul3A_48, %mul3A_50 : i32
      %add3A_52 = vector.broadcast %add3A_51 : i32 to vector<16xi32>
      %add3A_53 = arith.addi %add3A_52, %iota3A : vector<16xi32>
      %eq3A = arith.constant 0 : i32
      %eq3A_54 = vector.broadcast %eq3A : i32 to vector<16xi32>
      %eq3A_55 = arith.cmpi eq, %iota3A, %eq3A_54 : vector<16xi32>
      tpu.vector_store_idx %arg6[%get3A_46], %add3A_53 masked %eq3A_55 : memref<100096xi32, #tpu.memory_space<vmem>>[vector<16xi32>], vector<16xi32>, vector<16xi1>
      %eq3A_56 = arith.constant 1 : i32
      %eq3A_57 = vector.broadcast %eq3A_56 : i32 to vector<16xi32>
      %eq3A_58 = arith.cmpi eq, %iota3A, %eq3A_57 : vector<16xi32>
      tpu.vector_store_idx %arg6[%get3A_46], %add3A_53 masked %eq3A_58 : memref<100096xi32, #tpu.memory_space<vmem>>[vector<16xi32>], vector<16xi32>, vector<16xi1>
      %eq3A_59 = arith.constant 2 : i32
      %eq3A_60 = vector.broadcast %eq3A_59 : i32 to vector<16xi32>
      %eq3A_61 = arith.cmpi eq, %iota3A, %eq3A_60 : vector<16xi32>
      tpu.vector_store_idx %arg6[%get3A_46], %add3A_53 masked %eq3A_61 : memref<100096xi32, #tpu.memory_space<vmem>>[vector<16xi32>], vector<16xi32>, vector<16xi1>
      %eq3A_62 = arith.constant 3 : i32
      %eq3A_63 = vector.broadcast %eq3A_62 : i32 to vector<16xi32>
      %eq3A_64 = arith.cmpi eq, %iota3A, %eq3A_63 : vector<16xi32>
      tpu.vector_store_idx %arg6[%get3A_46], %add3A_53 masked %eq3A_64 : memref<100096xi32, #tpu.memory_space<vmem>>[vector<16xi32>], vector<16xi32>, vector<16xi1>
      %eq3A_65 = arith.constant 4 : i32
      %eq3A_66 = vector.broadcast %eq3A_65 : i32 to vector<16xi32>
      %eq3A_67 = arith.cmpi eq, %iota3A, %eq3A_66 : vector<16xi32>
      tpu.vector_store_idx %arg6[%get3A_46], %add3A_53 masked %eq3A_67 : memref<100096xi32, #tpu.memory_space<vmem>>[vector<16xi32>], vector<16xi32>, vector<16xi1>
      %eq3A_68 = arith.constant 5 : i32
      %eq3A_69 = vector.broadcast %eq3A_68 : i32 to vector<16xi32>
      %eq3A_70 = arith.cmpi eq, %iota3A, %eq3A_69 : vector<16xi32>
      tpu.vector_store_idx %arg6[%get3A_46], %add3A_53 masked %eq3A_70 : memref<100096xi32, #tpu.memory_space<vmem>>[vector<16xi32>], vector<16xi32>, vector<16xi1>
      %eq3A_71 = arith.constant 6 : i32
      %eq3A_72 = vector.broadcast %eq3A_71 : i32 to vector<16xi32>
      %eq3A_73 = arith.cmpi eq, %iota3A, %eq3A_72 : vector<16xi32>
      tpu.vector_store_idx %arg6[%get3A_46], %add3A_53 masked %eq3A_73 : memref<100096xi32, #tpu.memory_space<vmem>>[vector<16xi32>], vector<16xi32>, vector<16xi1>
      %eq3A_74 = arith.constant 7 : i32
      %eq3A_75 = vector.broadcast %eq3A_74 : i32 to vector<16xi32>
      %eq3A_76 = arith.cmpi eq, %iota3A, %eq3A_75 : vector<16xi32>
      tpu.vector_store_idx %arg6[%get3A_46], %add3A_53 masked %eq3A_76 : memref<100096xi32, #tpu.memory_space<vmem>>[vector<16xi32>], vector<16xi32>, vector<16xi1>
      %eq3A_77 = arith.constant 8 : i32
      %eq3A_78 = vector.broadcast %eq3A_77 : i32 to vector<16xi32>
      %eq3A_79 = arith.cmpi eq, %iota3A, %eq3A_78 : vector<16xi32>
      tpu.vector_store_idx %arg6[%get3A_46], %add3A_53 masked %eq3A_79 : memref<100096xi32, #tpu.memory_space<vmem>>[vector<16xi32>], vector<16xi32>, vector<16xi1>
      %eq3A_80 = arith.constant 9 : i32
      %eq3A_81 = vector.broadcast %eq3A_80 : i32 to vector<16xi32>
      %eq3A_82 = arith.cmpi eq, %iota3A, %eq3A_81 : vector<16xi32>
      tpu.vector_store_idx %arg6[%get3A_46], %add3A_53 masked %eq3A_82 : memref<100096xi32, #tpu.memory_space<vmem>>[vector<16xi32>], vector<16xi32>, vector<16xi1>
      %eq3A_83 = arith.constant 10 : i32
      %eq3A_84 = vector.broadcast %eq3A_83 : i32 to vector<16xi32>
      %eq3A_85 = arith.cmpi eq, %iota3A, %eq3A_84 : vector<16xi32>
      tpu.vector_store_idx %arg6[%get3A_46], %add3A_53 masked %eq3A_85 : memref<100096xi32, #tpu.memory_space<vmem>>[vector<16xi32>], vector<16xi32>, vector<16xi1>
      %eq3A_86 = arith.constant 11 : i32
      %eq3A_87 = vector.broadcast %eq3A_86 : i32 to vector<16xi32>
      %eq3A_88 = arith.cmpi eq, %iota3A, %eq3A_87 : vector<16xi32>
      tpu.vector_store_idx %arg6[%get3A_46], %add3A_53 masked %eq3A_88 : memref<100096xi32, #tpu.memory_space<vmem>>[vector<16xi32>], vector<16xi32>, vector<16xi1>
      %eq3A_89 = arith.constant 12 : i32
      %eq3A_90 = vector.broadcast %eq3A_89 : i32 to vector<16xi32>
      %eq3A_91 = arith.cmpi eq, %iota3A, %eq3A_90 : vector<16xi32>
      tpu.vector_store_idx %arg6[%get3A_46], %add3A_53 masked %eq3A_91 : memref<100096xi32, #tpu.memory_space<vmem>>[vector<16xi32>], vector<16xi32>, vector<16xi1>
      %eq3A_92 = arith.constant 13 : i32
      %eq3A_93 = vector.broadcast %eq3A_92 : i32 to vector<16xi32>
      %eq3A_94 = arith.cmpi eq, %iota3A, %eq3A_93 : vector<16xi32>
      tpu.vector_store_idx %arg6[%get3A_46], %add3A_53 masked %eq3A_94 : memref<100096xi32, #tpu.memory_space<vmem>>[vector<16xi32>], vector<16xi32>, vector<16xi1>
      %eq3A_95 = arith.constant 14 : i32
      %eq3A_96 = vector.broadcast %eq3A_95 : i32 to vector<16xi32>
      %eq3A_97 = arith.cmpi eq, %iota3A, %eq3A_96 : vector<16xi32>
      tpu.vector_store_idx %arg6[%get3A_46], %add3A_53 masked %eq3A_97 : memref<100096xi32, #tpu.memory_space<vmem>>[vector<16xi32>], vector<16xi32>, vector<16xi1>
      %eq3A_98 = arith.constant 15 : i32
      %eq3A_99 = vector.broadcast %eq3A_98 : i32 to vector<16xi32>
      %eq3A_100 = arith.cmpi eq, %iota3A, %eq3A_99 : vector<16xi32>
      tpu.vector_store_idx %arg6[%get3A_46], %add3A_53 masked %eq3A_100 : memref<100096xi32, #tpu.memory_space<vmem>>[vector<16xi32>], vector<16xi32>, vector<16xi1>
      %scan3A_101 = arith.constant 0 : i32
      scf.yield %scan3A_101 : i32
    }
    %scan3A_23 = arith.constant 625 : i32
    "tpu.region"() ({
      %run_scoped3A = tpu.sem_alloc : memref<!tpu.dma_semaphore, #tpu.memory_space<semaphore_mem>>
      %dma_start3A_42 = arith.constant 0 : i32
      %dma_start3A_43 = tpu.memref_slice %arg4[%add3A, %dma_start3A_42] : memref<32x100096xi32, #tpu.memory_space<hbm>> -> memref<1x100096xi32, #tpu.memory_space<hbm>>
      %dma_start3A_44 = tpu.memref_squeeze %dma_start3A_43 : memref<1x100096xi32, #tpu.memory_space<hbm>> -> memref<100096xi32, #tpu.memory_space<hbm>>
      %dma_start3A_45 = arith.constant 0 : i32
      %dma_start3A_46 = tpu.memref_slice %arg4[%add3A, %dma_start3A_45] : memref<32x100096xi32, #tpu.memory_space<hbm>> -> memref<1x100096xi32, #tpu.memory_space<hbm>>
      %dma_start3A_47 = tpu.memref_squeeze %dma_start3A_46 : memref<1x100096xi32, #tpu.memory_space<hbm>> -> memref<100096xi32, #tpu.memory_space<hbm>>
      tpu.enqueue_dma source(%arg6 : memref<100096xi32, #tpu.memory_space<vmem>>) target(%dma_start3A_47 : memref<100096xi32, #tpu.memory_space<hbm>>) target_semaphore(%run_scoped3A : memref<!tpu.dma_semaphore, #tpu.memory_space<semaphore_mem>>)
      %dma_wait3A_48 = arith.constant 0 : i32
      %dma_wait3A_49 = tpu.memref_slice %arg4[%add3A, %dma_wait3A_48] : memref<32x100096xi32, #tpu.memory_space<hbm>> -> memref<1x100096xi32, #tpu.memory_space<hbm>>
      %dma_wait3A_50 = tpu.memref_squeeze %dma_wait3A_49 : memref<1x100096xi32, #tpu.memory_space<hbm>> -> memref<100096xi32, #tpu.memory_space<hbm>>
      %dma_wait3A_51 = arith.constant 0 : i32
      %dma_wait3A_52 = tpu.memref_slice %arg4[%add3A, %dma_wait3A_51] : memref<32x100096xi32, #tpu.memory_space<hbm>> -> memref<1x100096xi32, #tpu.memory_space<hbm>>
      %dma_wait3A_53 = tpu.memref_squeeze %dma_wait3A_52 : memref<1x100096xi32, #tpu.memory_space<hbm>> -> memref<100096xi32, #tpu.memory_space<hbm>>
      tpu.wait_dma2 semaphore(%run_scoped3A : memref<!tpu.dma_semaphore, #tpu.memory_space<semaphore_mem>>) src(%arg6 : memref<100096xi32, #tpu.memory_space<vmem>>) dst(%dma_wait3A_53 : memref<100096xi32, #tpu.memory_space<hbm>>)
      tpu.yield
    }) : () -> ()
    %scan3A_24 = arith.constant 0 : i32
    %scan3A_25 = arith.constant 0 : i32
    %scan3A_26 = arith.constant 1564 : i32
    %scan3A_27 = arith.addi %scan3A_25, %scan3A_26 : i32
    %scan3A_28 = arith.constant 1 : i32
    %scan3A_29 = scf.for %scan3A_42 = %scan3A_25 to %scan3A_27 step %scan3A_28 iter_args(%scan3A_43 = %scan3A_24) -> (i32)  : i32 {
      %broadcast_in_dim3A = arith.constant -1 : i32
      %broadcast_in_dim3A_44 = vector.broadcast %broadcast_in_dim3A : i32 to vector<16xi32>
      %mul3A_45 = arith.constant 4 : i32
      %mul3A_46 = arith.muli %mul3A_45, %scan3A_42 : i32
      %add3A_47 = arith.constant 0 : i32
      %add3A_48 = arith.addi %mul3A_46, %add3A_47 : i32
      %mul3A_49 = arith.constant 16 : i32
      %mul3A_50 = arith.muli %add3A_48, %mul3A_49 : i32
      %swap3A = arith.index_cast %mul3A_50 : i32 to index
      %swap3A_51 = tpu.vector_load %arg6[%swap3A] {strides = array<i32>} : memref<100096xi32, #tpu.memory_space<vmem>>, vector<16xi32>,
      tpu.vector_store %arg6[%swap3A], %broadcast_in_dim3A_44 {strides = array<i32>} : memref<100096xi32, #tpu.memory_space<vmem>>, vector<16xi32>,
      %broadcast_in_dim3A_52 = arith.constant -1 : i32
      %broadcast_in_dim3A_53 = vector.broadcast %broadcast_in_dim3A_52 : i32 to vector<16xi32>
      %mul3A_54 = arith.constant 4 : i32
      %mul3A_55 = arith.muli %mul3A_54, %scan3A_42 : i32
      %add3A_56 = arith.constant 1 : i32
      %add3A_57 = arith.addi %mul3A_55, %add3A_56 : i32
      %mul3A_58 = arith.constant 16 : i32
      %mul3A_59 = arith.muli %add3A_57, %mul3A_58 : i32
      %swap3A_60 = arith.index_cast %mul3A_59 : i32 to index
      %swap3A_61 = tpu.vector_load %arg6[%swap3A_60] {strides = array<i32>} : memref<100096xi32, #tpu.memory_space<vmem>>, vector<16xi32>,
      tpu.vector_store %arg6[%swap3A_60], %broadcast_in_dim3A_53 {strides = array<i32>} : memref<100096xi32, #tpu.memory_space<vmem>>, vector<16xi32>,
      %broadcast_in_dim3A_62 = arith.constant -1 : i32
      %broadcast_in_dim3A_63 = vector.broadcast %broadcast_in_dim3A_62 : i32 to vector<16xi32>
      %mul3A_64 = arith.constant 4 : i32
      %mul3A_65 = arith.muli %mul3A_64, %scan3A_42 : i32
      %add3A_66 = arith.constant 2 : i32
      %add3A_67 = arith.addi %mul3A_65, %add3A_66 : i32
      %mul3A_68 = arith.constant 16 : i32
      %mul3A_69 = arith.muli %add3A_67, %mul3A_68 : i32
      %swap3A_70 = arith.index_cast %mul3A_69 : i32 to index
      %swap3A_71 = tpu.vector_load %arg6[%swap3A_70] {strides = array<i32>} : memref<100096xi32, #tpu.memory_space<vmem>>, vector<16xi32>,
      tpu.vector_store %arg6[%swap3A_70], %broadcast_in_dim3A_63 {strides = array<i32>} : memref<100096xi32, #tpu.memory_space<vmem>>, vector<16xi32>,
      %broadcast_in_dim3A_72 = arith.constant -1 : i32
      %broadcast_in_dim3A_73 = vector.broadcast %broadcast_in_dim3A_72 : i32 to vector<16xi32>
      %mul3A_74 = arith.constant 4 : i32
      %mul3A_75 = arith.muli %mul3A_74, %scan3A_42 : i32
      %add3A_76 = arith.constant 3 : i32
      %add3A_77 = arith.addi %mul3A_75, %add3A_76 : i32
      %mul3A_78 = arith.constant 16 : i32
      %mul3A_79 = arith.muli %add3A_77, %mul3A_78 : i32
      %swap3A_80 = arith.index_cast %mul3A_79 : i32 to index
      %swap3A_81 = tpu.vector_load %arg6[%swap3A_80] {strides = array<i32>} : memref<100096xi32, #tpu.memory_space<vmem>>, vector<16xi32>,
      tpu.vector_store %arg6[%swap3A_80], %broadcast_in_dim3A_73 {strides = array<i32>} : memref<100096xi32, #tpu.memory_space<vmem>>, vector<16xi32>,
      %scan3A_82 = arith.constant 0 : i32
      scf.yield %scan3A_82 : i32
    }
    %scan3A_30 = arith.constant 1564 : i32
    %dma_wait3A_31 = arith.constant 0 : i32
    %dma_wait3A_32 = tpu.memref_slice %arg3[%dma_wait3A_31] : memref<320000xi32, #tpu.memory_space<hbm>> -> memref<10000xi32, #tpu.memory_space<hbm>>
    %dma_wait3A_33 = arith.constant 0 : i32
    %dma_wait3A_34 = tpu.memref_slice %arg3[%dma_wait3A_33] : memref<320000xi32, #tpu.memory_space<hbm>> -> memref<10000xi32, #tpu.memory_space<hbm>>
    tpu.wait_dma2 semaphore(%arg10 : memref<!tpu.dma_semaphore, #tpu.memory_space<semaphore_mem>>) src(%dma_wait3A_34 : memref<10000xi32, #tpu.memory_space<hbm>>) dst(%arg8 : memref<10000xi32, #tpu.memory_space<vmem>>)
    %scan3A_35 = arith.constant 0 : i32
    %scan3A_36 = arith.constant 0 : i32
    %scan3A_37 = arith.constant 625 : i32
    %scan3A_38 = arith.addi %scan3A_36, %scan3A_37 : i32
    %scan3A_39 = arith.constant 1 : i32
    %scan3A_40 = scf.for %scan3A_42 = %scan3A_36 to %scan3A_38 step %scan3A_39 iter_args(%scan3A_43 = %scan3A_35) -> (i32)  : i32 {
      %mul3A_44 = arith.constant 16 : i32
      %mul3A_45 = arith.muli %scan3A_42, %mul3A_44 : i32
      %get3A = arith.index_cast %mul3A_45 : i32 to index
      %get3A_46 = tpu.vector_load %arg8[%get3A] {strides = array<i32>} : memref<10000xi32, #tpu.memory_space<vmem>>, vector<16xi32>,
      %mul3A_47 = arith.constant 10000 : i32
      %mul3A_48 = arith.muli %add3A, %mul3A_47 : i32
      %mul3A_49 = arith.constant 16 : i32
      %mul3A_50 = arith.muli %scan3A_42, %mul3A_49 : i32
      %add3A_51 = arith.addi %mul3A_48, %mul3A_50 : i32
      %add3A_52 = vector.broadcast %add3A_51 : i32 to vector<16xi32>
      %add3A_53 = arith.addi %add3A_52, %iota3A : vector<16xi32>
      %eq3A = arith.constant 0 : i32
      %eq3A_54 = vector.broadcast %eq3A : i32 to vector<16xi32>
      %eq3A_55 = arith.cmpi eq, %iota3A, %eq3A_54 : vector<16xi32>
      tpu.vector_store_idx %arg6[%get3A_46], %add3A_53 masked %eq3A_55 : memref<100096xi32, #tpu.memory_space<vmem>>[vector<16xi32>], vector<16xi32>, vector<16xi1>
      %eq3A_56 = arith.constant 1 : i32
      %eq3A_57 = vector.broadcast %eq3A_56 : i32 to vector<16xi32>
      %eq3A_58 = arith.cmpi eq, %iota3A, %eq3A_57 : vector<16xi32>
      tpu.vector_store_idx %arg6[%get3A_46], %add3A_53 masked %eq3A_58 : memref<100096xi32, #tpu.memory_space<vmem>>[vector<16xi32>], vector<16xi32>, vector<16xi1>
      %eq3A_59 = arith.constant 2 : i32
      %eq3A_60 = vector.broadcast %eq3A_59 : i32 to vector<16xi32>
      %eq3A_61 = arith.cmpi eq, %iota3A, %eq3A_60 : vector<16xi32>
      tpu.vector_store_idx %arg6[%get3A_46], %add3A_53 masked %eq3A_61 : memref<100096xi32, #tpu.memory_space<vmem>>[vector<16xi32>], vector<16xi32>, vector<16xi1>
      %eq3A_62 = arith.constant 3 : i32
      %eq3A_63 = vector.broadcast %eq3A_62 : i32 to vector<16xi32>
      %eq3A_64 = arith.cmpi eq, %iota3A, %eq3A_63 : vector<16xi32>
      tpu.vector_store_idx %arg6[%get3A_46], %add3A_53 masked %eq3A_64 : memref<100096xi32, #tpu.memory_space<vmem>>[vector<16xi32>], vector<16xi32>, vector<16xi1>
      %eq3A_65 = arith.constant 4 : i32
      %eq3A_66 = vector.broadcast %eq3A_65 : i32 to vector<16xi32>
      %eq3A_67 = arith.cmpi eq, %iota3A, %eq3A_66 : vector<16xi32>
      tpu.vector_store_idx %arg6[%get3A_46], %add3A_53 masked %eq3A_67 : memref<100096xi32, #tpu.memory_space<vmem>>[vector<16xi32>], vector<16xi32>, vector<16xi1>
      %eq3A_68 = arith.constant 5 : i32
      %eq3A_69 = vector.broadcast %eq3A_68 : i32 to vector<16xi32>
      %eq3A_70 = arith.cmpi eq, %iota3A, %eq3A_69 : vector<16xi32>
      tpu.vector_store_idx %arg6[%get3A_46], %add3A_53 masked %eq3A_70 : memref<100096xi32, #tpu.memory_space<vmem>>[vector<16xi32>], vector<16xi32>, vector<16xi1>
      %eq3A_71 = arith.constant 6 : i32
      %eq3A_72 = vector.broadcast %eq3A_71 : i32 to vector<16xi32>
      %eq3A_73 = arith.cmpi eq, %iota3A, %eq3A_72 : vector<16xi32>
      tpu.vector_store_idx %arg6[%get3A_46], %add3A_53 masked %eq3A_73 : memref<100096xi32, #tpu.memory_space<vmem>>[vector<16xi32>], vector<16xi32>, vector<16xi1>
      %eq3A_74 = arith.constant 7 : i32
      %eq3A_75 = vector.broadcast %eq3A_74 : i32 to vector<16xi32>
      %eq3A_76 = arith.cmpi eq, %iota3A, %eq3A_75 : vector<16xi32>
      tpu.vector_store_idx %arg6[%get3A_46], %add3A_53 masked %eq3A_76 : memref<100096xi32, #tpu.memory_space<vmem>>[vector<16xi32>], vector<16xi32>, vector<16xi1>
      %eq3A_77 = arith.constant 8 : i32
      %eq3A_78 = vector.broadcast %eq3A_77 : i32 to vector<16xi32>
      %eq3A_79 = arith.cmpi eq, %iota3A, %eq3A_78 : vector<16xi32>
      tpu.vector_store_idx %arg6[%get3A_46], %add3A_53 masked %eq3A_79 : memref<100096xi32, #tpu.memory_space<vmem>>[vector<16xi32>], vector<16xi32>, vector<16xi1>
      %eq3A_80 = arith.constant 9 : i32
      %eq3A_81 = vector.broadcast %eq3A_80 : i32 to vector<16xi32>
      %eq3A_82 = arith.cmpi eq, %iota3A, %eq3A_81 : vector<16xi32>
      tpu.vector_store_idx %arg6[%get3A_46], %add3A_53 masked %eq3A_82 : memref<100096xi32, #tpu.memory_space<vmem>>[vector<16xi32>], vector<16xi32>, vector<16xi1>
      %eq3A_83 = arith.constant 10 : i32
      %eq3A_84 = vector.broadcast %eq3A_83 : i32 to vector<16xi32>
      %eq3A_85 = arith.cmpi eq, %iota3A, %eq3A_84 : vector<16xi32>
      tpu.vector_store_idx %arg6[%get3A_46], %add3A_53 masked %eq3A_85 : memref<100096xi32, #tpu.memory_space<vmem>>[vector<16xi32>], vector<16xi32>, vector<16xi1>
      %eq3A_86 = arith.constant 11 : i32
      %eq3A_87 = vector.broadcast %eq3A_86 : i32 to vector<16xi32>
      %eq3A_88 = arith.cmpi eq, %iota3A, %eq3A_87 : vector<16xi32>
      tpu.vector_store_idx %arg6[%get3A_46], %add3A_53 masked %eq3A_88 : memref<100096xi32, #tpu.memory_space<vmem>>[vector<16xi32>], vector<16xi32>, vector<16xi1>
      %eq3A_89 = arith.constant 12 : i32
      %eq3A_90 = vector.broadcast %eq3A_89 : i32 to vector<16xi32>
      %eq3A_91 = arith.cmpi eq, %iota3A, %eq3A_90 : vector<16xi32>
      tpu.vector_store_idx %arg6[%get3A_46], %add3A_53 masked %eq3A_91 : memref<100096xi32, #tpu.memory_space<vmem>>[vector<16xi32>], vector<16xi32>, vector<16xi1>
      %eq3A_92 = arith.constant 13 : i32
      %eq3A_93 = vector.broadcast %eq3A_92 : i32 to vector<16xi32>
      %eq3A_94 = arith.cmpi eq, %iota3A, %eq3A_93 : vector<16xi32>
      tpu.vector_store_idx %arg6[%get3A_46], %add3A_53 masked %eq3A_94 : memref<100096xi32, #tpu.memory_space<vmem>>[vector<16xi32>], vector<16xi32>, vector<16xi1>
      %eq3A_95 = arith.constant 14 : i32
      %eq3A_96 = vector.broadcast %eq3A_95 : i32 to vector<16xi32>
      %eq3A_97 = arith.cmpi eq, %iota3A, %eq3A_96 : vector<16xi32>
      tpu.vector_store_idx %arg6[%get3A_46], %add3A_53 masked %eq3A_97 : memref<100096xi32, #tpu.memory_space<vmem>>[vector<16xi32>], vector<16xi32>, vector<16xi1>
      %eq3A_98 = arith.constant 15 : i32
      %eq3A_99 = vector.broadcast %eq3A_98 : i32 to vector<16xi32>
      %eq3A_100 = arith.cmpi eq, %iota3A, %eq3A_99 : vector<16xi32>
      tpu.vector_store_idx %arg6[%get3A_46], %add3A_53 masked %eq3A_100 : memref<100096xi32, #tpu.memory_space<vmem>>[vector<16xi32>], vector<16xi32>, vector<16xi1>
      %scan3A_101 = arith.constant 0 : i32
      scf.yield %scan3A_101 : i32
    }
    %scan3A_41 = arith.constant 625 : i32
    "tpu.region"() ({
      %run_scoped3A = tpu.sem_alloc : memref<!tpu.dma_semaphore, #tpu.memory_space<semaphore_mem>>
      %dma_start3A_42 = arith.constant 0 : i32
      %dma_start3A_43 = tpu.memref_slice %arg5[%add3A, %dma_start3A_42] : memref<32x100096xi32, #tpu.memory_space<hbm>> -> memref<1x100096xi32, #tpu.memory_space<hbm>>
      %dma_start3A_44 = tpu.memref_squeeze %dma_start3A_43 : memref<1x100096xi32, #tpu.memory_space<hbm>> -> memref<100096xi32, #tpu.memory_space<hbm>>
      %dma_start3A_45 = arith.constant 0 : i32
      %dma_start3A_46 = tpu.memref_slice %arg5[%add3A, %dma_start3A_45] : memref<32x100096xi32, #tpu.memory_space<hbm>> -> memref<1x100096xi32, #tpu.memory_space<hbm>>
      %dma_start3A_47 = tpu.memref_squeeze %dma_start3A_46 : memref<1x100096xi32, #tpu.memory_space<hbm>> -> memref<100096xi32, #tpu.memory_space<hbm>>
      tpu.enqueue_dma source(%arg6 : memref<100096xi32, #tpu.memory_space<vmem>>) target(%dma_start3A_47 : memref<100096xi32, #tpu.memory_space<hbm>>) target_semaphore(%run_scoped3A : memref<!tpu.dma_semaphore, #tpu.memory_space<semaphore_mem>>)
      %dma_wait3A_48 = arith.constant 0 : i32
      %dma_wait3A_49 = tpu.memref_slice %arg5[%add3A, %dma_wait3A_48] : memref<32x100096xi32, #tpu.memory_space<hbm>> -> memref<1x100096xi32, #tpu.memory_space<hbm>>
      %dma_wait3A_50 = tpu.memref_squeeze %dma_wait3A_49 : memref<1x100096xi32, #tpu.memory_space<hbm>> -> memref<100096xi32, #tpu.memory_space<hbm>>
      %dma_wait3A_51 = arith.constant 0 : i32
      %dma_wait3A_52 = tpu.memref_slice %arg5[%add3A, %dma_wait3A_51] : memref<32x100096xi32, #tpu.memory_space<hbm>> -> memref<1x100096xi32, #tpu.memory_space<hbm>>
      %dma_wait3A_53 = tpu.memref_squeeze %dma_wait3A_52 : memref<1x100096xi32, #tpu.memory_space<hbm>> -> memref<100096xi32, #tpu.memory_space<hbm>>
      tpu.wait_dma2 semaphore(%run_scoped3A : memref<!tpu.dma_semaphore, #tpu.memory_space<semaphore_mem>>) src(%arg6 : memref<100096xi32, #tpu.memory_space<vmem>>) dst(%dma_wait3A_53 : memref<100096xi32, #tpu.memory_space<hbm>>)
      tpu.yield
    }) : () -> ()
    return
  }
}

#map = affine_map<(d0, d1) -> (0, 0)>
#map1 = affine_map<(d0, d1) -> (0)>
module attributes {stable_mosaic.version = 14 : i64} {
  func.func @k(%arg0: i32, %arg1: i32, %arg2: memref<100096x128xi32, #tpu.memory_space<hbm>>, %arg3: memref<100096x128xi32, #tpu.memory_space<hbm>>, %arg4: memref<320000xi32, #tpu.memory_space<hbm>>, %arg5: memref<320000xi32, #tpu.memory_space<hbm>>, %arg6: memref<320000x128xi32, #tpu.memory_space<hbm>>, %arg7: memref<320000x128xi32, #tpu.memory_space<hbm>>, %arg8: memref<10000xi32, #tpu.memory_space<vmem>>, %arg9: memref<10000xi32, #tpu.memory_space<vmem>>, %arg10: memref<200x128xi32, #tpu.memory_space<vmem>>, %arg11: memref<200x128xi32, #tpu.memory_space<vmem>>, %arg12: memref<200x128xi32, #tpu.memory_space<vmem>>, %arg13: memref<200x128xi32, #tpu.memory_space<vmem>>, %arg14: memref<!tpu.dma_semaphore, #tpu.memory_space<semaphore_mem>>, %arg15: memref<!tpu.dma_semaphore, #tpu.memory_space<semaphore_mem>>, %arg16: memref<!tpu.dma_semaphore, #tpu.memory_space<semaphore_mem>>, %arg17: memref<!tpu.dma_semaphore, #tpu.memory_space<semaphore_mem>>) attributes {dimension_semantics = [#tpu.dimension_semantics<core_parallel>, #tpu.dimension_semantics<subcore_parallel>], iteration_bounds = array<i64: 2, 16>, scalar_prefetch = 0 : i64, scratch_operands = 10 : i64, tpu.core_type = #tpu.core_type<sc_vector_subcore>, window_params = [{transform_indices = #map}, {transform_indices = #map}, {transform_indices = #map1}, {transform_indices = #map1}, {transform_indices = #map}, {transform_indices = #map}]} {
    %mul3A = arith.constant 2 : i32
    %mul3A_0 = arith.muli %arg1, %mul3A : i32
    %add3A = arith.addi %mul3A_0, %arg0 : i32
    %mul3A_1 = arith.constant 10000 : i32
    %mul3A_2 = arith.muli %add3A, %mul3A_1 : i32
    "tpu.region"() ({
      %run_scoped3A = tpu.sem_alloc : memref<!tpu.dma_semaphore, #tpu.memory_space<semaphore_mem>>
      %dma_start3A_59 = tpu.memref_slice %arg4[%mul3A_2] : memref<320000xi32, #tpu.memory_space<hbm>> -> memref<10000xi32, #tpu.memory_space<hbm>>
      %dma_start3A_60 = tpu.memref_slice %arg4[%mul3A_2] : memref<320000xi32, #tpu.memory_space<hbm>> -> memref<10000xi32, #tpu.memory_space<hbm>>
      tpu.enqueue_dma source(%dma_start3A_60 : memref<10000xi32, #tpu.memory_space<hbm>>) target(%arg8 : memref<10000xi32, #tpu.memory_space<vmem>>) target_semaphore(%run_scoped3A : memref<!tpu.dma_semaphore, #tpu.memory_space<semaphore_mem>>)
      %dma_wait3A_61 = tpu.memref_slice %arg4[%mul3A_2] : memref<320000xi32, #tpu.memory_space<hbm>> -> memref<10000xi32, #tpu.memory_space<hbm>>
      %dma_wait3A_62 = tpu.memref_slice %arg4[%mul3A_2] : memref<320000xi32, #tpu.memory_space<hbm>> -> memref<10000xi32, #tpu.memory_space<hbm>>
      tpu.wait_dma2 semaphore(%run_scoped3A : memref<!tpu.dma_semaphore, #tpu.memory_space<semaphore_mem>>) src(%dma_wait3A_62 : memref<10000xi32, #tpu.memory_space<hbm>>) dst(%arg8 : memref<10000xi32, #tpu.memory_space<vmem>>)
      tpu.yield
    }) : () -> ()
    "tpu.region"() ({
      %run_scoped3A = tpu.sem_alloc : memref<!tpu.dma_semaphore, #tpu.memory_space<semaphore_mem>>
      %dma_start3A_59 = tpu.memref_slice %arg5[%mul3A_2] : memref<320000xi32, #tpu.memory_space<hbm>> -> memref<10000xi32, #tpu.memory_space<hbm>>
      %dma_start3A_60 = tpu.memref_slice %arg5[%mul3A_2] : memref<320000xi32, #tpu.memory_space<hbm>> -> memref<10000xi32, #tpu.memory_space<hbm>>
      tpu.enqueue_dma source(%dma_start3A_60 : memref<10000xi32, #tpu.memory_space<hbm>>) target(%arg9 : memref<10000xi32, #tpu.memory_space<vmem>>) target_semaphore(%run_scoped3A : memref<!tpu.dma_semaphore, #tpu.memory_space<semaphore_mem>>)
      %dma_wait3A_61 = tpu.memref_slice %arg5[%mul3A_2] : memref<320000xi32, #tpu.memory_space<hbm>> -> memref<10000xi32, #tpu.memory_space<hbm>>
      %dma_wait3A_62 = tpu.memref_slice %arg5[%mul3A_2] : memref<320000xi32, #tpu.memory_space<hbm>> -> memref<10000xi32, #tpu.memory_space<hbm>>
      tpu.wait_dma2 semaphore(%run_scoped3A : memref<!tpu.dma_semaphore, #tpu.memory_space<semaphore_mem>>) src(%dma_wait3A_62 : memref<10000xi32, #tpu.memory_space<hbm>>) dst(%arg9 : memref<10000xi32, #tpu.memory_space<vmem>>)
      tpu.yield
    }) : () -> ()
    %dma_start3A = arith.constant 0 : i32
    %dma_start3A_3 = tpu.memref_slice %arg8[%dma_start3A] : memref<10000xi32, #tpu.memory_space<vmem>> -> memref<200xi32, #tpu.memory_space<vmem>>
    %dma_start3A_4 = arith.constant 0 : i32
    %dma_start3A_5 = arith.constant 0 : i32
    %dma_start3A_6 = tpu.memref_slice %arg2[%dma_start3A_4, %dma_start3A_5] : memref<100096x128xi32, #tpu.memory_space<hbm>> -> memref<100096x128xi32, #tpu.memory_space<hbm>>
    tpu.enqueue_indirect_dma source(%dma_start3A_6 : memref<100096x128xi32, #tpu.memory_space<hbm>>) target(%arg10 : memref<200x128xi32, #tpu.memory_space<vmem>>) offsets(%dma_start3A_3 : memref<200xi32, #tpu.memory_space<vmem>>) semaphore(%arg14 : memref<!tpu.dma_semaphore, #tpu.memory_space<semaphore_mem>>)
    %dma_start3A_7 = arith.constant 200 : i32
    %dma_start3A_8 = tpu.memref_slice %arg8[%dma_start3A_7] : memref<10000xi32, #tpu.memory_space<vmem>> -> memref<200xi32, #tpu.memory_space<vmem>>
    %dma_start3A_9 = arith.constant 0 : i32
    %dma_start3A_10 = arith.constant 0 : i32
    %dma_start3A_11 = tpu.memref_slice %arg2[%dma_start3A_9, %dma_start3A_10] : memref<100096x128xi32, #tpu.memory_space<hbm>> -> memref<100096x128xi32, #tpu.memory_space<hbm>>
    tpu.enqueue_indirect_dma source(%dma_start3A_11 : memref<100096x128xi32, #tpu.memory_space<hbm>>) target(%arg11 : memref<200x128xi32, #tpu.memory_space<vmem>>) offsets(%dma_start3A_8 : memref<200xi32, #tpu.memory_space<vmem>>) semaphore(%arg15 : memref<!tpu.dma_semaphore, #tpu.memory_space<semaphore_mem>>)
    %dma_start3A_12 = arith.constant 0 : i32
    %dma_start3A_13 = tpu.memref_slice %arg9[%dma_start3A_12] : memref<10000xi32, #tpu.memory_space<vmem>> -> memref<200xi32, #tpu.memory_space<vmem>>
    %dma_start3A_14 = arith.constant 0 : i32
    %dma_start3A_15 = arith.constant 0 : i32
    %dma_start3A_16 = tpu.memref_slice %arg3[%dma_start3A_14, %dma_start3A_15] : memref<100096x128xi32, #tpu.memory_space<hbm>> -> memref<100096x128xi32, #tpu.memory_space<hbm>>
    tpu.enqueue_indirect_dma source(%dma_start3A_16 : memref<100096x128xi32, #tpu.memory_space<hbm>>) target(%arg12 : memref<200x128xi32, #tpu.memory_space<vmem>>) offsets(%dma_start3A_13 : memref<200xi32, #tpu.memory_space<vmem>>) semaphore(%arg16 : memref<!tpu.dma_semaphore, #tpu.memory_space<semaphore_mem>>)
    %dma_start3A_17 = arith.constant 200 : i32
    %dma_start3A_18 = tpu.memref_slice %arg9[%dma_start3A_17] : memref<10000xi32, #tpu.memory_space<vmem>> -> memref<200xi32, #tpu.memory_space<vmem>>
    %dma_start3A_19 = arith.constant 0 : i32
    %dma_start3A_20 = arith.constant 0 : i32
    %dma_start3A_21 = tpu.memref_slice %arg3[%dma_start3A_19, %dma_start3A_20] : memref<100096x128xi32, #tpu.memory_space<hbm>> -> memref<100096x128xi32, #tpu.memory_space<hbm>>
    tpu.enqueue_indirect_dma source(%dma_start3A_21 : memref<100096x128xi32, #tpu.memory_space<hbm>>) target(%arg13 : memref<200x128xi32, #tpu.memory_space<vmem>>) offsets(%dma_start3A_18 : memref<200xi32, #tpu.memory_space<vmem>>) semaphore(%arg17 : memref<!tpu.dma_semaphore, #tpu.memory_space<semaphore_mem>>)
    %scan3A = arith.constant 0 : i32
    %scan3A_22 = arith.constant 0 : i32
    %scan3A_23 = arith.constant 24 : i32
    %scan3A_24 = arith.addi %scan3A_22, %scan3A_23 : i32
    %scan3A_25 = arith.constant 1 : i32
    %scan3A_26 = scf.for %scan3A_59 = %scan3A_22 to %scan3A_24 step %scan3A_25 iter_args(%scan3A_60 = %scan3A) -> (i32)  : i32 {
      %mul3A_61 = arith.constant 2 : i32
      %mul3A_62 = arith.muli %mul3A_61, %scan3A_59 : i32
      %dma_wait3A_63 = arith.constant 0 : i32
      %dma_wait3A_64 = arith.constant 0 : i32
      %dma_wait3A_65 = tpu.memref_slice %arg2[%dma_wait3A_63, %dma_wait3A_64] : memref<100096x128xi32, #tpu.memory_space<hbm>> -> memref<200x128xi32, #tpu.memory_space<hbm>>
      %dma_wait3A_66 = arith.constant 0 : i32
      %dma_wait3A_67 = arith.constant 0 : i32
      %dma_wait3A_68 = tpu.memref_slice %arg2[%dma_wait3A_66, %dma_wait3A_67] : memref<100096x128xi32, #tpu.memory_space<hbm>> -> memref<200x128xi32, #tpu.memory_space<hbm>>
      tpu.wait_dma2 semaphore(%arg14 : memref<!tpu.dma_semaphore, #tpu.memory_space<semaphore_mem>>) src(%dma_wait3A_68 : memref<200x128xi32, #tpu.memory_space<hbm>>) dst(%arg10 : memref<200x128xi32, #tpu.memory_space<vmem>>)
      %mul3A_69 = arith.constant 200 : i32
      %mul3A_70 = arith.muli %mul3A_62, %mul3A_69 : i32
      %add3A_71 = arith.addi %mul3A_2, %mul3A_70 : i32
      "tpu.region"() ({
        %run_scoped3A = tpu.sem_alloc : memref<!tpu.dma_semaphore, #tpu.memory_space<semaphore_mem>>
        %dma_start3A_136 = arith.constant 0 : i32
        %dma_start3A_137 = tpu.memref_slice %arg6[%add3A_71, %dma_start3A_136] : memref<320000x128xi32, #tpu.memory_space<hbm>> -> memref<200x128xi32, #tpu.memory_space<hbm>>
        %dma_start3A_138 = arith.constant 0 : i32
        %dma_start3A_139 = tpu.memref_slice %arg6[%add3A_71, %dma_start3A_138] : memref<320000x128xi32, #tpu.memory_space<hbm>> -> memref<200x128xi32, #tpu.memory_space<hbm>>
        tpu.enqueue_dma source(%arg10 : memref<200x128xi32, #tpu.memory_space<vmem>>) target(%dma_start3A_139 : memref<200x128xi32, #tpu.memory_space<hbm>>) target_semaphore(%run_scoped3A : memref<!tpu.dma_semaphore, #tpu.memory_space<semaphore_mem>>)
        %dma_wait3A_140 = arith.constant 0 : i32
        %dma_wait3A_141 = tpu.memref_slice %arg6[%add3A_71, %dma_wait3A_140] : memref<320000x128xi32, #tpu.memory_space<hbm>> -> memref<200x128xi32, #tpu.memory_space<hbm>>
        %dma_wait3A_142 = arith.constant 0 : i32
        %dma_wait3A_143 = tpu.memref_slice %arg6[%add3A_71, %dma_wait3A_142] : memref<320000x128xi32, #tpu.memory_space<hbm>> -> memref<200x128xi32, #tpu.memory_space<hbm>>
        tpu.wait_dma2 semaphore(%run_scoped3A : memref<!tpu.dma_semaphore, #tpu.memory_space<semaphore_mem>>) src(%arg10 : memref<200x128xi32, #tpu.memory_space<vmem>>) dst(%dma_wait3A_143 : memref<200x128xi32, #tpu.memory_space<hbm>>)
        tpu.yield
      }) : () -> ()
      %add3A_72 = arith.constant 2 : i32
      %add3A_73 = arith.addi %mul3A_62, %add3A_72 : i32
      %mul3A_74 = arith.constant 200 : i32
      %mul3A_75 = arith.muli %add3A_73, %mul3A_74 : i32
      %dma_start3A_76 = tpu.memref_slice %arg8[%mul3A_75] : memref<10000xi32, #tpu.memory_space<vmem>> -> memref<200xi32, #tpu.memory_space<vmem>>
      %dma_start3A_77 = arith.constant 0 : i32
      %dma_start3A_78 = arith.constant 0 : i32
      %dma_start3A_79 = tpu.memref_slice %arg2[%dma_start3A_77, %dma_start3A_78] : memref<100096x128xi32, #tpu.memory_space<hbm>> -> memref<100096x128xi32, #tpu.memory_space<hbm>>
      tpu.enqueue_indirect_dma source(%dma_start3A_79 : memref<100096x128xi32, #tpu.memory_space<hbm>>) target(%arg10 : memref<200x128xi32, #tpu.memory_space<vmem>>) offsets(%dma_start3A_76 : memref<200xi32, #tpu.memory_space<vmem>>) semaphore(%arg14 : memref<!tpu.dma_semaphore, #tpu.memory_space<semaphore_mem>>)
      %dma_wait3A_80 = arith.constant 0 : i32
      %dma_wait3A_81 = arith.constant 0 : i32
      %dma_wait3A_82 = tpu.memref_slice %arg2[%dma_wait3A_80, %dma_wait3A_81] : memref<100096x128xi32, #tpu.memory_space<hbm>> -> memref<200x128xi32, #tpu.memory_space<hbm>>
      %dma_wait3A_83 = arith.constant 0 : i32
      %dma_wait3A_84 = arith.constant 0 : i32
      %dma_wait3A_85 = tpu.memref_slice %arg2[%dma_wait3A_83, %dma_wait3A_84] : memref<100096x128xi32, #tpu.memory_space<hbm>> -> memref<200x128xi32, #tpu.memory_space<hbm>>
      tpu.wait_dma2 semaphore(%arg15 : memref<!tpu.dma_semaphore, #tpu.memory_space<semaphore_mem>>) src(%dma_wait3A_85 : memref<200x128xi32, #tpu.memory_space<hbm>>) dst(%arg11 : memref<200x128xi32, #tpu.memory_space<vmem>>)
      %add3A_86 = arith.constant 1 : i32
      %add3A_87 = arith.addi %mul3A_62, %add3A_86 : i32
      %mul3A_88 = arith.constant 200 : i32
      %mul3A_89 = arith.muli %add3A_87, %mul3A_88 : i32
      %add3A_90 = arith.addi %mul3A_2, %mul3A_89 : i32
      "tpu.region"() ({
        %run_scoped3A = tpu.sem_alloc : memref<!tpu.dma_semaphore, #tpu.memory_space<semaphore_mem>>
        %dma_start3A_136 = arith.constant 0 : i32
        %dma_start3A_137 = tpu.memref_slice %arg6[%add3A_90, %dma_start3A_136] : memref<320000x128xi32, #tpu.memory_space<hbm>> -> memref<200x128xi32, #tpu.memory_space<hbm>>
        %dma_start3A_138 = arith.constant 0 : i32
        %dma_start3A_139 = tpu.memref_slice %arg6[%add3A_90, %dma_start3A_138] : memref<320000x128xi32, #tpu.memory_space<hbm>> -> memref<200x128xi32, #tpu.memory_space<hbm>>
        tpu.enqueue_dma source(%arg11 : memref<200x128xi32, #tpu.memory_space<vmem>>) target(%dma_start3A_139 : memref<200x128xi32, #tpu.memory_space<hbm>>) target_semaphore(%run_scoped3A : memref<!tpu.dma_semaphore, #tpu.memory_space<semaphore_mem>>)
        %dma_wait3A_140 = arith.constant 0 : i32
        %dma_wait3A_141 = tpu.memref_slice %arg6[%add3A_90, %dma_wait3A_140] : memref<320000x128xi32, #tpu.memory_space<hbm>> -> memref<200x128xi32, #tpu.memory_space<hbm>>
        %dma_wait3A_142 = arith.constant 0 : i32
        %dma_wait3A_143 = tpu.memref_slice %arg6[%add3A_90, %dma_wait3A_142] : memref<320000x128xi32, #tpu.memory_space<hbm>> -> memref<200x128xi32, #tpu.memory_space<hbm>>
        tpu.wait_dma2 semaphore(%run_scoped3A : memref<!tpu.dma_semaphore, #tpu.memory_space<semaphore_mem>>) src(%arg11 : memref<200x128xi32, #tpu.memory_space<vmem>>) dst(%dma_wait3A_143 : memref<200x128xi32, #tpu.memory_space<hbm>>)
        tpu.yield
      }) : () -> ()
      %add3A_91 = arith.constant 3 : i32
      %add3A_92 = arith.addi %mul3A_62, %add3A_91 : i32
      %mul3A_93 = arith.constant 200 : i32
      %mul3A_94 = arith.muli %add3A_92, %mul3A_93 : i32
      %dma_start3A_95 = tpu.memref_slice %arg8[%mul3A_94] : memref<10000xi32, #tpu.memory_space<vmem>> -> memref<200xi32, #tpu.memory_space<vmem>>
      %dma_start3A_96 = arith.constant 0 : i32
      %dma_start3A_97 = arith.constant 0 : i32
      %dma_start3A_98 = tpu.memref_slice %arg2[%dma_start3A_96, %dma_start3A_97] : memref<100096x128xi32, #tpu.memory_space<hbm>> -> memref<100096x128xi32, #tpu.memory_space<hbm>>
      tpu.enqueue_indirect_dma source(%dma_start3A_98 : memref<100096x128xi32, #tpu.memory_space<hbm>>) target(%arg11 : memref<200x128xi32, #tpu.memory_space<vmem>>) offsets(%dma_start3A_95 : memref<200xi32, #tpu.memory_space<vmem>>) semaphore(%arg15 : memref<!tpu.dma_semaphore, #tpu.memory_space<semaphore_mem>>)
      %dma_wait3A_99 = arith.constant 0 : i32
      %dma_wait3A_100 = arith.constant 0 : i32
      %dma_wait3A_101 = tpu.memref_slice %arg3[%dma_wait3A_99, %dma_wait3A_100] : memref<100096x128xi32, #tpu.memory_space<hbm>> -> memref<200x128xi32, #tpu.memory_space<hbm>>
      %dma_wait3A_102 = arith.constant 0 : i32
      %dma_wait3A_103 = arith.constant 0 : i32
      %dma_wait3A_104 = tpu.memref_slice %arg3[%dma_wait3A_102, %dma_wait3A_103] : memref<100096x128xi32, #tpu.memory_space<hbm>> -> memref<200x128xi32, #tpu.memory_space<hbm>>
      tpu.wait_dma2 semaphore(%arg16 : memref<!tpu.dma_semaphore, #tpu.memory_space<semaphore_mem>>) src(%dma_wait3A_104 : memref<200x128xi32, #tpu.memory_space<hbm>>) dst(%arg12 : memref<200x128xi32, #tpu.memory_space<vmem>>)
      %mul3A_105 = arith.constant 200 : i32
      %mul3A_106 = arith.muli %mul3A_62, %mul3A_105 : i32
      %add3A_107 = arith.addi %mul3A_2, %mul3A_106 : i32
      "tpu.region"() ({
        %run_scoped3A = tpu.sem_alloc : memref<!tpu.dma_semaphore, #tpu.memory_space<semaphore_mem>>
        %dma_start3A_136 = arith.constant 0 : i32
        %dma_start3A_137 = tpu.memref_slice %arg7[%add3A_107, %dma_start3A_136] : memref<320000x128xi32, #tpu.memory_space<hbm>> -> memref<200x128xi32, #tpu.memory_space<hbm>>
        %dma_start3A_138 = arith.constant 0 : i32
        %dma_start3A_139 = tpu.memref_slice %arg7[%add3A_107, %dma_start3A_138] : memref<320000x128xi32, #tpu.memory_space<hbm>> -> memref<200x128xi32, #tpu.memory_space<hbm>>
        tpu.enqueue_dma source(%arg12 : memref<200x128xi32, #tpu.memory_space<vmem>>) target(%dma_start3A_139 : memref<200x128xi32, #tpu.memory_space<hbm>>) target_semaphore(%run_scoped3A : memref<!tpu.dma_semaphore, #tpu.memory_space<semaphore_mem>>)
        %dma_wait3A_140 = arith.constant 0 : i32
        %dma_wait3A_141 = tpu.memref_slice %arg7[%add3A_107, %dma_wait3A_140] : memref<320000x128xi32, #tpu.memory_space<hbm>> -> memref<200x128xi32, #tpu.memory_space<hbm>>
        %dma_wait3A_142 = arith.constant 0 : i32
        %dma_wait3A_143 = tpu.memref_slice %arg7[%add3A_107, %dma_wait3A_142] : memref<320000x128xi32, #tpu.memory_space<hbm>> -> memref<200x128xi32, #tpu.memory_space<hbm>>
        tpu.wait_dma2 semaphore(%run_scoped3A : memref<!tpu.dma_semaphore, #tpu.memory_space<semaphore_mem>>) src(%arg12 : memref<200x128xi32, #tpu.memory_space<vmem>>) dst(%dma_wait3A_143 : memref<200x128xi32, #tpu.memory_space<hbm>>)
        tpu.yield
      }) : () -> ()
      %add3A_108 = arith.constant 2 : i32
      %add3A_109 = arith.addi %mul3A_62, %add3A_108 : i32
      %mul3A_110 = arith.constant 200 : i32
      %mul3A_111 = arith.muli %add3A_109, %mul3A_110 : i32
      %dma_start3A_112 = tpu.memref_slice %arg9[%mul3A_111] : memref<10000xi32, #tpu.memory_space<vmem>> -> memref<200xi32, #tpu.memory_space<vmem>>
      %dma_start3A_113 = arith.constant 0 : i32
      %dma_start3A_114 = arith.constant 0 : i32
      %dma_start3A_115 = tpu.memref_slice %arg3[%dma_start3A_113, %dma_start3A_114] : memref<100096x128xi32, #tpu.memory_space<hbm>> -> memref<100096x128xi32, #tpu.memory_space<hbm>>
      tpu.enqueue_indirect_dma source(%dma_start3A_115 : memref<100096x128xi32, #tpu.memory_space<hbm>>) target(%arg12 : memref<200x128xi32, #tpu.memory_space<vmem>>) offsets(%dma_start3A_112 : memref<200xi32, #tpu.memory_space<vmem>>) semaphore(%arg16 : memref<!tpu.dma_semaphore, #tpu.memory_space<semaphore_mem>>)
      %dma_wait3A_116 = arith.constant 0 : i32
      %dma_wait3A_117 = arith.constant 0 : i32
      %dma_wait3A_118 = tpu.memref_slice %arg3[%dma_wait3A_116, %dma_wait3A_117] : memref<100096x128xi32, #tpu.memory_space<hbm>> -> memref<200x128xi32, #tpu.memory_space<hbm>>
      %dma_wait3A_119 = arith.constant 0 : i32
      %dma_wait3A_120 = arith.constant 0 : i32
      %dma_wait3A_121 = tpu.memref_slice %arg3[%dma_wait3A_119, %dma_wait3A_120] : memref<100096x128xi32, #tpu.memory_space<hbm>> -> memref<200x128xi32, #tpu.memory_space<hbm>>
      tpu.wait_dma2 semaphore(%arg17 : memref<!tpu.dma_semaphore, #tpu.memory_space<semaphore_mem>>) src(%dma_wait3A_121 : memref<200x128xi32, #tpu.memory_space<hbm>>) dst(%arg13 : memref<200x128xi32, #tpu.memory_space<vmem>>)
      %add3A_122 = arith.constant 1 : i32
      %add3A_123 = arith.addi %mul3A_62, %add3A_122 : i32
      %mul3A_124 = arith.constant 200 : i32
      %mul3A_125 = arith.muli %add3A_123, %mul3A_124 : i32
      %add3A_126 = arith.addi %mul3A_2, %mul3A_125 : i32
      "tpu.region"() ({
        %run_scoped3A = tpu.sem_alloc : memref<!tpu.dma_semaphore, #tpu.memory_space<semaphore_mem>>
        %dma_start3A_136 = arith.constant 0 : i32
        %dma_start3A_137 = tpu.memref_slice %arg7[%add3A_126, %dma_start3A_136] : memref<320000x128xi32, #tpu.memory_space<hbm>> -> memref<200x128xi32, #tpu.memory_space<hbm>>
        %dma_start3A_138 = arith.constant 0 : i32
        %dma_start3A_139 = tpu.memref_slice %arg7[%add3A_126, %dma_start3A_138] : memref<320000x128xi32, #tpu.memory_space<hbm>> -> memref<200x128xi32, #tpu.memory_space<hbm>>
        tpu.enqueue_dma source(%arg13 : memref<200x128xi32, #tpu.memory_space<vmem>>) target(%dma_start3A_139 : memref<200x128xi32, #tpu.memory_space<hbm>>) target_semaphore(%run_scoped3A : memref<!tpu.dma_semaphore, #tpu.memory_space<semaphore_mem>>)
        %dma_wait3A_140 = arith.constant 0 : i32
        %dma_wait3A_141 = tpu.memref_slice %arg7[%add3A_126, %dma_wait3A_140] : memref<320000x128xi32, #tpu.memory_space<hbm>> -> memref<200x128xi32, #tpu.memory_space<hbm>>
        %dma_wait3A_142 = arith.constant 0 : i32
        %dma_wait3A_143 = tpu.memref_slice %arg7[%add3A_126, %dma_wait3A_142] : memref<320000x128xi32, #tpu.memory_space<hbm>> -> memref<200x128xi32, #tpu.memory_space<hbm>>
        tpu.wait_dma2 semaphore(%run_scoped3A : memref<!tpu.dma_semaphore, #tpu.memory_space<semaphore_mem>>) src(%arg13 : memref<200x128xi32, #tpu.memory_space<vmem>>) dst(%dma_wait3A_143 : memref<200x128xi32, #tpu.memory_space<hbm>>)
        tpu.yield
      }) : () -> ()
      %add3A_127 = arith.constant 3 : i32
      %add3A_128 = arith.addi %mul3A_62, %add3A_127 : i32
      %mul3A_129 = arith.constant 200 : i32
      %mul3A_130 = arith.muli %add3A_128, %mul3A_129 : i32
      %dma_start3A_131 = tpu.memref_slice %arg9[%mul3A_130] : memref<10000xi32, #tpu.memory_space<vmem>> -> memref<200xi32, #tpu.memory_space<vmem>>
      %dma_start3A_132 = arith.constant 0 : i32
      %dma_start3A_133 = arith.constant 0 : i32
      %dma_start3A_134 = tpu.memref_slice %arg3[%dma_start3A_132, %dma_start3A_133] : memref<100096x128xi32, #tpu.memory_space<hbm>> -> memref<100096x128xi32, #tpu.memory_space<hbm>>
      tpu.enqueue_indirect_dma source(%dma_start3A_134 : memref<100096x128xi32, #tpu.memory_space<hbm>>) target(%arg13 : memref<200x128xi32, #tpu.memory_space<vmem>>) offsets(%dma_start3A_131 : memref<200xi32, #tpu.memory_space<vmem>>) semaphore(%arg17 : memref<!tpu.dma_semaphore, #tpu.memory_space<semaphore_mem>>)
      %scan3A_135 = arith.constant 0 : i32
      scf.yield %scan3A_135 : i32
    }
    %scan3A_27 = arith.constant 24 : i32
    %dma_wait3A = arith.constant 0 : i32
    %dma_wait3A_28 = arith.constant 0 : i32
    %dma_wait3A_29 = tpu.memref_slice %arg2[%dma_wait3A, %dma_wait3A_28] : memref<100096x128xi32, #tpu.memory_space<hbm>> -> memref<200x128xi32, #tpu.memory_space<hbm>>
    %dma_wait3A_30 = arith.constant 0 : i32
    %dma_wait3A_31 = arith.constant 0 : i32
    %dma_wait3A_32 = tpu.memref_slice %arg2[%dma_wait3A_30, %dma_wait3A_31] : memref<100096x128xi32, #tpu.memory_space<hbm>> -> memref<200x128xi32, #tpu.memory_space<hbm>>
    tpu.wait_dma2 semaphore(%arg14 : memref<!tpu.dma_semaphore, #tpu.memory_space<semaphore_mem>>) src(%dma_wait3A_32 : memref<200x128xi32, #tpu.memory_space<hbm>>) dst(%arg10 : memref<200x128xi32, #tpu.memory_space<vmem>>)
    %add3A_33 = arith.constant 9600 : i32
    %add3A_34 = arith.addi %mul3A_2, %add3A_33 : i32
    "tpu.region"() ({
      %run_scoped3A = tpu.sem_alloc : memref<!tpu.dma_semaphore, #tpu.memory_space<semaphore_mem>>
      %dma_start3A_59 = arith.constant 0 : i32
      %dma_start3A_60 = tpu.memref_slice %arg6[%add3A_34, %dma_start3A_59] : memref<320000x128xi32, #tpu.memory_space<hbm>> -> memref<200x128xi32, #tpu.memory_space<hbm>>
      %dma_start3A_61 = arith.constant 0 : i32
      %dma_start3A_62 = tpu.memref_slice %arg6[%add3A_34, %dma_start3A_61] : memref<320000x128xi32, #tpu.memory_space<hbm>> -> memref<200x128xi32, #tpu.memory_space<hbm>>
      tpu.enqueue_dma source(%arg10 : memref<200x128xi32, #tpu.memory_space<vmem>>) target(%dma_start3A_62 : memref<200x128xi32, #tpu.memory_space<hbm>>) target_semaphore(%run_scoped3A : memref<!tpu.dma_semaphore, #tpu.memory_space<semaphore_mem>>)
      %dma_wait3A_63 = arith.constant 0 : i32
      %dma_wait3A_64 = tpu.memref_slice %arg6[%add3A_34, %dma_wait3A_63] : memref<320000x128xi32, #tpu.memory_space<hbm>> -> memref<200x128xi32, #tpu.memory_space<hbm>>
      %dma_wait3A_65 = arith.constant 0 : i32
      %dma_wait3A_66 = tpu.memref_slice %arg6[%add3A_34, %dma_wait3A_65] : memref<320000x128xi32, #tpu.memory_space<hbm>> -> memref<200x128xi32, #tpu.memory_space<hbm>>
      tpu.wait_dma2 semaphore(%run_scoped3A : memref<!tpu.dma_semaphore, #tpu.memory_space<semaphore_mem>>) src(%arg10 : memref<200x128xi32, #tpu.memory_space<vmem>>) dst(%dma_wait3A_66 : memref<200x128xi32, #tpu.memory_space<hbm>>)
      tpu.yield
    }) : () -> ()
    %dma_wait3A_35 = arith.constant 0 : i32
    %dma_wait3A_36 = arith.constant 0 : i32
    %dma_wait3A_37 = tpu.memref_slice %arg2[%dma_wait3A_35, %dma_wait3A_36] : memref<100096x128xi32, #tpu.memory_space<hbm>> -> memref<200x128xi32, #tpu.memory_space<hbm>>
    %dma_wait3A_38 = arith.constant 0 : i32
    %dma_wait3A_39 = arith.constant 0 : i32
    %dma_wait3A_40 = tpu.memref_slice %arg2[%dma_wait3A_38, %dma_wait3A_39] : memref<100096x128xi32, #tpu.memory_space<hbm>> -> memref<200x128xi32, #tpu.memory_space<hbm>>
    tpu.wait_dma2 semaphore(%arg15 : memref<!tpu.dma_semaphore, #tpu.memory_space<semaphore_mem>>) src(%dma_wait3A_40 : memref<200x128xi32, #tpu.memory_space<hbm>>) dst(%arg11 : memref<200x128xi32, #tpu.memory_space<vmem>>)
    %add3A_41 = arith.constant 9800 : i32
    %add3A_42 = arith.addi %mul3A_2, %add3A_41 : i32
    "tpu.region"() ({
      %run_scoped3A = tpu.sem_alloc : memref<!tpu.dma_semaphore, #tpu.memory_space<semaphore_mem>>
      %dma_start3A_59 = arith.constant 0 : i32
      %dma_start3A_60 = tpu.memref_slice %arg6[%add3A_42, %dma_start3A_59] : memref<320000x128xi32, #tpu.memory_space<hbm>> -> memref<200x128xi32, #tpu.memory_space<hbm>>
      %dma_start3A_61 = arith.constant 0 : i32
      %dma_start3A_62 = tpu.memref_slice %arg6[%add3A_42, %dma_start3A_61] : memref<320000x128xi32, #tpu.memory_space<hbm>> -> memref<200x128xi32, #tpu.memory_space<hbm>>
      tpu.enqueue_dma source(%arg11 : memref<200x128xi32, #tpu.memory_space<vmem>>) target(%dma_start3A_62 : memref<200x128xi32, #tpu.memory_space<hbm>>) target_semaphore(%run_scoped3A : memref<!tpu.dma_semaphore, #tpu.memory_space<semaphore_mem>>)
      %dma_wait3A_63 = arith.constant 0 : i32
      %dma_wait3A_64 = tpu.memref_slice %arg6[%add3A_42, %dma_wait3A_63] : memref<320000x128xi32, #tpu.memory_space<hbm>> -> memref<200x128xi32, #tpu.memory_space<hbm>>
      %dma_wait3A_65 = arith.constant 0 : i32
      %dma_wait3A_66 = tpu.memref_slice %arg6[%add3A_42, %dma_wait3A_65] : memref<320000x128xi32, #tpu.memory_space<hbm>> -> memref<200x128xi32, #tpu.memory_space<hbm>>
      tpu.wait_dma2 semaphore(%run_scoped3A : memref<!tpu.dma_semaphore, #tpu.memory_space<semaphore_mem>>) src(%arg11 : memref<200x128xi32, #tpu.memory_space<vmem>>) dst(%dma_wait3A_66 : memref<200x128xi32, #tpu.memory_space<hbm>>)
      tpu.yield
    }) : () -> ()
    %dma_wait3A_43 = arith.constant 0 : i32
    %dma_wait3A_44 = arith.constant 0 : i32
    %dma_wait3A_45 = tpu.memref_slice %arg3[%dma_wait3A_43, %dma_wait3A_44] : memref<100096x128xi32, #tpu.memory_space<hbm>> -> memref<200x128xi32, #tpu.memory_space<hbm>>
    %dma_wait3A_46 = arith.constant 0 : i32
    %dma_wait3A_47 = arith.constant 0 : i32
    %dma_wait3A_48 = tpu.memref_slice %arg3[%dma_wait3A_46, %dma_wait3A_47] : memref<100096x128xi32, #tpu.memory_space<hbm>> -> memref<200x128xi32, #tpu.memory_space<hbm>>
    tpu.wait_dma2 semaphore(%arg16 : memref<!tpu.dma_semaphore, #tpu.memory_space<semaphore_mem>>) src(%dma_wait3A_48 : memref<200x128xi32, #tpu.memory_space<hbm>>) dst(%arg12 : memref<200x128xi32, #tpu.memory_space<vmem>>)
    %add3A_49 = arith.constant 9600 : i32
    %add3A_50 = arith.addi %mul3A_2, %add3A_49 : i32
    "tpu.region"() ({
      %run_scoped3A = tpu.sem_alloc : memref<!tpu.dma_semaphore, #tpu.memory_space<semaphore_mem>>
      %dma_start3A_59 = arith.constant 0 : i32
      %dma_start3A_60 = tpu.memref_slice %arg7[%add3A_50, %dma_start3A_59] : memref<320000x128xi32, #tpu.memory_space<hbm>> -> memref<200x128xi32, #tpu.memory_space<hbm>>
      %dma_start3A_61 = arith.constant 0 : i32
      %dma_start3A_62 = tpu.memref_slice %arg7[%add3A_50, %dma_start3A_61] : memref<320000x128xi32, #tpu.memory_space<hbm>> -> memref<200x128xi32, #tpu.memory_space<hbm>>
      tpu.enqueue_dma source(%arg12 : memref<200x128xi32, #tpu.memory_space<vmem>>) target(%dma_start3A_62 : memref<200x128xi32, #tpu.memory_space<hbm>>) target_semaphore(%run_scoped3A : memref<!tpu.dma_semaphore, #tpu.memory_space<semaphore_mem>>)
      %dma_wait3A_63 = arith.constant 0 : i32
      %dma_wait3A_64 = tpu.memref_slice %arg7[%add3A_50, %dma_wait3A_63] : memref<320000x128xi32, #tpu.memory_space<hbm>> -> memref<200x128xi32, #tpu.memory_space<hbm>>
      %dma_wait3A_65 = arith.constant 0 : i32
      %dma_wait3A_66 = tpu.memref_slice %arg7[%add3A_50, %dma_wait3A_65] : memref<320000x128xi32, #tpu.memory_space<hbm>> -> memref<200x128xi32, #tpu.memory_space<hbm>>
      tpu.wait_dma2 semaphore(%run_scoped3A : memref<!tpu.dma_semaphore, #tpu.memory_space<semaphore_mem>>) src(%arg12 : memref<200x128xi32, #tpu.memory_space<vmem>>) dst(%dma_wait3A_66 : memref<200x128xi32, #tpu.memory_space<hbm>>)
      tpu.yield
    }) : () -> ()
    %dma_wait3A_51 = arith.constant 0 : i32
    %dma_wait3A_52 = arith.constant 0 : i32
    %dma_wait3A_53 = tpu.memref_slice %arg3[%dma_wait3A_51, %dma_wait3A_52] : memref<100096x128xi32, #tpu.memory_space<hbm>> -> memref<200x128xi32, #tpu.memory_space<hbm>>
    %dma_wait3A_54 = arith.constant 0 : i32
    %dma_wait3A_55 = arith.constant 0 : i32
    %dma_wait3A_56 = tpu.memref_slice %arg3[%dma_wait3A_54, %dma_wait3A_55] : memref<100096x128xi32, #tpu.memory_space<hbm>> -> memref<200x128xi32, #tpu.memory_space<hbm>>
    tpu.wait_dma2 semaphore(%arg17 : memref<!tpu.dma_semaphore, #tpu.memory_space<semaphore_mem>>) src(%dma_wait3A_56 : memref<200x128xi32, #tpu.memory_space<hbm>>) dst(%arg13 : memref<200x128xi32, #tpu.memory_space<vmem>>)
    %add3A_57 = arith.constant 9800 : i32
    %add3A_58 = arith.addi %mul3A_2, %add3A_57 : i32
    "tpu.region"() ({
      %run_scoped3A = tpu.sem_alloc : memref<!tpu.dma_semaphore, #tpu.memory_space<semaphore_mem>>
      %dma_start3A_59 = arith.constant 0 : i32
      %dma_start3A_60 = tpu.memref_slice %arg7[%add3A_58, %dma_start3A_59] : memref<320000x128xi32, #tpu.memory_space<hbm>> -> memref<200x128xi32, #tpu.memory_space<hbm>>
      %dma_start3A_61 = arith.constant 0 : i32
      %dma_start3A_62 = tpu.memref_slice %arg7[%add3A_58, %dma_start3A_61] : memref<320000x128xi32, #tpu.memory_space<hbm>> -> memref<200x128xi32, #tpu.memory_space<hbm>>
      tpu.enqueue_dma source(%arg13 : memref<200x128xi32, #tpu.memory_space<vmem>>) target(%dma_start3A_62 : memref<200x128xi32, #tpu.memory_space<hbm>>) target_semaphore(%run_scoped3A : memref<!tpu.dma_semaphore, #tpu.memory_space<semaphore_mem>>)
      %dma_wait3A_63 = arith.constant 0 : i32
      %dma_wait3A_64 = tpu.memref_slice %arg7[%add3A_58, %dma_wait3A_63] : memref<320000x128xi32, #tpu.memory_space<hbm>> -> memref<200x128xi32, #tpu.memory_space<hbm>>
      %dma_wait3A_65 = arith.constant 0 : i32
      %dma_wait3A_66 = tpu.memref_slice %arg7[%add3A_58, %dma_wait3A_65] : memref<320000x128xi32, #tpu.memory_space<hbm>> -> memref<200x128xi32, #tpu.memory_space<hbm>>
      tpu.wait_dma2 semaphore(%run_scoped3A : memref<!tpu.dma_semaphore, #tpu.memory_space<semaphore_mem>>) src(%arg13 : memref<200x128xi32, #tpu.memory_space<vmem>>) dst(%dma_wait3A_66 : memref<200x128xi32, #tpu.memory_space<hbm>>)
      tpu.yield
    }) : () -> ()
    return
  }
}

#map = affine_map<(d0, d1) -> (0, 0)>
#map1 = affine_map<(d0, d1) -> (0)>
module attributes {stable_mosaic.version = 14 : i64} {
  func.func @k(%arg0: i32, %arg1: i32, %arg2: memref<320000x128xf32, #tpu.memory_space<hbm>>, %arg3: memref<320000x128xf32, #tpu.memory_space<hbm>>, %arg4: memref<80000x128xf32, #tpu.memory_space<hbm>>, %arg5: memref<100096xi32, #tpu.memory_space<hbm>>, %arg6: memref<100096xi32, #tpu.memory_space<hbm>>, %arg7: memref<100096xi32, #tpu.memory_space<hbm>>, %arg8: memref<100096x128xf32, #tpu.memory_space<hbm>>, %arg9: memref<100096x128xf32, #tpu.memory_space<hbm>>, %arg10: memref<100096x128xf32, #tpu.memory_space<hbm>>, %arg11: memref<3128xi32, #tpu.memory_space<vmem>>, %arg12: memref<3128xi32, #tpu.memory_space<vmem>>, %arg13: memref<3128xi32, #tpu.memory_space<vmem>>, %arg14: memref<136x128xf32, #tpu.memory_space<vmem>>, %arg15: memref<136x128xf32, #tpu.memory_space<vmem>>, %arg16: memref<136x128xf32, #tpu.memory_space<vmem>>, %arg17: memref<136x128xf32, #tpu.memory_space<vmem>>, %arg18: memref<136x128xf32, #tpu.memory_space<vmem>>, %arg19: memref<136x128xf32, #tpu.memory_space<vmem>>, %arg20: memref<!tpu.dma_semaphore, #tpu.memory_space<semaphore_mem>>, %arg21: memref<!tpu.dma_semaphore, #tpu.memory_space<semaphore_mem>>, %arg22: memref<!tpu.dma_semaphore, #tpu.memory_space<semaphore_mem>>, %arg23: memref<!tpu.dma_semaphore, #tpu.memory_space<semaphore_mem>>, %arg24: memref<!tpu.dma_semaphore, #tpu.memory_space<semaphore_mem>>, %arg25: memref<!tpu.dma_semaphore, #tpu.memory_space<semaphore_mem>>) attributes {dimension_semantics = [#tpu.dimension_semantics<core_parallel>, #tpu.dimension_semantics<subcore_parallel>], iteration_bounds = array<i64: 2, 16>, scalar_prefetch = 0 : i64, scratch_operands = 15 : i64, tpu.core_type = #tpu.core_type<sc_vector_subcore>, window_params = [{transform_indices = #map}, {transform_indices = #map}, {transform_indices = #map}, {transform_indices = #map1}, {transform_indices = #map1}, {transform_indices = #map1}, {transform_indices = #map}, {transform_indices = #map}, {transform_indices = #map}]} {
    %mul3A = arith.constant 2 : i32
    %mul3A_0 = arith.muli %arg1, %mul3A : i32
    %add3A = arith.addi %mul3A_0, %arg0 : i32
    %mul3A_1 = arith.constant 3128 : i32
    %mul3A_2 = arith.muli %add3A, %mul3A_1 : i32
    "tpu.region"() ({
      %run_scoped3A = tpu.sem_alloc : memref<!tpu.dma_semaphore, #tpu.memory_space<semaphore_mem>>
      %dma_start3A_124 = tpu.memref_slice %arg5[%mul3A_2] : memref<100096xi32, #tpu.memory_space<hbm>> -> memref<3128xi32, #tpu.memory_space<hbm>>
      %dma_start3A_125 = tpu.memref_slice %arg5[%mul3A_2] : memref<100096xi32, #tpu.memory_space<hbm>> -> memref<3128xi32, #tpu.memory_space<hbm>>
      tpu.enqueue_dma source(%dma_start3A_125 : memref<3128xi32, #tpu.memory_space<hbm>>) target(%arg11 : memref<3128xi32, #tpu.memory_space<vmem>>) target_semaphore(%run_scoped3A : memref<!tpu.dma_semaphore, #tpu.memory_space<semaphore_mem>>)
      %dma_wait3A_126 = tpu.memref_slice %arg5[%mul3A_2] : memref<100096xi32, #tpu.memory_space<hbm>> -> memref<3128xi32, #tpu.memory_space<hbm>>
      %dma_wait3A_127 = tpu.memref_slice %arg5[%mul3A_2] : memref<100096xi32, #tpu.memory_space<hbm>> -> memref<3128xi32, #tpu.memory_space<hbm>>
      tpu.wait_dma2 semaphore(%run_scoped3A : memref<!tpu.dma_semaphore, #tpu.memory_space<semaphore_mem>>) src(%dma_wait3A_127 : memref<3128xi32, #tpu.memory_space<hbm>>) dst(%arg11 : memref<3128xi32, #tpu.memory_space<vmem>>)
      tpu.yield
    }) : () -> ()
    "tpu.region"() ({
      %run_scoped3A = tpu.sem_alloc : memref<!tpu.dma_semaphore, #tpu.memory_space<semaphore_mem>>
      %dma_start3A_124 = tpu.memref_slice %arg6[%mul3A_2] : memref<100096xi32, #tpu.memory_space<hbm>> -> memref<3128xi32, #tpu.memory_space<hbm>>
      %dma_start3A_125 = tpu.memref_slice %arg6[%mul3A_2] : memref<100096xi32, #tpu.memory_space<hbm>> -> memref<3128xi32, #tpu.memory_space<hbm>>
      tpu.enqueue_dma source(%dma_start3A_125 : memref<3128xi32, #tpu.memory_space<hbm>>) target(%arg12 : memref<3128xi32, #tpu.memory_space<vmem>>) target_semaphore(%run_scoped3A : memref<!tpu.dma_semaphore, #tpu.memory_space<semaphore_mem>>)
      %dma_wait3A_126 = tpu.memref_slice %arg6[%mul3A_2] : memref<100096xi32, #tpu.memory_space<hbm>> -> memref<3128xi32, #tpu.memory_space<hbm>>
      %dma_wait3A_127 = tpu.memref_slice %arg6[%mul3A_2] : memref<100096xi32, #tpu.memory_space<hbm>> -> memref<3128xi32, #tpu.memory_space<hbm>>
      tpu.wait_dma2 semaphore(%run_scoped3A : memref<!tpu.dma_semaphore, #tpu.memory_space<semaphore_mem>>) src(%dma_wait3A_127 : memref<3128xi32, #tpu.memory_space<hbm>>) dst(%arg12 : memref<3128xi32, #tpu.memory_space<vmem>>)
      tpu.yield
    }) : () -> ()
    "tpu.region"() ({
      %run_scoped3A = tpu.sem_alloc : memref<!tpu.dma_semaphore, #tpu.memory_space<semaphore_mem>>
      %dma_start3A_124 = tpu.memref_slice %arg7[%mul3A_2] : memref<100096xi32, #tpu.memory_space<hbm>> -> memref<3128xi32, #tpu.memory_space<hbm>>
      %dma_start3A_125 = tpu.memref_slice %arg7[%mul3A_2] : memref<100096xi32, #tpu.memory_space<hbm>> -> memref<3128xi32, #tpu.memory_space<hbm>>
      tpu.enqueue_dma source(%dma_start3A_125 : memref<3128xi32, #tpu.memory_space<hbm>>) target(%arg13 : memref<3128xi32, #tpu.memory_space<vmem>>) target_semaphore(%run_scoped3A : memref<!tpu.dma_semaphore, #tpu.memory_space<semaphore_mem>>)
      %dma_wait3A_126 = tpu.memref_slice %arg7[%mul3A_2] : memref<100096xi32, #tpu.memory_space<hbm>> -> memref<3128xi32, #tpu.memory_space<hbm>>
      %dma_wait3A_127 = tpu.memref_slice %arg7[%mul3A_2] : memref<100096xi32, #tpu.memory_space<hbm>> -> memref<3128xi32, #tpu.memory_space<hbm>>
      tpu.wait_dma2 semaphore(%run_scoped3A : memref<!tpu.dma_semaphore, #tpu.memory_space<semaphore_mem>>) src(%dma_wait3A_127 : memref<3128xi32, #tpu.memory_space<hbm>>) dst(%arg13 : memref<3128xi32, #tpu.memory_space<vmem>>)
      tpu.yield
    }) : () -> ()
    %dma_start3A = arith.constant 0 : i32
    %dma_start3A_3 = tpu.memref_slice %arg11[%dma_start3A] : memref<3128xi32, #tpu.memory_space<vmem>> -> memref<136xi32, #tpu.memory_space<vmem>>
    %dma_start3A_4 = arith.constant 0 : i32
    %dma_start3A_5 = arith.constant 0 : i32
    %dma_start3A_6 = tpu.memref_slice %arg2[%dma_start3A_4, %dma_start3A_5] : memref<320000x128xf32, #tpu.memory_space<hbm>> -> memref<320000x128xf32, #tpu.memory_space<hbm>>
    tpu.enqueue_indirect_dma source(%dma_start3A_6 : memref<320000x128xf32, #tpu.memory_space<hbm>>) target(%arg14 : memref<136x128xf32, #tpu.memory_space<vmem>>) offsets(%dma_start3A_3 : memref<136xi32, #tpu.memory_space<vmem>>) semaphore(%arg20 : memref<!tpu.dma_semaphore, #tpu.memory_space<semaphore_mem>>)
    %dma_start3A_7 = arith.constant 136 : i32
    %dma_start3A_8 = tpu.memref_slice %arg11[%dma_start3A_7] : memref<3128xi32, #tpu.memory_space<vmem>> -> memref<136xi32, #tpu.memory_space<vmem>>
    %dma_start3A_9 = arith.constant 0 : i32
    %dma_start3A_10 = arith.constant 0 : i32
    %dma_start3A_11 = tpu.memref_slice %arg2[%dma_start3A_9, %dma_start3A_10] : memref<320000x128xf32, #tpu.memory_space<hbm>> -> memref<320000x128xf32, #tpu.memory_space<hbm>>
    tpu.enqueue_indirect_dma source(%dma_start3A_11 : memref<320000x128xf32, #tpu.memory_space<hbm>>) target(%arg15 : memref<136x128xf32, #tpu.memory_space<vmem>>) offsets(%dma_start3A_8 : memref<136xi32, #tpu.memory_space<vmem>>) semaphore(%arg21 : memref<!tpu.dma_semaphore, #tpu.memory_space<semaphore_mem>>)
    %dma_start3A_12 = arith.constant 0 : i32
    %dma_start3A_13 = tpu.memref_slice %arg12[%dma_start3A_12] : memref<3128xi32, #tpu.memory_space<vmem>> -> memref<136xi32, #tpu.memory_space<vmem>>
    %dma_start3A_14 = arith.constant 0 : i32
    %dma_start3A_15 = arith.constant 0 : i32
    %dma_start3A_16 = tpu.memref_slice %arg3[%dma_start3A_14, %dma_start3A_15] : memref<320000x128xf32, #tpu.memory_space<hbm>> -> memref<320000x128xf32, #tpu.memory_space<hbm>>
    tpu.enqueue_indirect_dma source(%dma_start3A_16 : memref<320000x128xf32, #tpu.memory_space<hbm>>) target(%arg16 : memref<136x128xf32, #tpu.memory_space<vmem>>) offsets(%dma_start3A_13 : memref<136xi32, #tpu.memory_space<vmem>>) semaphore(%arg22 : memref<!tpu.dma_semaphore, #tpu.memory_space<semaphore_mem>>)
    %dma_start3A_17 = arith.constant 136 : i32
    %dma_start3A_18 = tpu.memref_slice %arg12[%dma_start3A_17] : memref<3128xi32, #tpu.memory_space<vmem>> -> memref<136xi32, #tpu.memory_space<vmem>>
    %dma_start3A_19 = arith.constant 0 : i32
    %dma_start3A_20 = arith.constant 0 : i32
    %dma_start3A_21 = tpu.memref_slice %arg3[%dma_start3A_19, %dma_start3A_20] : memref<320000x128xf32, #tpu.memory_space<hbm>> -> memref<320000x128xf32, #tpu.memory_space<hbm>>
    tpu.enqueue_indirect_dma source(%dma_start3A_21 : memref<320000x128xf32, #tpu.memory_space<hbm>>) target(%arg17 : memref<136x128xf32, #tpu.memory_space<vmem>>) offsets(%dma_start3A_18 : memref<136xi32, #tpu.memory_space<vmem>>) semaphore(%arg23 : memref<!tpu.dma_semaphore, #tpu.memory_space<semaphore_mem>>)
    %dma_start3A_22 = arith.constant 0 : i32
    %dma_start3A_23 = tpu.memref_slice %arg13[%dma_start3A_22] : memref<3128xi32, #tpu.memory_space<vmem>> -> memref<136xi32, #tpu.memory_space<vmem>>
    %dma_start3A_24 = arith.constant 0 : i32
    %dma_start3A_25 = arith.constant 0 : i32
    %dma_start3A_26 = tpu.memref_slice %arg4[%dma_start3A_24, %dma_start3A_25] : memref<80000x128xf32, #tpu.memory_space<hbm>> -> memref<80000x128xf32, #tpu.memory_space<hbm>>
    tpu.enqueue_indirect_dma source(%dma_start3A_26 : memref<80000x128xf32, #tpu.memory_space<hbm>>) target(%arg18 : memref<136x128xf32, #tpu.memory_space<vmem>>) offsets(%dma_start3A_23 : memref<136xi32, #tpu.memory_space<vmem>>) semaphore(%arg24 : memref<!tpu.dma_semaphore, #tpu.memory_space<semaphore_mem>>)
    %dma_start3A_27 = arith.constant 136 : i32
    %dma_start3A_28 = tpu.memref_slice %arg13[%dma_start3A_27] : memref<3128xi32, #tpu.memory_space<vmem>> -> memref<136xi32, #tpu.memory_space<vmem>>
    %dma_start3A_29 = arith.constant 0 : i32
    %dma_start3A_30 = arith.constant 0 : i32
    %dma_start3A_31 = tpu.memref_slice %arg4[%dma_start3A_29, %dma_start3A_30] : memref<80000x128xf32, #tpu.memory_space<hbm>> -> memref<80000x128xf32, #tpu.memory_space<hbm>>
    tpu.enqueue_indirect_dma source(%dma_start3A_31 : memref<80000x128xf32, #tpu.memory_space<hbm>>) target(%arg19 : memref<136x128xf32, #tpu.memory_space<vmem>>) offsets(%dma_start3A_28 : memref<136xi32, #tpu.memory_space<vmem>>) semaphore(%arg25 : memref<!tpu.dma_semaphore, #tpu.memory_space<semaphore_mem>>)
    %scan3A = arith.constant 0 : i32
    %scan3A_32 = arith.constant 0 : i32
    %scan3A_33 = arith.constant 10 : i32
    %scan3A_34 = arith.addi %scan3A_32, %scan3A_33 : i32
    %scan3A_35 = arith.constant 1 : i32
    %scan3A_36 = scf.for %scan3A_124 = %scan3A_32 to %scan3A_34 step %scan3A_35 iter_args(%scan3A_125 = %scan3A) -> (i32)  : i32 {
      %mul3A_126 = arith.constant 2 : i32
      %mul3A_127 = arith.muli %mul3A_126, %scan3A_124 : i32
      %dma_wait3A_128 = arith.constant 0 : i32
      %dma_wait3A_129 = arith.constant 0 : i32
      %dma_wait3A_130 = tpu.memref_slice %arg2[%dma_wait3A_128, %dma_wait3A_129] : memref<320000x128xf32, #tpu.memory_space<hbm>> -> memref<136x128xf32, #tpu.memory_space<hbm>>
      %dma_wait3A_131 = arith.constant 0 : i32
      %dma_wait3A_132 = arith.constant 0 : i32
      %dma_wait3A_133 = tpu.memref_slice %arg2[%dma_wait3A_131, %dma_wait3A_132] : memref<320000x128xf32, #tpu.memory_space<hbm>> -> memref<136x128xf32, #tpu.memory_space<hbm>>
      tpu.wait_dma2 semaphore(%arg20 : memref<!tpu.dma_semaphore, #tpu.memory_space<semaphore_mem>>) src(%dma_wait3A_133 : memref<136x128xf32, #tpu.memory_space<hbm>>) dst(%arg14 : memref<136x128xf32, #tpu.memory_space<vmem>>)
      %mul3A_134 = arith.constant 136 : i32
      %mul3A_135 = arith.muli %mul3A_127, %mul3A_134 : i32
      %add3A_136 = arith.addi %mul3A_2, %mul3A_135 : i32
      "tpu.region"() ({
        %run_scoped3A = tpu.sem_alloc : memref<!tpu.dma_semaphore, #tpu.memory_space<semaphore_mem>>
        %dma_start3A_237 = arith.constant 0 : i32
        %dma_start3A_238 = tpu.memref_slice %arg8[%add3A_136, %dma_start3A_237] : memref<100096x128xf32, #tpu.memory_space<hbm>> -> memref<136x128xf32, #tpu.memory_space<hbm>>
        %dma_start3A_239 = arith.constant 0 : i32
        %dma_start3A_240 = tpu.memref_slice %arg8[%add3A_136, %dma_start3A_239] : memref<100096x128xf32, #tpu.memory_space<hbm>> -> memref<136x128xf32, #tpu.memory_space<hbm>>
        tpu.enqueue_dma source(%arg14 : memref<136x128xf32, #tpu.memory_space<vmem>>) target(%dma_start3A_240 : memref<136x128xf32, #tpu.memory_space<hbm>>) target_semaphore(%run_scoped3A : memref<!tpu.dma_semaphore, #tpu.memory_space<semaphore_mem>>)
        %dma_wait3A_241 = arith.constant 0 : i32
        %dma_wait3A_242 = tpu.memref_slice %arg8[%add3A_136, %dma_wait3A_241] : memref<100096x128xf32, #tpu.memory_space<hbm>> -> memref<136x128xf32, #tpu.memory_space<hbm>>
        %dma_wait3A_243 = arith.constant 0 : i32
        %dma_wait3A_244 = tpu.memref_slice %arg8[%add3A_136, %dma_wait3A_243] : memref<100096x128xf32, #tpu.memory_space<hbm>> -> memref<136x128xf32, #tpu.memory_space<hbm>>
        tpu.wait_dma2 semaphore(%run_scoped3A : memref<!tpu.dma_semaphore, #tpu.memory_space<semaphore_mem>>) src(%arg14 : memref<136x128xf32, #tpu.memory_space<vmem>>) dst(%dma_wait3A_244 : memref<136x128xf32, #tpu.memory_space<hbm>>)
        tpu.yield
      }) : () -> ()
      %add3A_137 = arith.constant 2 : i32
      %add3A_138 = arith.addi %mul3A_127, %add3A_137 : i32
      %mul3A_139 = arith.constant 136 : i32
      %mul3A_140 = arith.muli %add3A_138, %mul3A_139 : i32
      %dma_start3A_141 = tpu.memref_slice %arg11[%mul3A_140] : memref<3128xi32, #tpu.memory_space<vmem>> -> memref<136xi32, #tpu.memory_space<vmem>>
      %dma_start3A_142 = arith.constant 0 : i32
      %dma_start3A_143 = arith.constant 0 : i32
      %dma_start3A_144 = tpu.memref_slice %arg2[%dma_start3A_142, %dma_start3A_143] : memref<320000x128xf32, #tpu.memory_space<hbm>> -> memref<320000x128xf32, #tpu.memory_space<hbm>>
      tpu.enqueue_indirect_dma source(%dma_start3A_144 : memref<320000x128xf32, #tpu.memory_space<hbm>>) target(%arg14 : memref<136x128xf32, #tpu.memory_space<vmem>>) offsets(%dma_start3A_141 : memref<136xi32, #tpu.memory_space<vmem>>) semaphore(%arg20 : memref<!tpu.dma_semaphore, #tpu.memory_space<semaphore_mem>>)
      %dma_wait3A_145 = arith.constant 0 : i32
      %dma_wait3A_146 = arith.constant 0 : i32
      %dma_wait3A_147 = tpu.memref_slice %arg2[%dma_wait3A_145, %dma_wait3A_146] : memref<320000x128xf32, #tpu.memory_space<hbm>> -> memref<136x128xf32, #tpu.memory_space<hbm>>
      %dma_wait3A_148 = arith.constant 0 : i32
      %dma_wait3A_149 = arith.constant 0 : i32
      %dma_wait3A_150 = tpu.memref_slice %arg2[%dma_wait3A_148, %dma_wait3A_149] : memref<320000x128xf32, #tpu.memory_space<hbm>> -> memref<136x128xf32, #tpu.memory_space<hbm>>
      tpu.wait_dma2 semaphore(%arg21 : memref<!tpu.dma_semaphore, #tpu.memory_space<semaphore_mem>>) src(%dma_wait3A_150 : memref<136x128xf32, #tpu.memory_space<hbm>>) dst(%arg15 : memref<136x128xf32, #tpu.memory_space<vmem>>)
      %add3A_151 = arith.constant 1 : i32
      %add3A_152 = arith.addi %mul3A_127, %add3A_151 : i32
      %mul3A_153 = arith.constant 136 : i32
      %mul3A_154 = arith.muli %add3A_152, %mul3A_153 : i32
      %add3A_155 = arith.addi %mul3A_2, %mul3A_154 : i32
      "tpu.region"() ({
        %run_scoped3A = tpu.sem_alloc : memref<!tpu.dma_semaphore, #tpu.memory_space<semaphore_mem>>
        %dma_start3A_237 = arith.constant 0 : i32
        %dma_start3A_238 = tpu.memref_slice %arg8[%add3A_155, %dma_start3A_237] : memref<100096x128xf32, #tpu.memory_space<hbm>> -> memref<136x128xf32, #tpu.memory_space<hbm>>
        %dma_start3A_239 = arith.constant 0 : i32
        %dma_start3A_240 = tpu.memref_slice %arg8[%add3A_155, %dma_start3A_239] : memref<100096x128xf32, #tpu.memory_space<hbm>> -> memref<136x128xf32, #tpu.memory_space<hbm>>
        tpu.enqueue_dma source(%arg15 : memref<136x128xf32, #tpu.memory_space<vmem>>) target(%dma_start3A_240 : memref<136x128xf32, #tpu.memory_space<hbm>>) target_semaphore(%run_scoped3A : memref<!tpu.dma_semaphore, #tpu.memory_space<semaphore_mem>>)
        %dma_wait3A_241 = arith.constant 0 : i32
        %dma_wait3A_242 = tpu.memref_slice %arg8[%add3A_155, %dma_wait3A_241] : memref<100096x128xf32, #tpu.memory_space<hbm>> -> memref<136x128xf32, #tpu.memory_space<hbm>>
        %dma_wait3A_243 = arith.constant 0 : i32
        %dma_wait3A_244 = tpu.memref_slice %arg8[%add3A_155, %dma_wait3A_243] : memref<100096x128xf32, #tpu.memory_space<hbm>> -> memref<136x128xf32, #tpu.memory_space<hbm>>
        tpu.wait_dma2 semaphore(%run_scoped3A : memref<!tpu.dma_semaphore, #tpu.memory_space<semaphore_mem>>) src(%arg15 : memref<136x128xf32, #tpu.memory_space<vmem>>) dst(%dma_wait3A_244 : memref<136x128xf32, #tpu.memory_space<hbm>>)
        tpu.yield
      }) : () -> ()
      %add3A_156 = arith.constant 3 : i32
      %add3A_157 = arith.addi %mul3A_127, %add3A_156 : i32
      %mul3A_158 = arith.constant 136 : i32
      %mul3A_159 = arith.muli %add3A_157, %mul3A_158 : i32
      %dma_start3A_160 = tpu.memref_slice %arg11[%mul3A_159] : memref<3128xi32, #tpu.memory_space<vmem>> -> memref<136xi32, #tpu.memory_space<vmem>>
      %dma_start3A_161 = arith.constant 0 : i32
      %dma_start3A_162 = arith.constant 0 : i32
      %dma_start3A_163 = tpu.memref_slice %arg2[%dma_start3A_161, %dma_start3A_162] : memref<320000x128xf32, #tpu.memory_space<hbm>> -> memref<320000x128xf32, #tpu.memory_space<hbm>>
      tpu.enqueue_indirect_dma source(%dma_start3A_163 : memref<320000x128xf32, #tpu.memory_space<hbm>>) target(%arg15 : memref<136x128xf32, #tpu.memory_space<vmem>>) offsets(%dma_start3A_160 : memref<136xi32, #tpu.memory_space<vmem>>) semaphore(%arg21 : memref<!tpu.dma_semaphore, #tpu.memory_space<semaphore_mem>>)
      %dma_wait3A_164 = arith.constant 0 : i32
      %dma_wait3A_165 = arith.constant 0 : i32
      %dma_wait3A_166 = tpu.memref_slice %arg3[%dma_wait3A_164, %dma_wait3A_165] : memref<320000x128xf32, #tpu.memory_space<hbm>> -> memref<136x128xf32, #tpu.memory_space<hbm>>
      %dma_wait3A_167 = arith.constant 0 : i32
      %dma_wait3A_168 = arith.constant 0 : i32
      %dma_wait3A_169 = tpu.memref_slice %arg3[%dma_wait3A_167, %dma_wait3A_168] : memref<320000x128xf32, #tpu.memory_space<hbm>> -> memref<136x128xf32, #tpu.memory_space<hbm>>
      tpu.wait_dma2 semaphore(%arg22 : memref<!tpu.dma_semaphore, #tpu.memory_space<semaphore_mem>>) src(%dma_wait3A_169 : memref<136x128xf32, #tpu.memory_space<hbm>>) dst(%arg16 : memref<136x128xf32, #tpu.memory_space<vmem>>)
      %mul3A_170 = arith.constant 136 : i32
      %mul3A_171 = arith.muli %mul3A_127, %mul3A_170 : i32
      %add3A_172 = arith.addi %mul3A_2, %mul3A_171 : i32
      "tpu.region"() ({
        %run_scoped3A = tpu.sem_alloc : memref<!tpu.dma_semaphore, #tpu.memory_space<semaphore_mem>>
        %dma_start3A_237 = arith.constant 0 : i32
        %dma_start3A_238 = tpu.memref_slice %arg9[%add3A_172, %dma_start3A_237] : memref<100096x128xf32, #tpu.memory_space<hbm>> -> memref<136x128xf32, #tpu.memory_space<hbm>>
        %dma_start3A_239 = arith.constant 0 : i32
        %dma_start3A_240 = tpu.memref_slice %arg9[%add3A_172, %dma_start3A_239] : memref<100096x128xf32, #tpu.memory_space<hbm>> -> memref<136x128xf32, #tpu.memory_space<hbm>>
        tpu.enqueue_dma source(%arg16 : memref<136x128xf32, #tpu.memory_space<vmem>>) target(%dma_start3A_240 : memref<136x128xf32, #tpu.memory_space<hbm>>) target_semaphore(%run_scoped3A : memref<!tpu.dma_semaphore, #tpu.memory_space<semaphore_mem>>)
        %dma_wait3A_241 = arith.constant 0 : i32
        %dma_wait3A_242 = tpu.memref_slice %arg9[%add3A_172, %dma_wait3A_241] : memref<100096x128xf32, #tpu.memory_space<hbm>> -> memref<136x128xf32, #tpu.memory_space<hbm>>
        %dma_wait3A_243 = arith.constant 0 : i32
        %dma_wait3A_244 = tpu.memref_slice %arg9[%add3A_172, %dma_wait3A_243] : memref<100096x128xf32, #tpu.memory_space<hbm>> -> memref<136x128xf32, #tpu.memory_space<hbm>>
        tpu.wait_dma2 semaphore(%run_scoped3A : memref<!tpu.dma_semaphore, #tpu.memory_space<semaphore_mem>>) src(%arg16 : memref<136x128xf32, #tpu.memory_space<vmem>>) dst(%dma_wait3A_244 : memref<136x128xf32, #tpu.memory_space<hbm>>)
        tpu.yield
      }) : () -> ()
      %add3A_173 = arith.constant 2 : i32
      %add3A_174 = arith.addi %mul3A_127, %add3A_173 : i32
      %mul3A_175 = arith.constant 136 : i32
      %mul3A_176 = arith.muli %add3A_174, %mul3A_175 : i32
      %dma_start3A_177 = tpu.memref_slice %arg12[%mul3A_176] : memref<3128xi32, #tpu.memory_space<vmem>> -> memref<136xi32, #tpu.memory_space<vmem>>
      %dma_start3A_178 = arith.constant 0 : i32
      %dma_start3A_179 = arith.constant 0 : i32
      %dma_start3A_180 = tpu.memref_slice %arg3[%dma_start3A_178, %dma_start3A_179] : memref<320000x128xf32, #tpu.memory_space<hbm>> -> memref<320000x128xf32, #tpu.memory_space<hbm>>
      tpu.enqueue_indirect_dma source(%dma_start3A_180 : memref<320000x128xf32, #tpu.memory_space<hbm>>) target(%arg16 : memref<136x128xf32, #tpu.memory_space<vmem>>) offsets(%dma_start3A_177 : memref<136xi32, #tpu.memory_space<vmem>>) semaphore(%arg22 : memref<!tpu.dma_semaphore, #tpu.memory_space<semaphore_mem>>)
      %dma_wait3A_181 = arith.constant 0 : i32
      %dma_wait3A_182 = arith.constant 0 : i32
      %dma_wait3A_183 = tpu.memref_slice %arg3[%dma_wait3A_181, %dma_wait3A_182] : memref<320000x128xf32, #tpu.memory_space<hbm>> -> memref<136x128xf32, #tpu.memory_space<hbm>>
      %dma_wait3A_184 = arith.constant 0 : i32
      %dma_wait3A_185 = arith.constant 0 : i32
      %dma_wait3A_186 = tpu.memref_slice %arg3[%dma_wait3A_184, %dma_wait3A_185] : memref<320000x128xf32, #tpu.memory_space<hbm>> -> memref<136x128xf32, #tpu.memory_space<hbm>>
      tpu.wait_dma2 semaphore(%arg23 : memref<!tpu.dma_semaphore, #tpu.memory_space<semaphore_mem>>) src(%dma_wait3A_186 : memref<136x128xf32, #tpu.memory_space<hbm>>) dst(%arg17 : memref<136x128xf32, #tpu.memory_space<vmem>>)
      %add3A_187 = arith.constant 1 : i32
      %add3A_188 = arith.addi %mul3A_127, %add3A_187 : i32
      %mul3A_189 = arith.constant 136 : i32
      %mul3A_190 = arith.muli %add3A_188, %mul3A_189 : i32
      %add3A_191 = arith.addi %mul3A_2, %mul3A_190 : i32
      "tpu.region"() ({
        %run_scoped3A = tpu.sem_alloc : memref<!tpu.dma_semaphore, #tpu.memory_space<semaphore_mem>>
        %dma_start3A_237 = arith.constant 0 : i32
        %dma_start3A_238 = tpu.memref_slice %arg9[%add3A_191, %dma_start3A_237] : memref<100096x128xf32, #tpu.memory_space<hbm>> -> memref<136x128xf32, #tpu.memory_space<hbm>>
        %dma_start3A_239 = arith.constant 0 : i32
        %dma_start3A_240 = tpu.memref_slice %arg9[%add3A_191, %dma_start3A_239] : memref<100096x128xf32, #tpu.memory_space<hbm>> -> memref<136x128xf32, #tpu.memory_space<hbm>>
        tpu.enqueue_dma source(%arg17 : memref<136x128xf32, #tpu.memory_space<vmem>>) target(%dma_start3A_240 : memref<136x128xf32, #tpu.memory_space<hbm>>) target_semaphore(%run_scoped3A : memref<!tpu.dma_semaphore, #tpu.memory_space<semaphore_mem>>)
        %dma_wait3A_241 = arith.constant 0 : i32
        %dma_wait3A_242 = tpu.memref_slice %arg9[%add3A_191, %dma_wait3A_241] : memref<100096x128xf32, #tpu.memory_space<hbm>> -> memref<136x128xf32, #tpu.memory_space<hbm>>
        %dma_wait3A_243 = arith.constant 0 : i32
        %dma_wait3A_244 = tpu.memref_slice %arg9[%add3A_191, %dma_wait3A_243] : memref<100096x128xf32, #tpu.memory_space<hbm>> -> memref<136x128xf32, #tpu.memory_space<hbm>>
        tpu.wait_dma2 semaphore(%run_scoped3A : memref<!tpu.dma_semaphore, #tpu.memory_space<semaphore_mem>>) src(%arg17 : memref<136x128xf32, #tpu.memory_space<vmem>>) dst(%dma_wait3A_244 : memref<136x128xf32, #tpu.memory_space<hbm>>)
        tpu.yield
      }) : () -> ()
      %add3A_192 = arith.constant 3 : i32
      %add3A_193 = arith.addi %mul3A_127, %add3A_192 : i32
      %mul3A_194 = arith.constant 136 : i32
      %mul3A_195 = arith.muli %add3A_193, %mul3A_194 : i32
      %dma_start3A_196 = tpu.memref_slice %arg12[%mul3A_195] : memref<3128xi32, #tpu.memory_space<vmem>> -> memref<136xi32, #tpu.memory_space<vmem>>
      %dma_start3A_197 = arith.constant 0 : i32
      %dma_start3A_198 = arith.constant 0 : i32
      %dma_start3A_199 = tpu.memref_slice %arg3[%dma_start3A_197, %dma_start3A_198] : memref<320000x128xf32, #tpu.memory_space<hbm>> -> memref<320000x128xf32, #tpu.memory_space<hbm>>
      tpu.enqueue_indirect_dma source(%dma_start3A_199 : memref<320000x128xf32, #tpu.memory_space<hbm>>) target(%arg17 : memref<136x128xf32, #tpu.memory_space<vmem>>) offsets(%dma_start3A_196 : memref<136xi32, #tpu.memory_space<vmem>>) semaphore(%arg23 : memref<!tpu.dma_semaphore, #tpu.memory_space<semaphore_mem>>)
      %dma_wait3A_200 = arith.constant 0 : i32
      %dma_wait3A_201 = arith.constant 0 : i32
      %dma_wait3A_202 = tpu.memref_slice %arg4[%dma_wait3A_200, %dma_wait3A_201] : memref<80000x128xf32, #tpu.memory_space<hbm>> -> memref<136x128xf32, #tpu.memory_space<hbm>>
      %dma_wait3A_203 = arith.constant 0 : i32
      %dma_wait3A_204 = arith.constant 0 : i32
      %dma_wait3A_205 = tpu.memref_slice %arg4[%dma_wait3A_203, %dma_wait3A_204] : memref<80000x128xf32, #tpu.memory_space<hbm>> -> memref<136x128xf32, #tpu.memory_space<hbm>>
      tpu.wait_dma2 semaphore(%arg24 : memref<!tpu.dma_semaphore, #tpu.memory_space<semaphore_mem>>) src(%dma_wait3A_205 : memref<136x128xf32, #tpu.memory_space<hbm>>) dst(%arg18 : memref<136x128xf32, #tpu.memory_space<vmem>>)
      %mul3A_206 = arith.constant 136 : i32
      %mul3A_207 = arith.muli %mul3A_127, %mul3A_206 : i32
      %add3A_208 = arith.addi %mul3A_2, %mul3A_207 : i32
      "tpu.region"() ({
        %run_scoped3A = tpu.sem_alloc : memref<!tpu.dma_semaphore, #tpu.memory_space<semaphore_mem>>
        %dma_start3A_237 = arith.constant 0 : i32
        %dma_start3A_238 = tpu.memref_slice %arg10[%add3A_208, %dma_start3A_237] : memref<100096x128xf32, #tpu.memory_space<hbm>> -> memref<136x128xf32, #tpu.memory_space<hbm>>
        %dma_start3A_239 = arith.constant 0 : i32
        %dma_start3A_240 = tpu.memref_slice %arg10[%add3A_208, %dma_start3A_239] : memref<100096x128xf32, #tpu.memory_space<hbm>> -> memref<136x128xf32, #tpu.memory_space<hbm>>
        tpu.enqueue_dma source(%arg18 : memref<136x128xf32, #tpu.memory_space<vmem>>) target(%dma_start3A_240 : memref<136x128xf32, #tpu.memory_space<hbm>>) target_semaphore(%run_scoped3A : memref<!tpu.dma_semaphore, #tpu.memory_space<semaphore_mem>>)
        %dma_wait3A_241 = arith.constant 0 : i32
        %dma_wait3A_242 = tpu.memref_slice %arg10[%add3A_208, %dma_wait3A_241] : memref<100096x128xf32, #tpu.memory_space<hbm>> -> memref<136x128xf32, #tpu.memory_space<hbm>>
        %dma_wait3A_243 = arith.constant 0 : i32
        %dma_wait3A_244 = tpu.memref_slice %arg10[%add3A_208, %dma_wait3A_243] : memref<100096x128xf32, #tpu.memory_space<hbm>> -> memref<136x128xf32, #tpu.memory_space<hbm>>
        tpu.wait_dma2 semaphore(%run_scoped3A : memref<!tpu.dma_semaphore, #tpu.memory_space<semaphore_mem>>) src(%arg18 : memref<136x128xf32, #tpu.memory_space<vmem>>) dst(%dma_wait3A_244 : memref<136x128xf32, #tpu.memory_space<hbm>>)
        tpu.yield
      }) : () -> ()
      %add3A_209 = arith.constant 2 : i32
      %add3A_210 = arith.addi %mul3A_127, %add3A_209 : i32
      %mul3A_211 = arith.constant 136 : i32
      %mul3A_212 = arith.muli %add3A_210, %mul3A_211 : i32
      %dma_start3A_213 = tpu.memref_slice %arg13[%mul3A_212] : memref<3128xi32, #tpu.memory_space<vmem>> -> memref<136xi32, #tpu.memory_space<vmem>>
      %dma_start3A_214 = arith.constant 0 : i32
      %dma_start3A_215 = arith.constant 0 : i32
      %dma_start3A_216 = tpu.memref_slice %arg4[%dma_start3A_214, %dma_start3A_215] : memref<80000x128xf32, #tpu.memory_space<hbm>> -> memref<80000x128xf32, #tpu.memory_space<hbm>>
      tpu.enqueue_indirect_dma source(%dma_start3A_216 : memref<80000x128xf32, #tpu.memory_space<hbm>>) target(%arg18 : memref<136x128xf32, #tpu.memory_space<vmem>>) offsets(%dma_start3A_213 : memref<136xi32, #tpu.memory_space<vmem>>) semaphore(%arg24 : memref<!tpu.dma_semaphore, #tpu.memory_space<semaphore_mem>>)
      %dma_wait3A_217 = arith.constant 0 : i32
      %dma_wait3A_218 = arith.constant 0 : i32
      %dma_wait3A_219 = tpu.memref_slice %arg4[%dma_wait3A_217, %dma_wait3A_218] : memref<80000x128xf32, #tpu.memory_space<hbm>> -> memref<136x128xf32, #tpu.memory_space<hbm>>
      %dma_wait3A_220 = arith.constant 0 : i32
      %dma_wait3A_221 = arith.constant 0 : i32
      %dma_wait3A_222 = tpu.memref_slice %arg4[%dma_wait3A_220, %dma_wait3A_221] : memref<80000x128xf32, #tpu.memory_space<hbm>> -> memref<136x128xf32, #tpu.memory_space<hbm>>
      tpu.wait_dma2 semaphore(%arg25 : memref<!tpu.dma_semaphore, #tpu.memory_space<semaphore_mem>>) src(%dma_wait3A_222 : memref<136x128xf32, #tpu.memory_space<hbm>>) dst(%arg19 : memref<136x128xf32, #tpu.memory_space<vmem>>)
      %add3A_223 = arith.constant 1 : i32
      %add3A_224 = arith.addi %mul3A_127, %add3A_223 : i32
      %mul3A_225 = arith.constant 136 : i32
      %mul3A_226 = arith.muli %add3A_224, %mul3A_225 : i32
      %add3A_227 = arith.addi %mul3A_2, %mul3A_226 : i32
      "tpu.region"() ({
        %run_scoped3A = tpu.sem_alloc : memref<!tpu.dma_semaphore, #tpu.memory_space<semaphore_mem>>
        %dma_start3A_237 = arith.constant 0 : i32
        %dma_start3A_238 = tpu.memref_slice %arg10[%add3A_227, %dma_start3A_237] : memref<100096x128xf32, #tpu.memory_space<hbm>> -> memref<136x128xf32, #tpu.memory_space<hbm>>
        %dma_start3A_239 = arith.constant 0 : i32
        %dma_start3A_240 = tpu.memref_slice %arg10[%add3A_227, %dma_start3A_239] : memref<100096x128xf32, #tpu.memory_space<hbm>> -> memref<136x128xf32, #tpu.memory_space<hbm>>
        tpu.enqueue_dma source(%arg19 : memref<136x128xf32, #tpu.memory_space<vmem>>) target(%dma_start3A_240 : memref<136x128xf32, #tpu.memory_space<hbm>>) target_semaphore(%run_scoped3A : memref<!tpu.dma_semaphore, #tpu.memory_space<semaphore_mem>>)
        %dma_wait3A_241 = arith.constant 0 : i32
        %dma_wait3A_242 = tpu.memref_slice %arg10[%add3A_227, %dma_wait3A_241] : memref<100096x128xf32, #tpu.memory_space<hbm>> -> memref<136x128xf32, #tpu.memory_space<hbm>>
        %dma_wait3A_243 = arith.constant 0 : i32
        %dma_wait3A_244 = tpu.memref_slice %arg10[%add3A_227, %dma_wait3A_243] : memref<100096x128xf32, #tpu.memory_space<hbm>> -> memref<136x128xf32, #tpu.memory_space<hbm>>
        tpu.wait_dma2 semaphore(%run_scoped3A : memref<!tpu.dma_semaphore, #tpu.memory_space<semaphore_mem>>) src(%arg19 : memref<136x128xf32, #tpu.memory_space<vmem>>) dst(%dma_wait3A_244 : memref<136x128xf32, #tpu.memory_space<hbm>>)
        tpu.yield
      }) : () -> ()
      %add3A_228 = arith.constant 3 : i32
      %add3A_229 = arith.addi %mul3A_127, %add3A_228 : i32
      %mul3A_230 = arith.constant 136 : i32
      %mul3A_231 = arith.muli %add3A_229, %mul3A_230 : i32
      %dma_start3A_232 = tpu.memref_slice %arg13[%mul3A_231] : memref<3128xi32, #tpu.memory_space<vmem>> -> memref<136xi32, #tpu.memory_space<vmem>>
      %dma_start3A_233 = arith.constant 0 : i32
      %dma_start3A_234 = arith.constant 0 : i32
      %dma_start3A_235 = tpu.memref_slice %arg4[%dma_start3A_233, %dma_start3A_234] : memref<80000x128xf32, #tpu.memory_space<hbm>> -> memref<80000x128xf32, #tpu.memory_space<hbm>>
      tpu.enqueue_indirect_dma source(%dma_start3A_235 : memref<80000x128xf32, #tpu.memory_space<hbm>>) target(%arg19 : memref<136x128xf32, #tpu.memory_space<vmem>>) offsets(%dma_start3A_232 : memref<136xi32, #tpu.memory_space<vmem>>) semaphore(%arg25 : memref<!tpu.dma_semaphore, #tpu.memory_space<semaphore_mem>>)
      %scan3A_236 = arith.constant 0 : i32
      scf.yield %scan3A_236 : i32
    }
    %scan3A_37 = arith.constant 10 : i32
    %dma_wait3A = arith.constant 0 : i32
    %dma_wait3A_38 = arith.constant 0 : i32
    %dma_wait3A_39 = tpu.memref_slice %arg2[%dma_wait3A, %dma_wait3A_38] : memref<320000x128xf32, #tpu.memory_space<hbm>> -> memref<136x128xf32, #tpu.memory_space<hbm>>
    %dma_wait3A_40 = arith.constant 0 : i32
    %dma_wait3A_41 = arith.constant 0 : i32
    %dma_wait3A_42 = tpu.memref_slice %arg2[%dma_wait3A_40, %dma_wait3A_41] : memref<320000x128xf32, #tpu.memory_space<hbm>> -> memref<136x128xf32, #tpu.memory_space<hbm>>
    tpu.wait_dma2 semaphore(%arg20 : memref<!tpu.dma_semaphore, #tpu.memory_space<semaphore_mem>>) src(%dma_wait3A_42 : memref<136x128xf32, #tpu.memory_space<hbm>>) dst(%arg14 : memref<136x128xf32, #tpu.memory_space<vmem>>)
    %add3A_43 = arith.constant 2720 : i32
    %add3A_44 = arith.addi %mul3A_2, %add3A_43 : i32
    "tpu.region"() ({
      %run_scoped3A = tpu.sem_alloc : memref<!tpu.dma_semaphore, #tpu.memory_space<semaphore_mem>>
      %dma_start3A_124 = arith.constant 0 : i32
      %dma_start3A_125 = tpu.memref_slice %arg8[%add3A_44, %dma_start3A_124] : memref<100096x128xf32, #tpu.memory_space<hbm>> -> memref<136x128xf32, #tpu.memory_space<hbm>>
      %dma_start3A_126 = arith.constant 0 : i32
      %dma_start3A_127 = tpu.memref_slice %arg8[%add3A_44, %dma_start3A_126] : memref<100096x128xf32, #tpu.memory_space<hbm>> -> memref<136x128xf32, #tpu.memory_space<hbm>>
      tpu.enqueue_dma source(%arg14 : memref<136x128xf32, #tpu.memory_space<vmem>>) target(%dma_start3A_127 : memref<136x128xf32, #tpu.memory_space<hbm>>) target_semaphore(%run_scoped3A : memref<!tpu.dma_semaphore, #tpu.memory_space<semaphore_mem>>)
      %dma_wait3A_128 = arith.constant 0 : i32
      %dma_wait3A_129 = tpu.memref_slice %arg8[%add3A_44, %dma_wait3A_128] : memref<100096x128xf32, #tpu.memory_space<hbm>> -> memref<136x128xf32, #tpu.memory_space<hbm>>
      %dma_wait3A_130 = arith.constant 0 : i32
      %dma_wait3A_131 = tpu.memref_slice %arg8[%add3A_44, %dma_wait3A_130] : memref<100096x128xf32, #tpu.memory_space<hbm>> -> memref<136x128xf32, #tpu.memory_space<hbm>>
      tpu.wait_dma2 semaphore(%run_scoped3A : memref<!tpu.dma_semaphore, #tpu.memory_space<semaphore_mem>>) src(%arg14 : memref<136x128xf32, #tpu.memory_space<vmem>>) dst(%dma_wait3A_131 : memref<136x128xf32, #tpu.memory_space<hbm>>)
      tpu.yield
    }) : () -> ()
    %dma_start3A_45 = arith.constant 2992 : i32
    %dma_start3A_46 = tpu.memref_slice %arg11[%dma_start3A_45] : memref<3128xi32, #tpu.memory_space<vmem>> -> memref<136xi32, #tpu.memory_space<vmem>>
    %dma_start3A_47 = arith.constant 0 : i32
    %dma_start3A_48 = arith.constant 0 : i32
    %dma_start3A_49 = tpu.memref_slice %arg2[%dma_start3A_47, %dma_start3A_48] : memref<320000x128xf32, #tpu.memory_space<hbm>> -> memref<320000x128xf32, #tpu.memory_space<hbm>>
    tpu.enqueue_indirect_dma source(%dma_start3A_49 : memref<320000x128xf32, #tpu.memory_space<hbm>>) target(%arg14 : memref<136x128xf32, #tpu.memory_space<vmem>>) offsets(%dma_start3A_46 : memref<136xi32, #tpu.memory_space<vmem>>) semaphore(%arg20 : memref<!tpu.dma_semaphore, #tpu.memory_space<semaphore_mem>>)
    %dma_wait3A_50 = arith.constant 0 : i32
    %dma_wait3A_51 = arith.constant 0 : i32
    %dma_wait3A_52 = tpu.memref_slice %arg2[%dma_wait3A_50, %dma_wait3A_51] : memref<320000x128xf32, #tpu.memory_space<hbm>> -> memref<136x128xf32, #tpu.memory_space<hbm>>
    %dma_wait3A_53 = arith.constant 0 : i32
    %dma_wait3A_54 = arith.constant 0 : i32
    %dma_wait3A_55 = tpu.memref_slice %arg2[%dma_wait3A_53, %dma_wait3A_54] : memref<320000x128xf32, #tpu.memory_space<hbm>> -> memref<136x128xf32, #tpu.memory_space<hbm>>
    tpu.wait_dma2 semaphore(%arg21 : memref<!tpu.dma_semaphore, #tpu.memory_space<semaphore_mem>>) src(%dma_wait3A_55 : memref<136x128xf32, #tpu.memory_space<hbm>>) dst(%arg15 : memref<136x128xf32, #tpu.memory_space<vmem>>)
    %add3A_56 = arith.constant 2856 : i32
    %add3A_57 = arith.addi %mul3A_2, %add3A_56 : i32
    "tpu.region"() ({
      %run_scoped3A = tpu.sem_alloc : memref<!tpu.dma_semaphore, #tpu.memory_space<semaphore_mem>>
      %dma_start3A_124 = arith.constant 0 : i32
      %dma_start3A_125 = tpu.memref_slice %arg8[%add3A_57, %dma_start3A_124] : memref<100096x128xf32, #tpu.memory_space<hbm>> -> memref<136x128xf32, #tpu.memory_space<hbm>>
      %dma_start3A_126 = arith.constant 0 : i32
      %dma_start3A_127 = tpu.memref_slice %arg8[%add3A_57, %dma_start3A_126] : memref<100096x128xf32, #tpu.memory_space<hbm>> -> memref<136x128xf32, #tpu.memory_space<hbm>>
      tpu.enqueue_dma source(%arg15 : memref<136x128xf32, #tpu.memory_space<vmem>>) target(%dma_start3A_127 : memref<136x128xf32, #tpu.memory_space<hbm>>) target_semaphore(%run_scoped3A : memref<!tpu.dma_semaphore, #tpu.memory_space<semaphore_mem>>)
      %dma_wait3A_128 = arith.constant 0 : i32
      %dma_wait3A_129 = tpu.memref_slice %arg8[%add3A_57, %dma_wait3A_128] : memref<100096x128xf32, #tpu.memory_space<hbm>> -> memref<136x128xf32, #tpu.memory_space<hbm>>
      %dma_wait3A_130 = arith.constant 0 : i32
      %dma_wait3A_131 = tpu.memref_slice %arg8[%add3A_57, %dma_wait3A_130] : memref<100096x128xf32, #tpu.memory_space<hbm>> -> memref<136x128xf32, #tpu.memory_space<hbm>>
      tpu.wait_dma2 semaphore(%run_scoped3A : memref<!tpu.dma_semaphore, #tpu.memory_space<semaphore_mem>>) src(%arg15 : memref<136x128xf32, #tpu.memory_space<vmem>>) dst(%dma_wait3A_131 : memref<136x128xf32, #tpu.memory_space<hbm>>)
      tpu.yield
    }) : () -> ()
    %dma_wait3A_58 = arith.constant 0 : i32
    %dma_wait3A_59 = arith.constant 0 : i32
    %dma_wait3A_60 = tpu.memref_slice %arg2[%dma_wait3A_58, %dma_wait3A_59] : memref<320000x128xf32, #tpu.memory_space<hbm>> -> memref<136x128xf32, #tpu.memory_space<hbm>>
    %dma_wait3A_61 = arith.constant 0 : i32
    %dma_wait3A_62 = arith.constant 0 : i32
    %dma_wait3A_63 = tpu.memref_slice %arg2[%dma_wait3A_61, %dma_wait3A_62] : memref<320000x128xf32, #tpu.memory_space<hbm>> -> memref<136x128xf32, #tpu.memory_space<hbm>>
    tpu.wait_dma2 semaphore(%arg20 : memref<!tpu.dma_semaphore, #tpu.memory_space<semaphore_mem>>) src(%dma_wait3A_63 : memref<136x128xf32, #tpu.memory_space<hbm>>) dst(%arg14 : memref<136x128xf32, #tpu.memory_space<vmem>>)
    %add3A_64 = arith.constant 2992 : i32
    %add3A_65 = arith.addi %mul3A_2, %add3A_64 : i32
    "tpu.region"() ({
      %run_scoped3A = tpu.sem_alloc : memref<!tpu.dma_semaphore, #tpu.memory_space<semaphore_mem>>
      %dma_start3A_124 = arith.constant 0 : i32
      %dma_start3A_125 = tpu.memref_slice %arg8[%add3A_65, %dma_start3A_124] : memref<100096x128xf32, #tpu.memory_space<hbm>> -> memref<136x128xf32, #tpu.memory_space<hbm>>
      %dma_start3A_126 = arith.constant 0 : i32
      %dma_start3A_127 = tpu.memref_slice %arg8[%add3A_65, %dma_start3A_126] : memref<100096x128xf32, #tpu.memory_space<hbm>> -> memref<136x128xf32, #tpu.memory_space<hbm>>
      tpu.enqueue_dma source(%arg14 : memref<136x128xf32, #tpu.memory_space<vmem>>) target(%dma_start3A_127 : memref<136x128xf32, #tpu.memory_space<hbm>>) target_semaphore(%run_scoped3A : memref<!tpu.dma_semaphore, #tpu.memory_space<semaphore_mem>>)
      %dma_wait3A_128 = arith.constant 0 : i32
      %dma_wait3A_129 = tpu.memref_slice %arg8[%add3A_65, %dma_wait3A_128] : memref<100096x128xf32, #tpu.memory_space<hbm>> -> memref<136x128xf32, #tpu.memory_space<hbm>>
      %dma_wait3A_130 = arith.constant 0 : i32
      %dma_wait3A_131 = tpu.memref_slice %arg8[%add3A_65, %dma_wait3A_130] : memref<100096x128xf32, #tpu.memory_space<hbm>> -> memref<136x128xf32, #tpu.memory_space<hbm>>
      tpu.wait_dma2 semaphore(%run_scoped3A : memref<!tpu.dma_semaphore, #tpu.memory_space<semaphore_mem>>) src(%arg14 : memref<136x128xf32, #tpu.memory_space<vmem>>) dst(%dma_wait3A_131 : memref<136x128xf32, #tpu.memory_space<hbm>>)
      tpu.yield
    }) : () -> ()
    %dma_wait3A_66 = arith.constant 0 : i32
    %dma_wait3A_67 = arith.constant 0 : i32
    %dma_wait3A_68 = tpu.memref_slice %arg3[%dma_wait3A_66, %dma_wait3A_67] : memref<320000x128xf32, #tpu.memory_space<hbm>> -> memref<136x128xf32, #tpu.memory_space<hbm>>
    %dma_wait3A_69 = arith.constant 0 : i32
    %dma_wait3A_70 = arith.constant 0 : i32
    %dma_wait3A_71 = tpu.memref_slice %arg3[%dma_wait3A_69, %dma_wait3A_70] : memref<320000x128xf32, #tpu.memory_space<hbm>> -> memref<136x128xf32, #tpu.memory_space<hbm>>
    tpu.wait_dma2 semaphore(%arg22 : memref<!tpu.dma_semaphore, #tpu.memory_space<semaphore_mem>>) src(%dma_wait3A_71 : memref<136x128xf32, #tpu.memory_space<hbm>>) dst(%arg16 : memref<136x128xf32, #tpu.memory_space<vmem>>)
    %add3A_72 = arith.constant 2720 : i32
    %add3A_73 = arith.addi %mul3A_2, %add3A_72 : i32
    "tpu.region"() ({
      %run_scoped3A = tpu.sem_alloc : memref<!tpu.dma_semaphore, #tpu.memory_space<semaphore_mem>>
      %dma_start3A_124 = arith.constant 0 : i32
      %dma_start3A_125 = tpu.memref_slice %arg9[%add3A_73, %dma_start3A_124] : memref<100096x128xf32, #tpu.memory_space<hbm>> -> memref<136x128xf32, #tpu.memory_space<hbm>>
      %dma_start3A_126 = arith.constant 0 : i32
      %dma_start3A_127 = tpu.memref_slice %arg9[%add3A_73, %dma_start3A_126] : memref<100096x128xf32, #tpu.memory_space<hbm>> -> memref<136x128xf32, #tpu.memory_space<hbm>>
      tpu.enqueue_dma source(%arg16 : memref<136x128xf32, #tpu.memory_space<vmem>>) target(%dma_start3A_127 : memref<136x128xf32, #tpu.memory_space<hbm>>) target_semaphore(%run_scoped3A : memref<!tpu.dma_semaphore, #tpu.memory_space<semaphore_mem>>)
      %dma_wait3A_128 = arith.constant 0 : i32
      %dma_wait3A_129 = tpu.memref_slice %arg9[%add3A_73, %dma_wait3A_128] : memref<100096x128xf32, #tpu.memory_space<hbm>> -> memref<136x128xf32, #tpu.memory_space<hbm>>
      %dma_wait3A_130 = arith.constant 0 : i32
      %dma_wait3A_131 = tpu.memref_slice %arg9[%add3A_73, %dma_wait3A_130] : memref<100096x128xf32, #tpu.memory_space<hbm>> -> memref<136x128xf32, #tpu.memory_space<hbm>>
      tpu.wait_dma2 semaphore(%run_scoped3A : memref<!tpu.dma_semaphore, #tpu.memory_space<semaphore_mem>>) src(%arg16 : memref<136x128xf32, #tpu.memory_space<vmem>>) dst(%dma_wait3A_131 : memref<136x128xf32, #tpu.memory_space<hbm>>)
      tpu.yield
    }) : () -> ()
    %dma_start3A_74 = arith.constant 2992 : i32
    %dma_start3A_75 = tpu.memref_slice %arg12[%dma_start3A_74] : memref<3128xi32, #tpu.memory_space<vmem>> -> memref<136xi32, #tpu.memory_space<vmem>>
    %dma_start3A_76 = arith.constant 0 : i32
    %dma_start3A_77 = arith.constant 0 : i32
    %dma_start3A_78 = tpu.memref_slice %arg3[%dma_start3A_76, %dma_start3A_77] : memref<320000x128xf32, #tpu.memory_space<hbm>> -> memref<320000x128xf32, #tpu.memory_space<hbm>>
    tpu.enqueue_indirect_dma source(%dma_start3A_78 : memref<320000x128xf32, #tpu.memory_space<hbm>>) target(%arg16 : memref<136x128xf32, #tpu.memory_space<vmem>>) offsets(%dma_start3A_75 : memref<136xi32, #tpu.memory_space<vmem>>) semaphore(%arg22 : memref<!tpu.dma_semaphore, #tpu.memory_space<semaphore_mem>>)
    %dma_wait3A_79 = arith.constant 0 : i32
    %dma_wait3A_80 = arith.constant 0 : i32
    %dma_wait3A_81 = tpu.memref_slice %arg3[%dma_wait3A_79, %dma_wait3A_80] : memref<320000x128xf32, #tpu.memory_space<hbm>> -> memref<136x128xf32, #tpu.memory_space<hbm>>
    %dma_wait3A_82 = arith.constant 0 : i32
    %dma_wait3A_83 = arith.constant 0 : i32
    %dma_wait3A_84 = tpu.memref_slice %arg3[%dma_wait3A_82, %dma_wait3A_83] : memref<320000x128xf32, #tpu.memory_space<hbm>> -> memref<136x128xf32, #tpu.memory_space<hbm>>
    tpu.wait_dma2 semaphore(%arg23 : memref<!tpu.dma_semaphore, #tpu.memory_space<semaphore_mem>>) src(%dma_wait3A_84 : memref<136x128xf32, #tpu.memory_space<hbm>>) dst(%arg17 : memref<136x128xf32, #tpu.memory_space<vmem>>)
    %add3A_85 = arith.constant 2856 : i32
    %add3A_86 = arith.addi %mul3A_2, %add3A_85 : i32
    "tpu.region"() ({
      %run_scoped3A = tpu.sem_alloc : memref<!tpu.dma_semaphore, #tpu.memory_space<semaphore_mem>>
      %dma_start3A_124 = arith.constant 0 : i32
      %dma_start3A_125 = tpu.memref_slice %arg9[%add3A_86, %dma_start3A_124] : memref<100096x128xf32, #tpu.memory_space<hbm>> -> memref<136x128xf32, #tpu.memory_space<hbm>>
      %dma_start3A_126 = arith.constant 0 : i32
      %dma_start3A_127 = tpu.memref_slice %arg9[%add3A_86, %dma_start3A_126] : memref<100096x128xf32, #tpu.memory_space<hbm>> -> memref<136x128xf32, #tpu.memory_space<hbm>>
      tpu.enqueue_dma source(%arg17 : memref<136x128xf32, #tpu.memory_space<vmem>>) target(%dma_start3A_127 : memref<136x128xf32, #tpu.memory_space<hbm>>) target_semaphore(%run_scoped3A : memref<!tpu.dma_semaphore, #tpu.memory_space<semaphore_mem>>)
      %dma_wait3A_128 = arith.constant 0 : i32
      %dma_wait3A_129 = tpu.memref_slice %arg9[%add3A_86, %dma_wait3A_128] : memref<100096x128xf32, #tpu.memory_space<hbm>> -> memref<136x128xf32, #tpu.memory_space<hbm>>
      %dma_wait3A_130 = arith.constant 0 : i32
      %dma_wait3A_131 = tpu.memref_slice %arg9[%add3A_86, %dma_wait3A_130] : memref<100096x128xf32, #tpu.memory_space<hbm>> -> memref<136x128xf32, #tpu.memory_space<hbm>>
      tpu.wait_dma2 semaphore(%run_scoped3A : memref<!tpu.dma_semaphore, #tpu.memory_space<semaphore_mem>>) src(%arg17 : memref<136x128xf32, #tpu.memory_space<vmem>>) dst(%dma_wait3A_131 : memref<136x128xf32, #tpu.memory_space<hbm>>)
      tpu.yield
    }) : () -> ()
    %dma_wait3A_87 = arith.constant 0 : i32
    %dma_wait3A_88 = arith.constant 0 : i32
    %dma_wait3A_89 = tpu.memref_slice %arg3[%dma_wait3A_87, %dma_wait3A_88] : memref<320000x128xf32, #tpu.memory_space<hbm>> -> memref<136x128xf32, #tpu.memory_space<hbm>>
    %dma_wait3A_90 = arith.constant 0 : i32
    %dma_wait3A_91 = arith.constant 0 : i32
    %dma_wait3A_92 = tpu.memref_slice %arg3[%dma_wait3A_90, %dma_wait3A_91] : memref<320000x128xf32, #tpu.memory_space<hbm>> -> memref<136x128xf32, #tpu.memory_space<hbm>>
    tpu.wait_dma2 semaphore(%arg22 : memref<!tpu.dma_semaphore, #tpu.memory_space<semaphore_mem>>) src(%dma_wait3A_92 : memref<136x128xf32, #tpu.memory_space<hbm>>) dst(%arg16 : memref<136x128xf32, #tpu.memory_space<vmem>>)
    %add3A_93 = arith.constant 2992 : i32
    %add3A_94 = arith.addi %mul3A_2, %add3A_93 : i32
    "tpu.region"() ({
      %run_scoped3A = tpu.sem_alloc : memref<!tpu.dma_semaphore, #tpu.memory_space<semaphore_mem>>
      %dma_start3A_124 = arith.constant 0 : i32
      %dma_start3A_125 = tpu.memref_slice %arg9[%add3A_94, %dma_start3A_124] : memref<100096x128xf32, #tpu.memory_space<hbm>> -> memref<136x128xf32, #tpu.memory_space<hbm>>
      %dma_start3A_126 = arith.constant 0 : i32
      %dma_start3A_127 = tpu.memref_slice %arg9[%add3A_94, %dma_start3A_126] : memref<100096x128xf32, #tpu.memory_space<hbm>> -> memref<136x128xf32, #tpu.memory_space<hbm>>
      tpu.enqueue_dma source(%arg16 : memref<136x128xf32, #tpu.memory_space<vmem>>) target(%dma_start3A_127 : memref<136x128xf32, #tpu.memory_space<hbm>>) target_semaphore(%run_scoped3A : memref<!tpu.dma_semaphore, #tpu.memory_space<semaphore_mem>>)
      %dma_wait3A_128 = arith.constant 0 : i32
      %dma_wait3A_129 = tpu.memref_slice %arg9[%add3A_94, %dma_wait3A_128] : memref<100096x128xf32, #tpu.memory_space<hbm>> -> memref<136x128xf32, #tpu.memory_space<hbm>>
      %dma_wait3A_130 = arith.constant 0 : i32
      %dma_wait3A_131 = tpu.memref_slice %arg9[%add3A_94, %dma_wait3A_130] : memref<100096x128xf32, #tpu.memory_space<hbm>> -> memref<136x128xf32, #tpu.memory_space<hbm>>
      tpu.wait_dma2 semaphore(%run_scoped3A : memref<!tpu.dma_semaphore, #tpu.memory_space<semaphore_mem>>) src(%arg16 : memref<136x128xf32, #tpu.memory_space<vmem>>) dst(%dma_wait3A_131 : memref<136x128xf32, #tpu.memory_space<hbm>>)
      tpu.yield
    }) : () -> ()
    %dma_wait3A_95 = arith.constant 0 : i32
    %dma_wait3A_96 = arith.constant 0 : i32
    %dma_wait3A_97 = tpu.memref_slice %arg4[%dma_wait3A_95, %dma_wait3A_96] : memref<80000x128xf32, #tpu.memory_space<hbm>> -> memref<136x128xf32, #tpu.memory_space<hbm>>
    %dma_wait3A_98 = arith.constant 0 : i32
    %dma_wait3A_99 = arith.constant 0 : i32
    %dma_wait3A_100 = tpu.memref_slice %arg4[%dma_wait3A_98, %dma_wait3A_99] : memref<80000x128xf32, #tpu.memory_space<hbm>> -> memref<136x128xf32, #tpu.memory_space<hbm>>
    tpu.wait_dma2 semaphore(%arg24 : memref<!tpu.dma_semaphore, #tpu.memory_space<semaphore_mem>>) src(%dma_wait3A_100 : memref<136x128xf32, #tpu.memory_space<hbm>>) dst(%arg18 : memref<136x128xf32, #tpu.memory_space<vmem>>)
    %add3A_101 = arith.constant 2720 : i32
    %add3A_102 = arith.addi %mul3A_2, %add3A_101 : i32
    "tpu.region"() ({
      %run_scoped3A = tpu.sem_alloc : memref<!tpu.dma_semaphore, #tpu.memory_space<semaphore_mem>>
      %dma_start3A_124 = arith.constant 0 : i32
      %dma_start3A_125 = tpu.memref_slice %arg10[%add3A_102, %dma_start3A_124] : memref<100096x128xf32, #tpu.memory_space<hbm>> -> memref<136x128xf32, #tpu.memory_space<hbm>>
      %dma_start3A_126 = arith.constant 0 : i32
      %dma_start3A_127 = tpu.memref_slice %arg10[%add3A_102, %dma_start3A_126] : memref<100096x128xf32, #tpu.memory_space<hbm>> -> memref<136x128xf32, #tpu.memory_space<hbm>>
      tpu.enqueue_dma source(%arg18 : memref<136x128xf32, #tpu.memory_space<vmem>>) target(%dma_start3A_127 : memref<136x128xf32, #tpu.memory_space<hbm>>) target_semaphore(%run_scoped3A : memref<!tpu.dma_semaphore, #tpu.memory_space<semaphore_mem>>)
      %dma_wait3A_128 = arith.constant 0 : i32
      %dma_wait3A_129 = tpu.memref_slice %arg10[%add3A_102, %dma_wait3A_128] : memref<100096x128xf32, #tpu.memory_space<hbm>> -> memref<136x128xf32, #tpu.memory_space<hbm>>
      %dma_wait3A_130 = arith.constant 0 : i32
      %dma_wait3A_131 = tpu.memref_slice %arg10[%add3A_102, %dma_wait3A_130] : memref<100096x128xf32, #tpu.memory_space<hbm>> -> memref<136x128xf32, #tpu.memory_space<hbm>>
      tpu.wait_dma2 semaphore(%run_scoped3A : memref<!tpu.dma_semaphore, #tpu.memory_space<semaphore_mem>>) src(%arg18 : memref<136x128xf32, #tpu.memory_space<vmem>>) dst(%dma_wait3A_131 : memref<136x128xf32, #tpu.memory_space<hbm>>)
      tpu.yield
    }) : () -> ()
    %dma_start3A_103 = arith.constant 2992 : i32
    %dma_start3A_104 = tpu.memref_slice %arg13[%dma_start3A_103] : memref<3128xi32, #tpu.memory_space<vmem>> -> memref<136xi32, #tpu.memory_space<vmem>>
    %dma_start3A_105 = arith.constant 0 : i32
    %dma_start3A_106 = arith.constant 0 : i32
    %dma_start3A_107 = tpu.memref_slice %arg4[%dma_start3A_105, %dma_start3A_106] : memref<80000x128xf32, #tpu.memory_space<hbm>> -> memref<80000x128xf32, #tpu.memory_space<hbm>>
    tpu.enqueue_indirect_dma source(%dma_start3A_107 : memref<80000x128xf32, #tpu.memory_space<hbm>>) target(%arg18 : memref<136x128xf32, #tpu.memory_space<vmem>>) offsets(%dma_start3A_104 : memref<136xi32, #tpu.memory_space<vmem>>) semaphore(%arg24 : memref<!tpu.dma_semaphore, #tpu.memory_space<semaphore_mem>>)
    %dma_wait3A_108 = arith.constant 0 : i32
    %dma_wait3A_109 = arith.constant 0 : i32
    %dma_wait3A_110 = tpu.memref_slice %arg4[%dma_wait3A_108, %dma_wait3A_109] : memref<80000x128xf32, #tpu.memory_space<hbm>> -> memref<136x128xf32, #tpu.memory_space<hbm>>
    %dma_wait3A_111 = arith.constant 0 : i32
    %dma_wait3A_112 = arith.constant 0 : i32
    %dma_wait3A_113 = tpu.memref_slice %arg4[%dma_wait3A_111, %dma_wait3A_112] : memref<80000x128xf32, #tpu.memory_space<hbm>> -> memref<136x128xf32, #tpu.memory_space<hbm>>
    tpu.wait_dma2 semaphore(%arg25 : memref<!tpu.dma_semaphore, #tpu.memory_space<semaphore_mem>>) src(%dma_wait3A_113 : memref<136x128xf32, #tpu.memory_space<hbm>>) dst(%arg19 : memref<136x128xf32, #tpu.memory_space<vmem>>)
    %add3A_114 = arith.constant 2856 : i32
    %add3A_115 = arith.addi %mul3A_2, %add3A_114 : i32
    "tpu.region"() ({
      %run_scoped3A = tpu.sem_alloc : memref<!tpu.dma_semaphore, #tpu.memory_space<semaphore_mem>>
      %dma_start3A_124 = arith.constant 0 : i32
      %dma_start3A_125 = tpu.memref_slice %arg10[%add3A_115, %dma_start3A_124] : memref<100096x128xf32, #tpu.memory_space<hbm>> -> memref<136x128xf32, #tpu.memory_space<hbm>>
      %dma_start3A_126 = arith.constant 0 : i32
      %dma_start3A_127 = tpu.memref_slice %arg10[%add3A_115, %dma_start3A_126] : memref<100096x128xf32, #tpu.memory_space<hbm>> -> memref<136x128xf32, #tpu.memory_space<hbm>>
      tpu.enqueue_dma source(%arg19 : memref<136x128xf32, #tpu.memory_space<vmem>>) target(%dma_start3A_127 : memref<136x128xf32, #tpu.memory_space<hbm>>) target_semaphore(%run_scoped3A : memref<!tpu.dma_semaphore, #tpu.memory_space<semaphore_mem>>)
      %dma_wait3A_128 = arith.constant 0 : i32
      %dma_wait3A_129 = tpu.memref_slice %arg10[%add3A_115, %dma_wait3A_128] : memref<100096x128xf32, #tpu.memory_space<hbm>> -> memref<136x128xf32, #tpu.memory_space<hbm>>
      %dma_wait3A_130 = arith.constant 0 : i32
      %dma_wait3A_131 = tpu.memref_slice %arg10[%add3A_115, %dma_wait3A_130] : memref<100096x128xf32, #tpu.memory_space<hbm>> -> memref<136x128xf32, #tpu.memory_space<hbm>>
      tpu.wait_dma2 semaphore(%run_scoped3A : memref<!tpu.dma_semaphore, #tpu.memory_space<semaphore_mem>>) src(%arg19 : memref<136x128xf32, #tpu.memory_space<vmem>>) dst(%dma_wait3A_131 : memref<136x128xf32, #tpu.memory_space<hbm>>)
      tpu.yield
    }) : () -> ()
    %dma_wait3A_116 = arith.constant 0 : i32
    %dma_wait3A_117 = arith.constant 0 : i32
    %dma_wait3A_118 = tpu.memref_slice %arg4[%dma_wait3A_116, %dma_wait3A_117] : memref<80000x128xf32, #tpu.memory_space<hbm>> -> memref<136x128xf32, #tpu.memory_space<hbm>>
    %dma_wait3A_119 = arith.constant 0 : i32
    %dma_wait3A_120 = arith.constant 0 : i32
    %dma_wait3A_121 = tpu.memref_slice %arg4[%dma_wait3A_119, %dma_wait3A_120] : memref<80000x128xf32, #tpu.memory_space<hbm>> -> memref<136x128xf32, #tpu.memory_space<hbm>>
    tpu.wait_dma2 semaphore(%arg24 : memref<!tpu.dma_semaphore, #tpu.memory_space<semaphore_mem>>) src(%dma_wait3A_121 : memref<136x128xf32, #tpu.memory_space<hbm>>) dst(%arg18 : memref<136x128xf32, #tpu.memory_space<vmem>>)
    %add3A_122 = arith.constant 2992 : i32
    %add3A_123 = arith.addi %mul3A_2, %add3A_122 : i32
    "tpu.region"() ({
      %run_scoped3A = tpu.sem_alloc : memref<!tpu.dma_semaphore, #tpu.memory_space<semaphore_mem>>
      %dma_start3A_124 = arith.constant 0 : i32
      %dma_start3A_125 = tpu.memref_slice %arg10[%add3A_123, %dma_start3A_124] : memref<100096x128xf32, #tpu.memory_space<hbm>> -> memref<136x128xf32, #tpu.memory_space<hbm>>
      %dma_start3A_126 = arith.constant 0 : i32
      %dma_start3A_127 = tpu.memref_slice %arg10[%add3A_123, %dma_start3A_126] : memref<100096x128xf32, #tpu.memory_space<hbm>> -> memref<136x128xf32, #tpu.memory_space<hbm>>
      tpu.enqueue_dma source(%arg18 : memref<136x128xf32, #tpu.memory_space<vmem>>) target(%dma_start3A_127 : memref<136x128xf32, #tpu.memory_space<hbm>>) target_semaphore(%run_scoped3A : memref<!tpu.dma_semaphore, #tpu.memory_space<semaphore_mem>>)
      %dma_wait3A_128 = arith.constant 0 : i32
      %dma_wait3A_129 = tpu.memref_slice %arg10[%add3A_123, %dma_wait3A_128] : memref<100096x128xf32, #tpu.memory_space<hbm>> -> memref<136x128xf32, #tpu.memory_space<hbm>>
      %dma_wait3A_130 = arith.constant 0 : i32
      %dma_wait3A_131 = tpu.memref_slice %arg10[%add3A_123, %dma_wait3A_130] : memref<100096x128xf32, #tpu.memory_space<hbm>> -> memref<136x128xf32, #tpu.memory_space<hbm>>
      tpu.wait_dma2 semaphore(%run_scoped3A : memref<!tpu.dma_semaphore, #tpu.memory_space<semaphore_mem>>) src(%arg18 : memref<136x128xf32, #tpu.memory_space<vmem>>) dst(%dma_wait3A_131 : memref<136x128xf32, #tpu.memory_space<hbm>>)
      tpu.yield
    }) : () -> ()
    return
  }
}

module attributes {stable_mosaic.version = 14 : i64} {
  func.func @_merge_body(%arg0: memref<32x100096xi32, #tpu.memory_space<vmem>>, %arg1: memref<32x100096xi32, #tpu.memory_space<vmem>>, %arg2: memref<100096xi32, #tpu.memory_space<vmem>>, %arg3: memref<100096xi32, #tpu.memory_space<vmem>>, %arg4: memref<100096xi32, #tpu.memory_space<vmem>>, %arg5: memref<100096xi32, #tpu.memory_space<vmem>>, %arg6: memref<100096xf32, #tpu.memory_space<vmem>>) attributes {dimension_semantics = [], scalar_prefetch = 0 : i64, scratch_operands = 0 : i64, tpu.core_type = #tpu.core_type<tc>} {
    %get3A = arith.constant 0 : index
    %get3A_0 = arith.constant 0 : index
    %get3A_1 = vector.load %arg0[%get3A, %get3A_0] : memref<32x100096xi32, #tpu.memory_space<vmem>>, vector<32x100096xi32>
    %reduce_max3A = arith.constant dense<-2147483648> : vector<100096xi32>
    %reduce_max3A_2 = vector.multi_reduction <maxsi>, %get3A_1, %reduce_max3A [0] : vector<32x100096xi32> to vector<100096xi32>
    %get3A_3 = arith.constant 0 : index
    %get3A_4 = arith.constant 0 : index
    %get3A_5 = vector.load %arg1[%get3A_3, %get3A_4] : memref<32x100096xi32, #tpu.memory_space<vmem>>, vector<32x100096xi32>
    %reduce_max3A_6 = arith.constant dense<-2147483648> : vector<100096xi32>
    %reduce_max3A_7 = vector.multi_reduction <maxsi>, %get3A_5, %reduce_max3A_6 [0] : vector<32x100096xi32> to vector<100096xi32>
    %max3A = arith.constant 0 : i32
    %max3A_8 = vector.broadcast %max3A : i32 to vector<100096xi32>
    %max3A_9 = arith.maxsi %reduce_max3A_2, %max3A_8 : vector<100096xi32>
    %max3A_10 = arith.constant 0 : i32
    %max3A_11 = vector.broadcast %max3A_10 : i32 to vector<100096xi32>
    %max3A_12 = arith.maxsi %reduce_max3A_7, %max3A_11 : vector<100096xi32>
    %ge3A = arith.constant 0 : i32
    %ge3A_13 = vector.broadcast %ge3A : i32 to vector<100096xi32>
    %ge3A_14 = arith.cmpi sge, %reduce_max3A_7, %ge3A_13 : vector<100096xi32>
    %select_n3A = arith.select %ge3A_14, %max3A_12, %max3A_9 : vector<100096xi1>, vector<100096xi32>
    %swap3A = arith.constant 0 : index
    %swap3A_15 = vector.load %arg2[%swap3A] : memref<100096xi32, #tpu.memory_space<vmem>>, vector<100096xi32>
    tpu.vector_store %arg2[%swap3A], %max3A_9 {strides = array<i32>} : memref<100096xi32, #tpu.memory_space<vmem>>, vector<100096xi32>,
    %swap3A_16 = arith.constant 0 : index
    %swap3A_17 = vector.load %arg3[%swap3A_16] : memref<100096xi32, #tpu.memory_space<vmem>>, vector<100096xi32>
    tpu.vector_store %arg3[%swap3A_16], %max3A_12 {strides = array<i32>} : memref<100096xi32, #tpu.memory_space<vmem>>, vector<100096xi32>,
    %shift_right_logical3A = arith.constant 2 : i32
    %shift_right_logical3A_18 = vector.broadcast %shift_right_logical3A : i32 to vector<100096xi32>
    %shift_right_logical3A_19 = arith.shrui %select_n3A, %shift_right_logical3A_18 : vector<100096xi32>
    %swap3A_20 = arith.constant 0 : index
    %swap3A_21 = vector.load %arg4[%swap3A_20] : memref<100096xi32, #tpu.memory_space<vmem>>, vector<100096xi32>
    tpu.vector_store %arg4[%swap3A_20], %shift_right_logical3A_19 {strides = array<i32>} : memref<100096xi32, #tpu.memory_space<vmem>>, vector<100096xi32>,
    %and3A = arith.constant 3 : i32
    %and3A_22 = vector.broadcast %and3A : i32 to vector<100096xi32>
    %and3A_23 = arith.andi %select_n3A, %and3A_22 : vector<100096xi32>
    %swap3A_24 = arith.constant 0 : index
    %swap3A_25 = vector.load %arg5[%swap3A_24] : memref<100096xi32, #tpu.memory_space<vmem>>, vector<100096xi32>
    tpu.vector_store %arg5[%swap3A_24], %and3A_23 {strides = array<i32>} : memref<100096xi32, #tpu.memory_space<vmem>>, vector<100096xi32>,
    %ge3A_26 = arith.constant 0 : i32
    %ge3A_27 = vector.broadcast %ge3A_26 : i32 to vector<100096xi32>
    %ge3A_28 = arith.cmpi sge, %reduce_max3A_7, %ge3A_27 : vector<100096xi32>
    %convert_element_type3A = arith.extui %ge3A_28 : vector<100096xi1> to vector<100096xi32>
    %convert_element_type3A_29 = arith.sitofp %convert_element_type3A : vector<100096xi32> to vector<100096xf32>
    %swap3A_30 = arith.constant 0 : index
    %swap3A_31 = vector.load %arg6[%swap3A_30] : memref<100096xf32, #tpu.memory_space<vmem>>, vector<100096xf32>
    tpu.vector_store %arg6[%swap3A_30], %convert_element_type3A_29 {strides = array<i32>} : memref<100096xf32, #tpu.memory_space<vmem>>, vector<100096xf32>,
    return
  }
}

module attributes {stable_mosaic.version = 14 : i64} {
  func.func @_node_enc_body(%arg0: i32, %arg1: memref<3128x128xf32, #tpu.memory_space<vmem>>, %arg2: memref<3128x128xf32, #tpu.memory_space<vmem>>, %arg3: memref<3128x128xf32, #tpu.memory_space<vmem>>, %arg4: memref<3128x1xi32, #tpu.memory_space<vmem>>, %arg5: memref<3128x1xf32, #tpu.memory_space<vmem>>, %arg6: memref<128x128xf32, #tpu.memory_space<vmem>>, %arg7: memref<32x128xf32, #tpu.memory_space<vmem>>, %arg8: memref<3128x128xi32, #tpu.memory_space<vmem>>, %arg9: memref<3128x128xi32, #tpu.memory_space<vmem>>) attributes {dimension_semantics = [#tpu.dimension_semantics<arbitrary>], iteration_bounds = array<i64: 32>, scalar_prefetch = 0 : i64, scratch_operands = 0 : i64, tpu.core_type = #tpu.core_type<tc>, window_params = [{transform_indices = @transform_0, window_bounds = array<i64: 3128, 128>}, {transform_indices = @transform_1, window_bounds = array<i64: 3128, 128>}, {transform_indices = @transform_2, window_bounds = array<i64: 3128, 128>}, {transform_indices = @transform_3, window_bounds = array<i64: 3128, 1>}, {transform_indices = @transform_4, window_bounds = array<i64: 3128, 1>}, {pipeline_mode = #tpu.pipeline_mode<synchronous>, transform_indices = @transform_5, window_bounds = array<i64: 128, 128>}, {pipeline_mode = #tpu.pipeline_mode<synchronous>, transform_indices = @transform_6, window_bounds = array<i64: 32, 128>}, {transform_indices = @transform_7, window_bounds = array<i64: 3128, 128>}, {transform_indices = @transform_8, window_bounds = array<i64: 3128, 128>}]} {
    %get3A = arith.constant 0 : index
    %get3A_0 = arith.constant 0 : index
    %get3A_1 = vector.load %arg1[%get3A, %get3A_0] : memref<3128x128xf32, #tpu.memory_space<vmem>>, vector<3128x128xf32>
    %get3A_2 = arith.constant 0 : index
    %get3A_3 = arith.constant 0 : index
    %get3A_4 = vector.load %arg6[%get3A_2, %get3A_3] : memref<128x128xf32, #tpu.memory_space<vmem>>, vector<128x128xf32>
    %dot_general3A = arith.constant dense<0.000000e+00> : vector<3128x128xf32>
    %dot_general3A_5 = tpu.matmul %get3A_1, %get3A_4, %dot_general3A {dimension_numbers = #tpu.dot_dimension_numbers<[1], [0], [0], [1], [0, 0, 1, 1], [], []>, transpose_lhs_hint = false} : vector<3128x128xf32>, vector<128x128xf32>, vector<3128x128xf32> -> vector<3128x128xf32>
    %max3A = arith.constant 0.000000e+00 : f32
    %max3A_6 = vector.broadcast %max3A : f32 to vector<3128x128xf32>
    %max3A_7 = arith.maximumf %dot_general3A_5, %max3A_6 : vector<3128x128xf32>
    %get3A_8 = arith.constant 0 : index
    %get3A_9 = arith.constant 0 : index
    %get3A_10 = vector.load %arg2[%get3A_8, %get3A_9] : memref<3128x128xf32, #tpu.memory_space<vmem>>, vector<3128x128xf32>
    %get3A_11 = arith.constant 0 : index
    %get3A_12 = arith.constant 0 : index
    %get3A_13 = vector.load %arg6[%get3A_11, %get3A_12] : memref<128x128xf32, #tpu.memory_space<vmem>>, vector<128x128xf32>
    %dot_general3A_14 = arith.constant dense<0.000000e+00> : vector<3128x128xf32>
    %dot_general3A_15 = tpu.matmul %get3A_10, %get3A_13, %dot_general3A_14 {dimension_numbers = #tpu.dot_dimension_numbers<[1], [0], [0], [1], [0, 0, 1, 1], [], []>, transpose_lhs_hint = false} : vector<3128x128xf32>, vector<128x128xf32>, vector<3128x128xf32> -> vector<3128x128xf32>
    %max3A_16 = arith.constant 0.000000e+00 : f32
    %max3A_17 = vector.broadcast %max3A_16 : f32 to vector<3128x128xf32>
    %max3A_18 = arith.maximumf %dot_general3A_15, %max3A_17 : vector<3128x128xf32>
    %get3A_19 = arith.constant 0 : index
    %get3A_20 = arith.constant 0 : index
    %get3A_21 = vector.load %arg3[%get3A_19, %get3A_20] : memref<3128x128xf32, #tpu.memory_space<vmem>>, vector<3128x128xf32>
    %get3A_22 = arith.constant 0 : index
    %get3A_23 = arith.constant 0 : index
    %get3A_24 = vector.load %arg4[%get3A_22, %get3A_23] : memref<3128x1xi32, #tpu.memory_space<vmem>>, vector<3128x1xi32>
    %broadcast_in_dim3A = arith.constant 0.000000e+00 : f32
    %broadcast_in_dim3A_25 = vector.broadcast %broadcast_in_dim3A : f32 to vector<3128x32xf32>
    %eq3A = arith.constant 0 : i32
    %eq3A_26 = vector.broadcast %eq3A : i32 to vector<3128x1xi32>
    %eq3A_27 = arith.cmpi eq, %get3A_24, %eq3A_26 : vector<3128x1xi32>
    %slice3A = vector.extract_strided_slice %get3A_21 {offsets = [0, 0], sizes = [3128, 32], strides = [1, 1]} : vector<3128x128xf32> to vector<3128x32xf32>
    %jit3A = arith.constant 0.000000e+00 : f32
    %broadcast_in_dim3A_28 = vector.shape_cast %eq3A_27 : vector<3128x1xi1> to vector<3128x1xi1>
    %broadcast_in_dim3A_29 = vector.broadcast %broadcast_in_dim3A_28 : vector<3128x1xi1> to vector<3128x32xi1>
    %broadcast_in_dim3A_30 = vector.broadcast %jit3A : f32 to vector<3128x32xf32>
    %select_n3A = arith.select %broadcast_in_dim3A_29, %slice3A, %broadcast_in_dim3A_30 : vector<3128x32xi1>, vector<3128x32xf32>
    %add3A = arith.addf %broadcast_in_dim3A_25, %select_n3A : vector<3128x32xf32>
    %eq3A_31 = arith.constant 1 : i32
    %eq3A_32 = vector.broadcast %eq3A_31 : i32 to vector<3128x1xi32>
    %eq3A_33 = arith.cmpi eq, %get3A_24, %eq3A_32 : vector<3128x1xi32>
    %slice3A_34 = vector.extract_strided_slice %get3A_21 {offsets = [0, 32], sizes = [3128, 32], strides = [1, 1]} : vector<3128x128xf32> to vector<3128x32xf32>
    %jit3A_35 = arith.constant 0.000000e+00 : f32
    %broadcast_in_dim3A_36 = vector.shape_cast %eq3A_33 : vector<3128x1xi1> to vector<3128x1xi1>
    %broadcast_in_dim3A_37 = vector.broadcast %broadcast_in_dim3A_36 : vector<3128x1xi1> to vector<3128x32xi1>
    %broadcast_in_dim3A_38 = vector.broadcast %jit3A_35 : f32 to vector<3128x32xf32>
    %select_n3A_39 = arith.select %broadcast_in_dim3A_37, %slice3A_34, %broadcast_in_dim3A_38 : vector<3128x32xi1>, vector<3128x32xf32>
    %add3A_40 = arith.addf %add3A, %select_n3A_39 : vector<3128x32xf32>
    %eq3A_41 = arith.constant 2 : i32
    %eq3A_42 = vector.broadcast %eq3A_41 : i32 to vector<3128x1xi32>
    %eq3A_43 = arith.cmpi eq, %get3A_24, %eq3A_42 : vector<3128x1xi32>
    %slice3A_44 = vector.extract_strided_slice %get3A_21 {offsets = [0, 64], sizes = [3128, 32], strides = [1, 1]} : vector<3128x128xf32> to vector<3128x32xf32>
    %jit3A_45 = arith.constant 0.000000e+00 : f32
    %broadcast_in_dim3A_46 = vector.shape_cast %eq3A_43 : vector<3128x1xi1> to vector<3128x1xi1>
    %broadcast_in_dim3A_47 = vector.broadcast %broadcast_in_dim3A_46 : vector<3128x1xi1> to vector<3128x32xi1>
    %broadcast_in_dim3A_48 = vector.broadcast %jit3A_45 : f32 to vector<3128x32xf32>
    %select_n3A_49 = arith.select %broadcast_in_dim3A_47, %slice3A_44, %broadcast_in_dim3A_48 : vector<3128x32xi1>, vector<3128x32xf32>
    %add3A_50 = arith.addf %add3A_40, %select_n3A_49 : vector<3128x32xf32>
    %eq3A_51 = arith.constant 3 : i32
    %eq3A_52 = vector.broadcast %eq3A_51 : i32 to vector<3128x1xi32>
    %eq3A_53 = arith.cmpi eq, %get3A_24, %eq3A_52 : vector<3128x1xi32>
    %slice3A_54 = vector.extract_strided_slice %get3A_21 {offsets = [0, 96], sizes = [3128, 32], strides = [1, 1]} : vector<3128x128xf32> to vector<3128x32xf32>
    %jit3A_55 = arith.constant 0.000000e+00 : f32
    %broadcast_in_dim3A_56 = vector.shape_cast %eq3A_53 : vector<3128x1xi1> to vector<3128x1xi1>
    %broadcast_in_dim3A_57 = vector.broadcast %broadcast_in_dim3A_56 : vector<3128x1xi1> to vector<3128x32xi1>
    %broadcast_in_dim3A_58 = vector.broadcast %jit3A_55 : f32 to vector<3128x32xf32>
    %select_n3A_59 = arith.select %broadcast_in_dim3A_57, %slice3A_54, %broadcast_in_dim3A_58 : vector<3128x32xi1>, vector<3128x32xf32>
    %add3A_60 = arith.addf %add3A_50, %select_n3A_59 : vector<3128x32xf32>
    %get3A_61 = arith.constant 0 : index
    %get3A_62 = arith.constant 0 : index
    %get3A_63 = vector.load %arg7[%get3A_61, %get3A_62] : memref<32x128xf32, #tpu.memory_space<vmem>>, vector<32x128xf32>
    %dot_general3A_64 = arith.constant dense<0.000000e+00> : vector<3128x128xf32>
    %dot_general3A_65 = tpu.matmul %add3A_60, %get3A_63, %dot_general3A_64 {dimension_numbers = #tpu.dot_dimension_numbers<[1], [0], [0], [1], [0, 0, 1, 1], [], []>, transpose_lhs_hint = false} : vector<3128x32xf32>, vector<32x128xf32>, vector<3128x128xf32> -> vector<3128x128xf32>
    %get3A_66 = arith.constant 0 : index
    %get3A_67 = arith.constant 0 : index
    %get3A_68 = vector.load %arg5[%get3A_66, %get3A_67] : memref<3128x1xf32, #tpu.memory_space<vmem>>, vector<3128x1xf32>
    %gt3A = arith.constant 5.000000e-01 : f32
    %gt3A_69 = vector.broadcast %gt3A : f32 to vector<3128x1xf32>
    %gt3A_70 = arith.cmpf ogt, %get3A_68, %gt3A_69 : vector<3128x1xf32>
    %broadcast_in_dim3A_71 = vector.shape_cast %gt3A_70 : vector<3128x1xi1> to vector<3128x1xi1>
    %broadcast_in_dim3A_72 = vector.broadcast %broadcast_in_dim3A_71 : vector<3128x1xi1> to vector<3128x128xi1>
    %select_n3A_73 = arith.select %broadcast_in_dim3A_72, %max3A_18, %max3A_7 : vector<3128x128xi1>, vector<3128x128xf32>
    %add3A_74 = arith.addf %select_n3A_73, %dot_general3A_65 : vector<3128x128xf32>
    %bitcast_convert_type3A = tpu.bitcast %add3A_74 : vector<3128x128xf32> -> vector<3128x128xi32>
    %add3A_75 = arith.constant 32768 : i32
    %add3A_76 = vector.broadcast %add3A_75 : i32 to vector<3128x128xi32>
    %add3A_77 = arith.addi %bitcast_convert_type3A, %add3A_76 : vector<3128x128xi32>
    %and3A = arith.constant -65536 : i32
    %and3A_78 = vector.broadcast %and3A : i32 to vector<3128x128xi32>
    %and3A_79 = arith.andi %add3A_77, %and3A_78 : vector<3128x128xi32>
    %bitcast_convert_type3A_80 = tpu.bitcast %max3A_7 : vector<3128x128xf32> -> vector<3128x128xi32>
    %add3A_81 = arith.constant 32768 : i32
    %add3A_82 = vector.broadcast %add3A_81 : i32 to vector<3128x128xi32>
    %add3A_83 = arith.addi %bitcast_convert_type3A_80, %add3A_82 : vector<3128x128xi32>
    %shift_right_logical3A = arith.constant 16 : i32
    %shift_right_logical3A_84 = vector.broadcast %shift_right_logical3A : i32 to vector<3128x128xi32>
    %shift_right_logical3A_85 = arith.shrui %add3A_83, %shift_right_logical3A_84 : vector<3128x128xi32>
    %or3A = arith.ori %and3A_79, %shift_right_logical3A_85 : vector<3128x128xi32>
    %swap3A = arith.constant 0 : index
    %swap3A_86 = arith.constant 0 : index
    %swap3A_87 = vector.load %arg8[%swap3A, %swap3A_86] : memref<3128x128xi32, #tpu.memory_space<vmem>>, vector<3128x128xi32>
    tpu.vector_store %arg8[%swap3A, %swap3A_86], %or3A {strides = array<i32>} : memref<3128x128xi32, #tpu.memory_space<vmem>>, vector<3128x128xi32>,
    %bitcast_convert_type3A_88 = tpu.bitcast %max3A_18 : vector<3128x128xf32> -> vector<3128x128xi32>
    %add3A_89 = arith.constant 32768 : i32
    %add3A_90 = vector.broadcast %add3A_89 : i32 to vector<3128x128xi32>
    %add3A_91 = arith.addi %bitcast_convert_type3A_88, %add3A_90 : vector<3128x128xi32>
    %shift_right_logical3A_92 = arith.constant 16 : i32
    %shift_right_logical3A_93 = vector.broadcast %shift_right_logical3A_92 : i32 to vector<3128x128xi32>
    %shift_right_logical3A_94 = arith.shrui %add3A_91, %shift_right_logical3A_93 : vector<3128x128xi32>
    %or3A_95 = arith.ori %and3A_79, %shift_right_logical3A_94 : vector<3128x128xi32>
    %swap3A_96 = arith.constant 0 : index
    %swap3A_97 = arith.constant 0 : index
    %swap3A_98 = vector.load %arg9[%swap3A_96, %swap3A_97] : memref<3128x128xi32, #tpu.memory_space<vmem>>, vector<3128x128xi32>
    tpu.vector_store %arg9[%swap3A_96, %swap3A_97], %or3A_95 {strides = array<i32>} : memref<3128x128xi32, #tpu.memory_space<vmem>>, vector<3128x128xi32>,
    return
  }
  func.func @transform_0(%arg0: i32) -> (i32, i32) {
    %c0_i32 = arith.constant 0 : i32
    %c0_i32_0 = arith.constant 0 : i32
    return %arg0, %c0_i32 : i32, i32
  }
  func.func @transform_1(%arg0: i32) -> (i32, i32) {
    %c0_i32 = arith.constant 0 : i32
    %c0_i32_0 = arith.constant 0 : i32
    return %arg0, %c0_i32 : i32, i32
  }
  func.func @transform_2(%arg0: i32) -> (i32, i32) {
    %c0_i32 = arith.constant 0 : i32
    %c0_i32_0 = arith.constant 0 : i32
    return %arg0, %c0_i32 : i32, i32
  }
  func.func @transform_3(%arg0: i32) -> (i32, i32) {
    %c0_i32 = arith.constant 0 : i32
    %c0_i32_0 = arith.constant 0 : i32
    return %arg0, %c0_i32 : i32, i32
  }
  func.func @transform_4(%arg0: i32) -> (i32, i32) {
    %c0_i32 = arith.constant 0 : i32
    %c0_i32_0 = arith.constant 0 : i32
    return %arg0, %c0_i32 : i32, i32
  }
  func.func @transform_5(%arg0: i32) -> (i32, i32) {
    %c0_i32 = arith.constant 0 : i32
    %c0_i32_0 = arith.constant 0 : i32
    %c0_i32_1 = arith.constant 0 : i32
    return %c0_i32, %c0_i32_0 : i32, i32
  }
  func.func @transform_6(%arg0: i32) -> (i32, i32) {
    %c0_i32 = arith.constant 0 : i32
    %c0_i32_0 = arith.constant 0 : i32
    %c0_i32_1 = arith.constant 0 : i32
    return %c0_i32, %c0_i32_0 : i32, i32
  }
  func.func @transform_7(%arg0: i32) -> (i32, i32) {
    %c0_i32 = arith.constant 0 : i32
    %c0_i32_0 = arith.constant 0 : i32
    return %arg0, %c0_i32 : i32, i32
  }
  func.func @transform_8(%arg0: i32) -> (i32, i32) {
    %c0_i32 = arith.constant 0 : i32
    %c0_i32_0 = arith.constant 0 : i32
    return %arg0, %c0_i32 : i32, i32
  }
}

module attributes {stable_mosaic.version = 14 : i64} {
  func.func @_final_body(%arg0: i32, %arg1: memref<1600x128xi32, #tpu.memory_space<vmem>>, %arg2: memref<1600x128xi32, #tpu.memory_space<vmem>>, %arg3: memref<1600x16xf32, #tpu.memory_space<vmem>>, %arg4: memref<1600x16xf32, #tpu.memory_space<vmem>>, %arg5: memref<1x1x1600xi32, #tpu.memory_space<vmem>>, %arg6: memref<16x128xf32, #tpu.memory_space<vmem>>, %arg7: memref<16x128xf32, #tpu.memory_space<vmem>>, %arg8: memref<128x128xf32, #tpu.memory_space<vmem>>, %arg9: memref<8xf32, #tpu.memory_space<smem>>, %arg10: memref<2xf32, #tpu.memory_space<smem>>, %arg11: memref<2xf32, #tpu.memory_space<smem>>, %arg12: memref<1x128xf32, #tpu.memory_space<vmem>>) attributes {dimension_semantics = [#tpu.dimension_semantics<arbitrary>], iteration_bounds = array<i64: 200>, scalar_prefetch = 0 : i64, scratch_operands = 2 : i64, tpu.core_type = #tpu.core_type<tc>, window_params = [{transform_indices = @transform_0, window_bounds = array<i64: 1600, 128>}, {transform_indices = @transform_1, window_bounds = array<i64: 1600, 128>}, {transform_indices = @transform_2, window_bounds = array<i64: 1600, 16>}, {transform_indices = @transform_3, window_bounds = array<i64: 1600, 16>}, {transform_indices = @transform_4, window_bounds = array<i64: 1, 1, 1600>}, {pipeline_mode = #tpu.pipeline_mode<synchronous>, transform_indices = @transform_5, window_bounds = array<i64: 16, 128>}, {pipeline_mode = #tpu.pipeline_mode<synchronous>, transform_indices = @transform_6, window_bounds = array<i64: 16, 128>}, {pipeline_mode = #tpu.pipeline_mode<synchronous>, transform_indices = @transform_7, window_bounds = array<i64: 128, 128>}, {transform_indices = @transform_8, window_bounds = array<i64: 8>}, {transform_indices = @transform_9, window_bounds = array<i64: 2>}]} {
    %eq3A = arith.constant 0 : i32
    %eq3A_0 = arith.cmpi eq, %arg0, %eq3A : i32
    %convert_element_type3A = arith.extui %eq3A_0 : i1 to i32
    %cond3A = arith.constant 0 : i32
    %cond3A_1 = arith.cmpi ne, %convert_element_type3A, %cond3A : i32
    scf.if %cond3A_1 {
      %swap3A_167 = arith.constant 0.000000e+00 : f32
      %swap3A_168 = arith.constant 0 : index
      %swap3A_169 = memref.load %arg11[%swap3A_168] : memref<2xf32, #tpu.memory_space<smem>>
      memref.store %swap3A_167, %arg11[%swap3A_168] : memref<2xf32, #tpu.memory_space<smem>>
      %broadcast_in_dim3A_170 = arith.constant 0.000000e+00 : f32
      %broadcast_in_dim3A_171 = vector.broadcast %broadcast_in_dim3A_170 : f32 to vector<1x128xf32>
      %swap3A_172 = arith.constant 0 : index
      %swap3A_173 = arith.constant 0 : index
      %swap3A_174 = vector.load %arg12[%swap3A_172, %swap3A_173] : memref<1x128xf32, #tpu.memory_space<vmem>>, vector<1x128xf32>
      tpu.vector_store %arg12[%swap3A_172, %swap3A_173], %broadcast_in_dim3A_171 {strides = array<i32>} : memref<1x128xf32, #tpu.memory_space<vmem>>, vector<1x128xf32>,
    } else {
    }
    %get3A = arith.constant 0 : index
    %get3A_2 = arith.constant 0 : index
    %get3A_3 = vector.load %arg3[%get3A, %get3A_2] : memref<1600x16xf32, #tpu.memory_space<vmem>>, vector<1600x16xf32>
    %get3A_4 = arith.constant 0 : index
    %get3A_5 = arith.constant 0 : index
    %get3A_6 = vector.load %arg6[%get3A_4, %get3A_5] : memref<16x128xf32, #tpu.memory_space<vmem>>, vector<16x128xf32>
    %dot_general3A = arith.constant dense<0.000000e+00> : vector<1600x128xf32>
    %dot_general3A_7 = tpu.matmul %get3A_3, %get3A_6, %dot_general3A {dimension_numbers = #tpu.dot_dimension_numbers<[1], [0], [0], [1], [0, 0, 1, 1], [], []>, transpose_lhs_hint = false} : vector<1600x16xf32>, vector<16x128xf32>, vector<1600x128xf32> -> vector<1600x128xf32>
    %get3A_8 = arith.constant 0 : index
    %get3A_9 = arith.constant 0 : index
    %get3A_10 = vector.load %arg4[%get3A_8, %get3A_9] : memref<1600x16xf32, #tpu.memory_space<vmem>>, vector<1600x16xf32>
    %get3A_11 = arith.constant 0 : index
    %get3A_12 = arith.constant 0 : index
    %get3A_13 = vector.load %arg7[%get3A_11, %get3A_12] : memref<16x128xf32, #tpu.memory_space<vmem>>, vector<16x128xf32>
    %dot_general3A_14 = arith.constant dense<0.000000e+00> : vector<1600x128xf32>
    %dot_general3A_15 = tpu.matmul %get3A_10, %get3A_13, %dot_general3A_14 {dimension_numbers = #tpu.dot_dimension_numbers<[1], [0], [0], [1], [0, 0, 1, 1], [], []>, transpose_lhs_hint = false} : vector<1600x16xf32>, vector<16x128xf32>, vector<1600x128xf32> -> vector<1600x128xf32>
    %add3A = arith.addf %dot_general3A_7, %dot_general3A_15 : vector<1600x128xf32>
    %get3A_16 = arith.constant 0 : index
    %get3A_17 = arith.constant 0 : index
    %get3A_18 = vector.load %arg1[%get3A_16, %get3A_17] : memref<1600x128xi32, #tpu.memory_space<vmem>>, vector<1600x128xi32>
    %get3A_19 = arith.constant 0 : index
    %get3A_20 = arith.constant 0 : index
    %get3A_21 = vector.load %arg2[%get3A_19, %get3A_20] : memref<1600x128xi32, #tpu.memory_space<vmem>>, vector<1600x128xi32>
    %shift_left3A = arith.constant 16 : i32
    %shift_left3A_22 = vector.broadcast %shift_left3A : i32 to vector<1600x128xi32>
    %shift_left3A_23 = arith.shli %get3A_18, %shift_left3A_22 : vector<1600x128xi32>
    %bitcast_convert_type3A = tpu.bitcast %shift_left3A_23 : vector<1600x128xi32> -> vector<1600x128xf32>
    %add3A_24 = arith.addf %bitcast_convert_type3A, %add3A : vector<1600x128xf32>
    %shift_left3A_25 = arith.constant 16 : i32
    %shift_left3A_26 = vector.broadcast %shift_left3A_25 : i32 to vector<1600x128xi32>
    %shift_left3A_27 = arith.shli %get3A_21, %shift_left3A_26 : vector<1600x128xi32>
    %bitcast_convert_type3A_28 = tpu.bitcast %shift_left3A_27 : vector<1600x128xi32> -> vector<1600x128xf32>
    %add3A_29 = arith.addf %bitcast_convert_type3A_28, %add3A : vector<1600x128xf32>
    %get3A_30 = arith.constant 0 : index
    %get3A_31 = arith.constant 0 : index
    %get3A_32 = vector.load %arg8[%get3A_30, %get3A_31] : memref<128x128xf32, #tpu.memory_space<vmem>>, vector<128x128xf32>
    %dot_general3A_33 = arith.constant dense<0.000000e+00> : vector<1600x128xf32>
    %dot_general3A_34 = tpu.matmul %add3A_29, %get3A_32, %dot_general3A_33 {dimension_numbers = #tpu.dot_dimension_numbers<[1], [0], [0], [1], [0, 0, 1, 1], [], []>, transpose_lhs_hint = false} : vector<1600x128xf32>, vector<128x128xf32>, vector<1600x128xf32> -> vector<1600x128xf32>
    %broadcast_in_dim3A = arith.constant 1.000000e+00 : f32
    %broadcast_in_dim3A_35 = vector.broadcast %broadcast_in_dim3A : f32 to vector<128xf32>
    %mul3A = arith.mulf %add3A_24, %dot_general3A_34 : vector<1600x128xf32>
    %dot_general3A_36 = arith.constant dense<0.000000e+00> : vector<1600xf32>
    %dot_general3A_37 = tpu.matmul %mul3A, %broadcast_in_dim3A_35, %dot_general3A_36 {dimension_numbers = #tpu.dot_dimension_numbers<[1], [0], [0], [], [0, 0], [], []>, transpose_lhs_hint = false} : vector<1600x128xf32>, vector<128xf32>, vector<1600xf32> -> vector<1600xf32>
    %get3A_38 = arith.constant 0 : index
    %get3A_39 = arith.constant 0 : index
    %get3A_40 = arith.constant 0 : index
    %get3A_41 = vector.load %arg5[%get3A_38, %get3A_39, %get3A_40] : memref<1x1x1600xi32, #tpu.memory_space<vmem>>, vector<1x1x1600xi32>
    %get3A_42 = vector.shape_cast %get3A_41 : vector<1x1x1600xi32> to vector<1600xi32>
    %broadcast_in_dim3A_43 = arith.constant 0.000000e+00 : f32
    %broadcast_in_dim3A_44 = vector.broadcast %broadcast_in_dim3A_43 : f32 to vector<1600xf32>
    %eq3A_45 = arith.constant 0 : i32
    %eq3A_46 = vector.broadcast %eq3A_45 : i32 to vector<1600xi32>
    %eq3A_47 = arith.cmpi eq, %get3A_42, %eq3A_46 : vector<1600xi32>
    %get3A_48 = arith.constant 0 : index
    %get3A_49 = memref.load %arg9[%get3A_48] : memref<8xf32, #tpu.memory_space<smem>>
    %jit3A = arith.constant 0.000000e+00 : f32
    %broadcast_in_dim3A_50 = vector.broadcast %get3A_49 : f32 to vector<1600xf32>
    %broadcast_in_dim3A_51 = vector.broadcast %jit3A : f32 to vector<1600xf32>
    %select_n3A = arith.select %eq3A_47, %broadcast_in_dim3A_50, %broadcast_in_dim3A_51 : vector<1600xi1>, vector<1600xf32>
    %add3A_52 = arith.addf %broadcast_in_dim3A_44, %select_n3A : vector<1600xf32>
    %eq3A_53 = arith.constant 1 : i32
    %eq3A_54 = vector.broadcast %eq3A_53 : i32 to vector<1600xi32>
    %eq3A_55 = arith.cmpi eq, %get3A_42, %eq3A_54 : vector<1600xi32>
    %get3A_56 = arith.constant 1 : index
    %get3A_57 = memref.load %arg9[%get3A_56] : memref<8xf32, #tpu.memory_space<smem>>
    %jit3A_58 = arith.constant 0.000000e+00 : f32
    %broadcast_in_dim3A_59 = vector.broadcast %get3A_57 : f32 to vector<1600xf32>
    %broadcast_in_dim3A_60 = vector.broadcast %jit3A_58 : f32 to vector<1600xf32>
    %select_n3A_61 = arith.select %eq3A_55, %broadcast_in_dim3A_59, %broadcast_in_dim3A_60 : vector<1600xi1>, vector<1600xf32>
    %add3A_62 = arith.addf %add3A_52, %select_n3A_61 : vector<1600xf32>
    %eq3A_63 = arith.constant 2 : i32
    %eq3A_64 = vector.broadcast %eq3A_63 : i32 to vector<1600xi32>
    %eq3A_65 = arith.cmpi eq, %get3A_42, %eq3A_64 : vector<1600xi32>
    %get3A_66 = arith.constant 2 : index
    %get3A_67 = memref.load %arg9[%get3A_66] : memref<8xf32, #tpu.memory_space<smem>>
    %jit3A_68 = arith.constant 0.000000e+00 : f32
    %broadcast_in_dim3A_69 = vector.broadcast %get3A_67 : f32 to vector<1600xf32>
    %broadcast_in_dim3A_70 = vector.broadcast %jit3A_68 : f32 to vector<1600xf32>
    %select_n3A_71 = arith.select %eq3A_65, %broadcast_in_dim3A_69, %broadcast_in_dim3A_70 : vector<1600xi1>, vector<1600xf32>
    %add3A_72 = arith.addf %add3A_62, %select_n3A_71 : vector<1600xf32>
    %eq3A_73 = arith.constant 3 : i32
    %eq3A_74 = vector.broadcast %eq3A_73 : i32 to vector<1600xi32>
    %eq3A_75 = arith.cmpi eq, %get3A_42, %eq3A_74 : vector<1600xi32>
    %get3A_76 = arith.constant 3 : index
    %get3A_77 = memref.load %arg9[%get3A_76] : memref<8xf32, #tpu.memory_space<smem>>
    %jit3A_78 = arith.constant 0.000000e+00 : f32
    %broadcast_in_dim3A_79 = vector.broadcast %get3A_77 : f32 to vector<1600xf32>
    %broadcast_in_dim3A_80 = vector.broadcast %jit3A_78 : f32 to vector<1600xf32>
    %select_n3A_81 = arith.select %eq3A_75, %broadcast_in_dim3A_79, %broadcast_in_dim3A_80 : vector<1600xi1>, vector<1600xf32>
    %add3A_82 = arith.addf %add3A_72, %select_n3A_81 : vector<1600xf32>
    %eq3A_83 = arith.constant 4 : i32
    %eq3A_84 = vector.broadcast %eq3A_83 : i32 to vector<1600xi32>
    %eq3A_85 = arith.cmpi eq, %get3A_42, %eq3A_84 : vector<1600xi32>
    %get3A_86 = arith.constant 4 : index
    %get3A_87 = memref.load %arg9[%get3A_86] : memref<8xf32, #tpu.memory_space<smem>>
    %jit3A_88 = arith.constant 0.000000e+00 : f32
    %broadcast_in_dim3A_89 = vector.broadcast %get3A_87 : f32 to vector<1600xf32>
    %broadcast_in_dim3A_90 = vector.broadcast %jit3A_88 : f32 to vector<1600xf32>
    %select_n3A_91 = arith.select %eq3A_85, %broadcast_in_dim3A_89, %broadcast_in_dim3A_90 : vector<1600xi1>, vector<1600xf32>
    %add3A_92 = arith.addf %add3A_82, %select_n3A_91 : vector<1600xf32>
    %eq3A_93 = arith.constant 5 : i32
    %eq3A_94 = vector.broadcast %eq3A_93 : i32 to vector<1600xi32>
    %eq3A_95 = arith.cmpi eq, %get3A_42, %eq3A_94 : vector<1600xi32>
    %get3A_96 = arith.constant 5 : index
    %get3A_97 = memref.load %arg9[%get3A_96] : memref<8xf32, #tpu.memory_space<smem>>
    %jit3A_98 = arith.constant 0.000000e+00 : f32
    %broadcast_in_dim3A_99 = vector.broadcast %get3A_97 : f32 to vector<1600xf32>
    %broadcast_in_dim3A_100 = vector.broadcast %jit3A_98 : f32 to vector<1600xf32>
    %select_n3A_101 = arith.select %eq3A_95, %broadcast_in_dim3A_99, %broadcast_in_dim3A_100 : vector<1600xi1>, vector<1600xf32>
    %add3A_102 = arith.addf %add3A_92, %select_n3A_101 : vector<1600xf32>
    %eq3A_103 = arith.constant 6 : i32
    %eq3A_104 = vector.broadcast %eq3A_103 : i32 to vector<1600xi32>
    %eq3A_105 = arith.cmpi eq, %get3A_42, %eq3A_104 : vector<1600xi32>
    %get3A_106 = arith.constant 6 : index
    %get3A_107 = memref.load %arg9[%get3A_106] : memref<8xf32, #tpu.memory_space<smem>>
    %jit3A_108 = arith.constant 0.000000e+00 : f32
    %broadcast_in_dim3A_109 = vector.broadcast %get3A_107 : f32 to vector<1600xf32>
    %broadcast_in_dim3A_110 = vector.broadcast %jit3A_108 : f32 to vector<1600xf32>
    %select_n3A_111 = arith.select %eq3A_105, %broadcast_in_dim3A_109, %broadcast_in_dim3A_110 : vector<1600xi1>, vector<1600xf32>
    %add3A_112 = arith.addf %add3A_102, %select_n3A_111 : vector<1600xf32>
    %eq3A_113 = arith.constant 7 : i32
    %eq3A_114 = vector.broadcast %eq3A_113 : i32 to vector<1600xi32>
    %eq3A_115 = arith.cmpi eq, %get3A_42, %eq3A_114 : vector<1600xi32>
    %get3A_116 = arith.constant 7 : index
    %get3A_117 = memref.load %arg9[%get3A_116] : memref<8xf32, #tpu.memory_space<smem>>
    %jit3A_118 = arith.constant 0.000000e+00 : f32
    %broadcast_in_dim3A_119 = vector.broadcast %get3A_117 : f32 to vector<1600xf32>
    %broadcast_in_dim3A_120 = vector.broadcast %jit3A_118 : f32 to vector<1600xf32>
    %select_n3A_121 = arith.select %eq3A_115, %broadcast_in_dim3A_119, %broadcast_in_dim3A_120 : vector<1600xi1>, vector<1600xf32>
    %add3A_122 = arith.addf %add3A_112, %select_n3A_121 : vector<1600xf32>
    %add3A_123 = arith.addf %dot_general3A_37, %add3A_122 : vector<1600xf32>
    %neg3A = arith.constant 0.000000e+00 : f32
    %neg3A_124 = vector.broadcast %neg3A : f32 to vector<1600xf32>
    %neg3A_125 = arith.subf %neg3A_124, %add3A_123 : vector<1600xf32>
    %max3A = arith.constant 0.000000e+00 : f32
    %max3A_126 = vector.broadcast %max3A : f32 to vector<1600xf32>
    %max3A_127 = arith.maximumf %neg3A_125, %max3A_126 : vector<1600xf32>
    %abs3A = math.absf %add3A_123 : vector<1600xf32>
    %neg3A_128 = arith.constant 0.000000e+00 : f32
    %neg3A_129 = vector.broadcast %neg3A_128 : f32 to vector<1600xf32>
    %neg3A_130 = arith.subf %neg3A_129, %abs3A : vector<1600xf32>
    %exp3A = math.exp %neg3A_130 : vector<1600xf32>
    %log1p3A = math.log1p %exp3A : vector<1600xf32>
    %add3A_131 = arith.addf %max3A_127, %log1p3A : vector<1600xf32>
    %and3A = arith.constant -65536 : i32
    %and3A_132 = vector.broadcast %and3A : i32 to vector<1600x128xi32>
    %and3A_133 = arith.andi %get3A_18, %and3A_132 : vector<1600x128xi32>
    %bitcast_convert_type3A_134 = tpu.bitcast %and3A_133 : vector<1600x128xi32> -> vector<1600x128xf32>
    %sub3A = arith.subf %add3A_24, %bitcast_convert_type3A_134 : vector<1600x128xf32>
    %and3A_135 = arith.constant -65536 : i32
    %and3A_136 = vector.broadcast %and3A_135 : i32 to vector<1600x128xi32>
    %and3A_137 = arith.andi %get3A_21, %and3A_136 : vector<1600x128xi32>
    %bitcast_convert_type3A_138 = tpu.bitcast %and3A_137 : vector<1600x128xi32> -> vector<1600x128xf32>
    %sub3A_139 = arith.subf %add3A_29, %bitcast_convert_type3A_138 : vector<1600x128xf32>
    %mul3A_140 = arith.mulf %sub3A, %sub3A : vector<1600x128xf32>
    %mul3A_141 = arith.mulf %sub3A_139, %sub3A_139 : vector<1600x128xf32>
    %add3A_142 = arith.addf %mul3A_140, %mul3A_141 : vector<1600x128xf32>
    %get3A_143 = arith.constant 0 : index
    %get3A_144 = arith.constant 0 : index
    %get3A_145 = vector.load %arg12[%get3A_143, %get3A_144] : memref<1x128xf32, #tpu.memory_space<vmem>>, vector<1x128xf32>
    %broadcast_in_dim3A_146 = arith.constant 1.000000e+00 : f32
    %broadcast_in_dim3A_147 = vector.broadcast %broadcast_in_dim3A_146 : f32 to vector<1x1600xf32>
    %dot_general3A_148 = arith.constant dense<0.000000e+00> : vector<1x128xf32>
    %dot_general3A_149 = tpu.matmul %broadcast_in_dim3A_147, %add3A_142, %dot_general3A_148 {dimension_numbers = #tpu.dot_dimension_numbers<[1], [0], [0], [1], [0, 0, 1, 1], [], []>, transpose_lhs_hint = false} : vector<1x1600xf32>, vector<1600x128xf32>, vector<1x128xf32> -> vector<1x128xf32>
    %add3A_150 = arith.addf %get3A_145, %dot_general3A_149 : vector<1x128xf32>
    %swap3A = arith.constant 0 : index
    %swap3A_151 = arith.constant 0 : index
    %swap3A_152 = vector.load %arg12[%swap3A, %swap3A_151] : memref<1x128xf32, #tpu.memory_space<vmem>>, vector<1x128xf32>
    tpu.vector_store %arg12[%swap3A, %swap3A_151], %add3A_150 {strides = array<i32>} : memref<1x128xf32, #tpu.memory_space<vmem>>, vector<1x128xf32>,
    %get3A_153 = arith.constant 0 : index
    %get3A_154 = memref.load %arg11[%get3A_153] : memref<2xf32, #tpu.memory_space<smem>>
    %reduce_sum3A = vector.shape_cast %add3A_131 : vector<1600xf32> to vector<1x1600xf32>
    %reduce_sum3A_155 = arith.constant dense<0.000000e+00> : vector<1xf32>
    %reduce_sum3A_156 = vector.multi_reduction <add>, %reduce_sum3A, %reduce_sum3A_155 [1] : vector<1x1600xf32> to vector<1xf32>
    %reduce_sum3A_157 = vector.shape_cast %reduce_sum3A_156 : vector<1xf32> to vector<1x1xf32>
    %reduce_sum3A_158 = vector.extract %reduce_sum3A_157[0, 0] : f32 from vector<1x1xf32>
    %add3A_159 = arith.addf %get3A_154, %reduce_sum3A_158 : f32
    %swap3A_160 = arith.constant 0 : index
    %swap3A_161 = memref.load %arg11[%swap3A_160] : memref<2xf32, #tpu.memory_space<smem>>
    memref.store %add3A_159, %arg11[%swap3A_160] : memref<2xf32, #tpu.memory_space<smem>>
    %eq3A_162 = arith.constant 199 : i32
    %eq3A_163 = arith.cmpi eq, %arg0, %eq3A_162 : i32
    %convert_element_type3A_164 = arith.extui %eq3A_163 : i1 to i32
    %cond3A_165 = arith.constant 0 : i32
    %cond3A_166 = arith.cmpi ne, %convert_element_type3A_164, %cond3A_165 : i32
    scf.if %cond3A_166 {
      %get3A_167 = arith.constant 0 : index
      %get3A_168 = memref.load %arg11[%get3A_167] : memref<2xf32, #tpu.memory_space<smem>>
      %swap3A_169 = arith.constant 0 : index
      %swap3A_170 = memref.load %arg10[%swap3A_169] : memref<2xf32, #tpu.memory_space<smem>>
      memref.store %get3A_168, %arg10[%swap3A_169] : memref<2xf32, #tpu.memory_space<smem>>
      %get3A_171 = arith.constant 0 : index
      %get3A_172 = arith.constant 0 : index
      %get3A_173 = vector.load %arg12[%get3A_171, %get3A_172] : memref<1x128xf32, #tpu.memory_space<vmem>>, vector<1x128xf32>
      %reduce_sum3A_174 = vector.shape_cast %get3A_173 : vector<1x128xf32> to vector<1x1x128xf32>
      %reduce_sum3A_175 = arith.constant dense<0.000000e+00> : vector<1xf32>
      %reduce_sum3A_176 = vector.multi_reduction <add>, %reduce_sum3A_174, %reduce_sum3A_175 [1, 2] : vector<1x1x128xf32> to vector<1xf32>
      %reduce_sum3A_177 = vector.shape_cast %reduce_sum3A_176 : vector<1xf32> to vector<1x1x1xf32>
      %reduce_sum3A_178 = vector.extract %reduce_sum3A_177[0, 0, 0] : f32 from vector<1x1x1xf32>
      %swap3A_179 = arith.constant 1 : index
      %swap3A_180 = memref.load %arg10[%swap3A_179] : memref<2xf32, #tpu.memory_space<smem>>
      memref.store %reduce_sum3A_178, %arg10[%swap3A_179] : memref<2xf32, #tpu.memory_space<smem>>
    } else {
    }
    return
  }
  func.func @transform_0(%arg0: i32) -> (i32, i32) {
    %c0_i32 = arith.constant 0 : i32
    %c0_i32_0 = arith.constant 0 : i32
    return %arg0, %c0_i32 : i32, i32
  }
  func.func @transform_1(%arg0: i32) -> (i32, i32) {
    %c0_i32 = arith.constant 0 : i32
    %c0_i32_0 = arith.constant 0 : i32
    return %arg0, %c0_i32 : i32, i32
  }
  func.func @transform_2(%arg0: i32) -> (i32, i32) {
    %c0_i32 = arith.constant 0 : i32
    %c0_i32_0 = arith.constant 0 : i32
    return %arg0, %c0_i32 : i32, i32
  }
  func.func @transform_3(%arg0: i32) -> (i32, i32) {
    %c0_i32 = arith.constant 0 : i32
    %c0_i32_0 = arith.constant 0 : i32
    return %arg0, %c0_i32 : i32, i32
  }
  func.func @transform_4(%arg0: i32) -> (i32, i32, i32) {
    %c0_i32 = arith.constant 0 : i32
    %c0_i32_0 = arith.constant 0 : i32
    %c0_i32_1 = arith.constant 0 : i32
    return %arg0, %c0_i32, %c0_i32_0 : i32, i32, i32
  }
  func.func @transform_5(%arg0: i32) -> (i32, i32) {
    %c0_i32 = arith.constant 0 : i32
    %c0_i32_0 = arith.constant 0 : i32
    %c0_i32_1 = arith.constant 0 : i32
    return %c0_i32, %c0_i32_0 : i32, i32
  }
  func.func @transform_6(%arg0: i32) -> (i32, i32) {
    %c0_i32 = arith.constant 0 : i32
    %c0_i32_0 = arith.constant 0 : i32
    %c0_i32_1 = arith.constant 0 : i32
    return %c0_i32, %c0_i32_0 : i32, i32
  }
  func.func @transform_7(%arg0: i32) -> (i32, i32) {
    %c0_i32 = arith.constant 0 : i32
    %c0_i32_0 = arith.constant 0 : i32
    %c0_i32_1 = arith.constant 0 : i32
    return %c0_i32, %c0_i32_0 : i32, i32
  }
  func.func @transform_8(%arg0: i32) -> i32 {
    %c0_i32 = arith.constant 0 : i32
    %c0_i32_0 = arith.constant 0 : i32
    return %c0_i32 : i32
  }
  func.func @transform_9(%arg0: i32) -> i32 {
    %c0_i32 = arith.constant 0 : i32
    %c0_i32_0 = arith.constant 0 : i32
    return %c0_i32 : i32
  }
}

</mosaic_0001>

<sc_bundles>
// kernel: kernel.11.cloned.1.call-start
scs
__scs_entry_jumppad:
0x0: {  	(pc) =	sbr.rel $0x88, $3  }
0x1: {  	(tag) =	ssettag $0x0;
	lr =	simm.s32 $0x1  }
0x2: {  	[smem:$0x3F95] =	sst lr;
	_ =	strace $0xD0000000  }
0x3: {  	_ = 	snop  }
0x4: {  	_ = 	snop  }
0x5: {  	_ = 	snop  }
0x6: {  	_ = 	snop  }
0x7: {  	_ = 	snop  }
__scs_overlays_trampoline_lowered:
0x8: {  	[smem:$0x3FA4] =	sst s0  }
0x9: {  	[smem:$0x3FA5] =	sst s1  }
0xa: {  	[smem:$0x3FA6] =	sst s2  }
0xb: {  	[smem:$0x3FA7] =	sst s3  }
0xc: {  	[smem:$0x3FA8] =	sst s4  }
0xd: {  	[smem:$0x3FA9] =	sst s5  }
0xe: {  	[smem:$0x3FAA] =	sst s6  }
0xf: {  	[smem:$0x3FAB] =	sst s7  }
0x10: {  	[smem:$0x3FAC] =	sst s8  }
0x11: {  	[smem:$0x3FAD] =	sst s9;
	s0 =	simm.s32 @!p0 $0x0  }
0x12: {  	s1 =	sld [smem:$0x3F93];
	s0 =	simm.s32 @p0 $0x1  }
0x13: {  	[smem:$0x3FAE] =	sst s0;
	s0 =	simm.s32 @!p1 $0x0  }
0x14: {  	s2 =	sld [smem:$0x3F92];
	s0 =	simm.s32 @p1 $0x1  }
0x15: {  	[smem:$0x3FAF] =	sst s0;
	s0 =	simm.s32 @!p2 $0x0  }
0x16: {  	s3 =	sld [smem:$0x3FDB];
	s0 =	simm.s32 @p2 $0x1  }
0x17: {  	s4 =	simm.s32 $0x1BF5;
	[smem:$0x3FB1] =	sst s0  }
0x18: {  	s0 =	sld [smem:$0x3F94];
	_ =	swait.ge [sflag:s4], $0x0  }
0x19: {  	s7 =	sld [smem:$0x3F95]  }
0x1a: {  	s8 =	sadd.s32 $0xFFFFE003, lr  }
0x1b: {  	s9 =	sadd.s32 $0xFFFFFEF7, lr;
	s5 =	simm.s32 $0xFFFFFFFF;
	p2 =	slt.u32 s8, $0xFFFFF086  }
0x1c: {  	p1 =	slt.u32 s9, $0xF7A;
	s5 =	simm.s32 @!p2 $0x0  }
0x1d: {  	s5 =	simm.s32 @p1 $0x1;
	p0 =	seq.s32 s7, s2  }
0x1e: {  	s7 =	smul.u32 @!p0 $0xF7A, s2;
	p2 =	seq.s32 @!p0 s5, $0x0  }
0x1f: {  	s9 =	smul.u32 $0xF7A, s1;
	s8 =	simm.s32 @!p0 $0x1BF5;
	p2 =	por !p2, p0  }
0x20: {  	[sflag:s8] =	ssyncset.s32 @!p0 $0xFFFFF086;
	s6 =	sadd.s32 @!p0 s3, s7;
	s7 =	simm.s32 @!p0 $0x108  }
0x21: {  	s3 =	sadd.s32 s3, s9;
	s6 =	sadd.s32 @!p0 $0x88, s6;
	s7 =	simm.s32 @p2 $0x1082  }
0x22: {  	[simem:s7], [sflag:s8] =	dma.local @!p0 [hbm:s6], $0xF7A  }
0x23: {  	s9 =	sor.u32 $0xD0000000, s2;
	s6 =	simm.s32 $0x108;
	_ =	swait.ge @!p0 [sflag:s8], $0x0  }
0x24: {  	s3 =	sadd.s32 $0x88, s3;
	s6 =	simm.s32 @!p1 $0x1082;
	[sflag:s4] =	ssyncset.s32 $0xFFFFF086  }
0x25: {  	[simem:s6], [sflag:s4] =	dma.local [hbm:s3], $0xF7A  }
0x26: {  	[smem:$0x3F95] =	sst s1;
	(tag) =	ssettag s2;
	_ =	strace s9  }
0x27: {  	s1 =	sld [smem:$0x3FA5]  }
0x28: {  	s2 =	sld [smem:$0x3FA6]  }
0x29: {  	s4 =	sld [smem:$0x3FA8]  }
0x2a: {  	p0 =	seq.s32 s5, $0x0;
	s5 =	sld [smem:$0x3FA9]  }
0x2b: {  	s6 =	sld [smem:$0x3FAA]  }
0x2c: {  	s7 =	sld [smem:$0x3FAB]  }
0x2d: {  	s3 =	simm.s32 $0x108;
	s8 =	sld [smem:$0x3FAC]  }
0x2e: {  	s3 =	simm.s32 @!p0 $0x1082;
	s9 =	sld [smem:$0x3FAD]  }
0x2f: {  	lr =	sadd.s32 s0, s3;
	s0 =	sld [smem:$0x3FA4]  }
0x30: {  	s3 =	sld [smem:$0x3FA7]  }
0x31: {  	[smem:$0x3FB0] =	sst s10  }
0x32: {  	s10 =	sld [smem:$0x3FAE];
	_ =	sdelay $0x3  }
0x33: {  	p0 =	seq.s32 s10, $0x1;
	s10 =	sld [smem:$0x3FB0];
	_ =	sdelay $0x3  }
0x34: {  	[smem:$0x3FB0] =	sst s10  }
0x35: {  	s10 =	sld [smem:$0x3FAF];
	_ =	sdelay $0x3  }
0x36: {  	p1 =	seq.s32 s10, $0x1;
	s10 =	sld [smem:$0x3FB0];
	_ =	sdelay $0x3  }
0x37: {  	[smem:$0x3FB0] =	sst s10  }
0x38: {  	s10 =	sld [smem:$0x3FB1]  }
0x39: {  	_ = 	snop;
	(pc) =	sbr.ind lr, $3  }
0x3a: {  	_ = 	snop  }
0x3b: {  	_ = 	snop  }
0x3c: {  	p2 =	seq.s32 s10, $0x1;
	s10 =	sld [smem:$0x3FB0]  }
0x3d: {  	_ =	shalt  }
0x3e: {  	_ =	shalt  }
0x3f: {  	_ =	shalt  }
0x40: {  	_ =	shalt  }
0x41: {  	_ =	shalt  }
0x42: {  	_ =	shalt  }
0x43: {  	_ =	shalt  }
0x44: {  	_ =	shalt  }
0x45: {  	_ =	shalt  }
0x46: {  	_ =	shalt  }
0x47: {  	_ =	shalt  }
0x48: {  	_ =	shalt  }
0x49: {  	_ =	shalt  }
0x4a: {  	_ =	shalt  }
0x4b: {  	_ =	shalt  }
0x4c: {  	_ =	shalt  }
0x4d: {  	_ =	shalt  }
0x4e: {  	_ =	shalt  }
0x4f: {  	_ =	shalt  }
0x50: {  	_ =	shalt  }
0x51: {  	_ =	shalt  }
0x52: {  	_ =	shalt  }
0x53: {  	_ =	shalt  }
0x54: {  	_ =	shalt  }
0x55: {  	_ =	shalt  }
0x56: {  	_ =	shalt  }
0x57: {  	_ =	shalt  }
0x58: {  	_ =	shalt  }
0x59: {  	_ =	shalt  }
0x5a: {  	_ =	shalt  }
0x5b: {  	_ =	shalt  }
0x5c: {  	_ =	shalt  }
0x5d: {  	_ =	shalt  }
0x5e: {  	_ =	shalt  }
0x5f: {  	_ =	shalt  }
0x60: {  	_ =	shalt  }
0x61: {  	_ =	shalt  }
0x62: {  	_ =	shalt  }
0x63: {  	_ =	shalt  }
0x64: {  	_ =	shalt  }
0x65: {  	_ =	shalt  }
0x66: {  	_ =	shalt  }
0x67: {  	_ =	shalt  }
0x68: {  	_ =	shalt  }
0x69: {  	_ =	shalt  }
0x6a: {  	_ =	shalt  }
0x6b: {  	_ =	shalt  }
0x6c: {  	_ =	shalt  }
0x6d: {  	_ =	shalt  }
0x6e: {  	_ =	shalt  }
0x6f: {  	_ =	shalt  }
0x70: {  	_ =	shalt  }
0x71: {  	_ =	shalt  }
0x72: {  	_ =	shalt  }
0x73: {  	_ =	shalt  }
0x74: {  	_ =	shalt  }
0x75: {  	_ =	shalt  }
0x76: {  	_ =	shalt  }
0x77: {  	_ =	shalt  }
0x78: {  	_ =	shalt  }
0x79: {  	_ =	shalt  }
0x7a: {  	_ =	shalt  }
0x7b: {  	_ =	shalt  }
0x7c: {  	_ =	shalt  }
0x7d: {  	_ =	shalt  }
0x7e: {  	_ =	shalt  }
0x7f: {  	_ =	shalt  }
0x80: {  	_ =	shalt  }
0x81: {  	_ =	shalt  }
0x82: {  	_ =	shalt  }
0x83: {  	_ =	shalt  }
0x84: {  	_ =	shalt  }
0x85: {  	_ =	shalt  }
0x86: {  	_ =	shalt  }
0x87: {  	_ =	shalt  }
.Lfunc_end0:
.L_simem_size_0:
called_computation.2_lowered:
.L_overlay_start_0:
0x88: {  	s2 =	sld [smem:$0x3FD9]  }
0x89: {  	s3 =	sld [smem:$0x3FFE];
	_ =	sdelay $0x1  }
0x8a: {  	s1 =	srdreg.scid  }
0x8b: {  	s0 =	sand.u32 $0x1, s1  }
0x8c: {  	s17 =	sshll.u32 s0, $0xA;
	s2 =	sadd.s32 s3, s2  }
0x8d: {  	s2 =	sadd.s32 s2, s17  }
0x8e: {  	[smem:$0x3FBC] =	sst s2  }
0x8f: {  	_ = 	snop  }
0x90: {  	s2 =	sld [smem:$0x3FC9]  }
0x91: {  	s18 =	sld [smem:$0x3FC8];
	(tm) =	ssettm $0x1  }
0x92: {  	s4 =	sld [smem:$0x3FFB];
	_ =	sdelay $0x3  }
0x93: {  	_ =	strace s4  }
0x94: {  	s4 =	sld [smem:$0x3FFC];
	_ =	sdelay $0x3  }
0x95: {  	_ =	strace s4  }
0x96: {  	s4 =	sld [smem:$0x3FFD];
	_ =	sdelay $0x3  }
0x97: {  	_ =	strace s4  }
0x98: {  	_ =	strace $0x8FFFFFFF  }
0x99: {  	s19 =	sld [smem:$0x3FDB];
	_ =	sdelay $0x1  }
0x9a: {  	s5 =	simm.s32 $_scs_section_size  }
0x9b: {  	s6 =	simm.s32 $_size__tile_overlayer_lowered;
	s7 =	simm.s32 $_tile_overlayer_lowered  }
0x9c: {  	s22 =	simm.s32 $0x1BFF;
	s21 =	sshll.u32 s7, $0x1;
	s4 =	sadd.s32 s5, s19  }
0x9d: {  	s8 =	simm.s32 $0x0;
	s20 =	sshll.u32 s6, $0x1;
	s6 =	sadd.s32 s21, s4  }
0x9e: {  	[timem:s8], [sflag:s22] =	dma.local [hbm:s6], s20  }
0x9f: {  	_ =	swait.ge [sflag:s22], s20  }
0xa0: {  	s5 =	ssub.s32 $0x0, s20;
	[sflag:s22] =	ssyncset.done $0x0  }
0xa1: {  	[sflag:s22] =	ssyncadd.s32 s5;
	_ =	sdelay $0x1  }
0xa2: {  	s23 =	simm.s32 $0x1B8B  }
0xa3: {  	_ =	swait.ge [sflag:s23], $0x1  }
0xa4: {  	[sflag:s23] =	ssyncset.done $0x0  }
0xa5: {  	s25 =	simm.s32 $0x1B8E;
	s24 =	sld [smem:$0x3FFE];
	[sflag:s23] =	ssyncadd.s32 $0xFFFFFFFF  }
0xa6: {  	s26 =	simm.s32 $execute0_lowered;
	[smem:$0x3FD2] =	sst s25  }
0xa7: {  	s6 =	sshll.u32 s26, $0x1;
	_ =	strace $0x8000004C;
	[dreg:$0x1] =	wrdreg $0xFFFFFFFF  }
0xa8: {  	s28 =	simm.s32 $_size_execute0_lowered;
	s4 =	sadd.s32 s4, s6;
	[dreg:$0x0] =	wrdreg $0x0  }
0xa9: {  	s6 =	sshll.u32 s28, $0x1;
	[dreg:$0x2] =	wrdreg s4  }
0xaa: {  	[dreg:$0x3] =	wrdreg s6  }
0xab: {  	[dreg:$0x4] =	wrdreg $0xC0  }
0xac: {  	_ =	task [dreg:s8], $0x5FFFF  }
0xad: {  	[dreg:$0x1] =	wrdreg $0xFFFFFFFF  }
0xae: {  	[dreg:$0x0] =	wrdreg $0x60  }
0xaf: {  	[dreg:$0x2] =	wrdreg s2  }
0xb0: {  	[dreg:$0x3] =	wrdreg s18  }
0xb1: {  	[dreg:$0x4] =	wrdreg s24  }
0xb2: {  	[dreg:$0x5] =	wrdreg $0x9  }
0xb3: {  	_ =	task.clear_ibuf [dreg:s8], $0x6FFFF;
	_ =	strace $0x9000004C  }
0xb4: {  	s29 =	simm.s32 $0x9;
	_ =	strace $0x8000004E  }
0xb5: {  	_ =	swait.ge [sflag:s29], $0x1  }
0xb6: {  	[sflag:s29] =	ssyncadd.s32 $0xFFFFFFFF  }
0xb7: {  	_ =	strace $0x9000004E  }
0xb8: {  	_ =	sfence  }
0xb9: {  	s30 =	sld [smem:$0x0];
	_ =	sdelay $0x2  }
0xba: {  	s31 =	sshll.u32 s1, $0xD;
	s1 =	sshrl.u32 s1, $0x2  }
0xbb: {  	s3 =	sand.u32 $0x4000, s31;
	s1 =	sadd.s32 s1, s30  }
0xbc: {  	s0 =	sor.u32 s3, s0;
	s1 =	sshll.u32 s1, $0x11  }
0xbd: {  	s0 =	sor.u32 s1, s0  }
0xbe: {  	s0 =	sadd.s32 $0x8F2B, s0  }
0xbf: {  	[sflag:s0] =	ssyncadd.remote.s32 $0x1  }
0xc0: {  	_ =	sfence.sel $0xFFFF  }
0xc1: {  	[dreg:$0x0] =	wrdreg $0xFFFFFFFF;
	(pc) =	sbr.abs _section_cstart, $3  }
0xc2: {  	[dreg:$0x1] =	wrdreg $0xFFFFFFFF  }
0xc3: {  	_ =	task.clear_ibuf [dreg:s8], $0x2FFFF;
	_ =	strace $0x9FFFFFFF  }
0xc4: {  	(tm) =	ssettm $0x7FFFFFFF  }
0xc5: {  	_ =	shalt  }
tec
execute0_lowered:
.L_overlay_start_1:
0x0: {  	(tag) =	ssettag $0x1  }
0x1: {  	s1 =	rddreg [dreg:$0x0]  }
0x2: {  	s0 =	srdreg.scid;
	s3 =	rddreg [dreg:$0x1]  }
0x3: {  	s12 =	stileid.u32;
	s6 =	rddreg [dreg:$0x2];
	s4 =	simm.s32 $0x0  }
0x4: {  	s28 =	simm.s32 $0xF180;
	s29 =	simm.s32 $0x13580;
	s31 =	simm.s32 $0x17980  }
0x5: {  	s30 =	simm.s32 $0x4;
	s0 =	sand.u32 $0x1, s0;
	s2 =	sshll.u32 s12, $0x1  }
0x6: {  	s8 =	sadd.s32 $0x14C400, s6;
	s12 =	smul.u32 $0x18700, s12;
	s2 =	sor.u32 s0, s2  }
0x7: {  	[smem:$0x7FF] =	sst s4;
	s10 =	sadd.s32 $0x2D3400, s6;
	s5 =	smul.u32 $0xC38, s2  }
0x8: {  	_ =	strace $0x8000004D;
	s9 =	ssub.s32 $0x2, s0;
	s0 =	smul.u32 $0xC380, s0  }
0x9: {  	s2 =	smul.u32 $0x61C00, s2;
	s24 =	sadd.s32 s12, s10;
	s7 =	sshrl.u32 s5, $0x3  }
0xa: {  	s11 =	sshrl.u32 s9, $0x1;
	s25 =	sadd.s32 s0, s24;
	s7 =	sadd.s32 s7, s6  }
0xb: {  	s22 =	sadd.s32 s12, s8;
	[dreg:$0x5] =	wrdreg s25;
	s13 =	sadd.s32 $0x13CA00, s7  }
0xc: {  	s2 =	sshrl.u32 s2, $0x3;
	s26 =	sadd.s32 $0x13FC00, s7;
	[dreg:$0x7] =	wrdreg s13  }
0xd: {  	s14 =	sadd.s32 $0xAA00, s2;
	s7 =	sadd.s32 $0x142E00, s7;
	[dreg:$0x8] =	wrdreg s26  }
0xe: {  	s16 =	sadd.s32 $0xB280, s2;
	s15 =	sadd.s32 s8, s14;
	[dreg:$0x9] =	wrdreg s7  }
0xf: {  	s2 =	sadd.s32 $0xBB00, s2;
	s17 =	sadd.s32 s8, s16;
	[dreg:$0xa] =	wrdreg s15  }
0x10: {  	s9 =	ssub.s32 s9, s11;
	s18 =	sadd.s32 s8, s2;
	[dreg:$0xb] =	wrdreg s17  }
0x11: {  	s24 =	simm.s32 $0x6980;
	s19 =	sadd.s32 s10, s14;
	[dreg:$0xc] =	wrdreg s18  }
0x12: {  	s5 =	sadd.s32 $0x4200, s6;
	s20 =	sadd.s32 s10, s16;
	[dreg:$0xd] =	wrdreg s19  }
0x13: {  	s6 =	sadd.s32 $0x45A400, s6;
	s21 =	sadd.s32 s10, s2;
	[dreg:$0xe] =	wrdreg s20  }
0x14: {  	s25 =	simm.s32 $0xAD80;
	s23 =	sadd.s32 s6, s16;
	[dreg:$0xf] =	wrdreg s21  }
0x15: {  	s8 =	simm.s32 $0x0;
	s7 =	sadd.s32 s6, s14;
	[dreg:$0x11] =	wrdreg s23  }
0x16: {  	s26 =	sadd.s32 s12, s6;
	s17 =	sadd.s32 s6, s2;
	s18 =	smax.u32 s9, $0x1  }
0x17: {  	s19 =	simm.s32 $0x7;
	s20 =	simm.s32 $0xC80;
	s21 =	simm.s32 $0x1900  }
0x18: {  	s23 =	simm.s32 $0x2580;
	s2 =	simm.s32 $0x1;
	s6 =	simm.s32 $0x5  }
0x19: {  	[dreg:$0x10] =	wrdreg s7;
	s7 =	sadd.s32 s0, s22;
	s0 =	sadd.s32 s0, s26  }
0x1a: {  	s22 =	simm.s32 $0x88;
	s26 =	simm.s32 $0x3;
	[dreg:$0x4] =	wrdreg s7  }
0x1b: {  	[dreg:$0x6] =	wrdreg s0;
	s0 =	simm.s32 $0x2;
	s7 =	simm.s32 $0x6  }
.LBB2_1:
0x1c: {  	s9 =	rddreg [dreg:$0x7]  }
0x1d: {  	[tilespmem:s4], [sflag:$0x7] =	stream.linear.gather [hbm4b:s9+s4], $0xC38, $0x38;
	[tilespmem:$0x1BD80] =	vst v63  }
0x1e: {  	_ =	swait.ge [sflag:s19], $0xC38  }
0x1f: {  	[sflag:s19] =	ssyncset.done $0x0  }
0x20: {  	s13 =	rddreg [dreg:$0x8];
	[sflag:s19] =	ssyncadd.s32 $0xFFFFF3C8  }
0x21: {  	[tilespmem:s20], [sflag:$0x7] =	stream.linear.gather [hbm4b:s13+s4], $0xC38, $0x38;
	[tilespmem:$0x1BD80] =	vst v63  }
0x22: {  	_ =	swait.ge [sflag:s19], $0xC38  }
0x23: {  	[sflag:s19] =	ssyncset.done $0x0  }
0x24: {  	s14 =	rddreg [dreg:$0x9];
	[sflag:s19] =	ssyncadd.s32 $0xFFFFF3C8  }
0x25: {  	[tilespmem:s21], [sflag:$0x7] =	stream.linear.gather [hbm4b:s14+s4], $0xC38, $0x38;
	[tilespmem:$0x1BD80] =	vst v63  }
0x26: {  	_ =	swait.ge [sflag:s19], $0xC38  }
0x27: {  	[sflag:s19] =	ssyncset.done $0x0  }
0x28: {  	[sflag:s19] =	ssyncadd.s32 $0xFFFFF3C8  }
0x29: {  	[tilespmem:s23], [sflag:$0x1] =	stream.indirect.gather [hbm4b:s1+s22], $0x80, s4, s22, $0xb8;
	[tilespmem:$0x1BD80] =	vst v63  }
0x2a: {  	_ = 	snop  }
0x2b: {  	[tilespmem:s24], [sflag:$0x2] =	stream.indirect.gather [hbm4b:s1+s22], $0x80, s22, s22, $0xb8;
	[tilespmem:$0x1BD80] =	vst v63  }
0x2c: {  	_ = 	snop  }
0x2d: {  	[tilespmem:s25], [sflag:$0x3] =	stream.indirect.gather [hbm4b:s3+s22], $0x80, s20, s22, $0xb8;
	[tilespmem:$0x1BD80] =	vst v63  }
0x2e: {  	s15 =	simm.s32 $0xD08  }
0x2f: {  	[tilespmem:s28], [sflag:$0x4] =	stream.indirect.gather [hbm4b:s3+s22], $0x80, s15, s22, $0xb8;
	[tilespmem:$0x1BD80] =	vst v63  }
0x30: {  	_ = 	snop  }
0x31: {  	[tilespmem:s29], [sflag:$0x5] =	stream.indirect.gather [hbm4b:s5+s22], $0x80, s21, s22, $0xb8;
	[tilespmem:$0x1BD80] =	vst v63  }
0x32: {  	s16 =	simm.s32 $0x1988  }
0x33: {  	[tilespmem:s31], [sflag:$0x6] =	stream.indirect.gather [hbm4b:s5+s22], $0x80, s16, s22, $0xb8;
	[tilespmem:$0x1BD80] =	vst v63  }
0x34: {  	_ =	swait.ge [sflag:s2], $0x4400  }
0x35: {  	s10 =	rddreg [dreg:$0x4];
	[sflag:s2] =	ssyncset.done $0x0  }
0x36: {  	[sflag:s2] =	ssyncadd.s32 $0xFFFFBC00;
	s9 =	sadd.s32 $0x0, s10  }
0x37: {  	[hbm4b:s9+s4] =	stream.linear.scatter [tilespmem:s23], [sflag:$0x7], $0x4400, $0x38;
	[tilespmem:$0x1BD80] =	vst v63  }
0x38: {  	_ =	swait.ge [sflag:s19], $0x4400  }
0x39: {  	[sflag:s19] =	ssyncset.done $0x0  }
0x3a: {  	s10 =	simm.s32 $0x110;
	[sflag:s19] =	ssyncadd.s32 $0xFFFFBC00  }
0x3b: {  	[tilespmem:s23], [sflag:$0x1] =	stream.indirect.gather [hbm4b:s1+s22], $0x80, s10, s22, $0xb8;
	[tilespmem:$0x1BD80] =	vst v63  }
0x3c: {  	_ =	swait.ge [sflag:s0], $0x4400  }
0x3d: {  	[sflag:s0] =	ssyncset.done $0x0  }
0x3e: {  	s9 =	sadd.s32 $0x880, s9;
	[sflag:s0] =	ssyncadd.s32 $0xFFFFBC00  }
0x3f: {  	[hbm4b:s9+s4] =	stream.linear.scatter [tilespmem:s24], [sflag:$0x7], $0x4400, $0x38;
	[tilespmem:$0x1BD80] =	vst v63  }
0x40: {  	_ =	swait.ge [sflag:s19], $0x4400  }
0x41: {  	[sflag:s19] =	ssyncset.done $0x0  }
0x42: {  	s11 =	simm.s32 $0x198;
	[sflag:s19] =	ssyncadd.s32 $0xFFFFBC00  }
0x43: {  	[tilespmem:s24], [sflag:$0x2] =	stream.indirect.gather [hbm4b:s1+s22], $0x80, s11, s22, $0xb8;
	[tilespmem:$0x1BD80] =	vst v63  }
0x44: {  	_ =	swait.ge [sflag:s26], $0x4400  }
0x45: {  	s12 =	rddreg [dreg:$0x5];
	[sflag:s26] =	ssyncset.done $0x0  }
0x46: {  	[sflag:s26] =	ssyncadd.s32 $0xFFFFBC00;
	s9 =	sadd.s32 $0x0, s12  }
0x47: {  	[hbm4b:s9+s4] =	stream.linear.scatter [tilespmem:s25], [sflag:$0x7], $0x4400, $0x38;
	[tilespmem:$0x1BD80] =	vst v63  }
0x48: {  	_ =	swait.ge [sflag:s19], $0x4400  }
0x49: {  	[sflag:s19] =	ssyncset.done $0x0  }
0x4a: {  	s13 =	simm.s32 $0xD90;
	[sflag:s19] =	ssyncadd.s32 $0xFFFFBC00  }
0x4b: {  	[tilespmem:s25], [sflag:$0x3] =	stream.indirect.gather [hbm4b:s3+s22], $0x80, s13, s22, $0xb8;
	[tilespmem:$0x1BD80] =	vst v63  }
0x4c: {  	_ =	swait.ge [sflag:s30], $0x4400  }
0x4d: {  	[sflag:s30] =	ssyncset.done $0x0  }
0x4e: {  	s9 =	sadd.s32 $0x880, s9;
	[sflag:s30] =	ssyncadd.s32 $0xFFFFBC00  }
0x4f: {  	[hbm4b:s9+s4] =	stream.linear.scatter [tilespmem:s28], [sflag:$0x7], $0x4400, $0x38;
	[tilespmem:$0x1BD80] =	vst v63  }
0x50: {  	_ =	swait.ge [sflag:s19], $0x4400  }
0x51: {  	[sflag:s19] =	ssyncset.done $0x0  }
0x52: {  	s14 =	simm.s32 $0xE18;
	[sflag:s19] =	ssyncadd.s32 $0xFFFFBC00  }
0x53: {  	[tilespmem:s28], [sflag:$0x4] =	stream.indirect.gather [hbm4b:s3+s22], $0x80, s14, s22, $0xb8;
	[tilespmem:$0x1BD80] =	vst v63  }
0x54: {  	_ =	swait.ge [sflag:s6], $0x4400  }
0x55: {  	s15 =	rddreg [dreg:$0x6];
	[sflag:s6] =	ssyncset.done $0x0  }
0x56: {  	[sflag:s6] =	ssyncadd.s32 $0xFFFFBC00;
	s9 =	sadd.s32 $0x0, s15  }
0x57: {  	[hbm4b:s9+s4] =	stream.linear.scatter [tilespmem:s29], [sflag:$0x7], $0x4400, $0x38;
	[tilespmem:$0x1BD80] =	vst v63  }
0x58: {  	_ =	swait.ge [sflag:s19], $0x4400  }
0x59: {  	[sflag:s19] =	ssyncset.done $0x0  }
0x5a: {  	s16 =	simm.s32 $0x1A10;
	[sflag:s19] =	ssyncadd.s32 $0xFFFFBC00  }
0x5b: {  	[tilespmem:s29], [sflag:$0x5] =	stream.indirect.gather [hbm4b:s5+s22], $0x80, s16, s22, $0xb8;
	[tilespmem:$0x1BD80] =	vst v63  }
0x5c: {  	_ =	swait.ge [sflag:s7], $0x4400  }
0x5d: {  	[sflag:s7] =	ssyncset.done $0x0  }
0x5e: {  	s9 =	sadd.s32 $0x880, s9;
	[sflag:s7] =	ssyncadd.s32 $0xFFFFBC00  }
0x5f: {  	[hbm4b:s9+s4] =	stream.linear.scatter [tilespmem:s31], [sflag:$0x7], $0x4400, $0x38;
	[tilespmem:$0x1BD80] =	vst v63  }
0x60: {  	s10 =	simm.s32 $0x1100;
	_ =	swait.ge [sflag:s19], $0x4400  }
0x61: {  	s11 =	simm.s32 $0x1BA8;
	s12 =	simm.s32 $0x2A8;
	[sflag:s19] =	ssyncset.done $0x0  }
0x62: {  	s13 =	simm.s32 $0xF28;
	s9 =	simm.s32 $0x1A98;
	[sflag:s19] =	ssyncadd.s32 $0xFFFFBC00  }
.LBB2_2:
0x63: {  	[tilespmem:s31], [sflag:$0x6] =	stream.indirect.gather [hbm4b:s5+s22], $0x80, s9, s22, $0xb8;
	[tilespmem:$0x1BD80] =	vst v63  }
0x64: {  	_ =	swait.ge [sflag:s2], $0x4400  }
0x65: {  	s14 =	smov.u32 s10;
	s15 =	rddreg [dreg:$0x4];
	[sflag:s2] =	ssyncset.done $0x0  }
0x66: {  	[sflag:s2] =	ssyncadd.s32 $0xFFFFBC00;
	s15 =	sadd.s32 s14, s15  }
0x67: {  	[hbm4b:s15+s4] =	stream.linear.scatter [tilespmem:s23], [sflag:$0x7], $0x4400, $0x38;
	[tilespmem:$0x1BD80] =	vst v63  }
0x68: {  	_ =	swait.ge [sflag:s19], $0x4400  }
0x69: {  	[sflag:s19] =	ssyncset.done $0x0  }
0x6a: {  	s16 =	sadd.s32 $0xFFFFFF78, s12;
	[sflag:s19] =	ssyncadd.s32 $0xFFFFBC00  }
0x6b: {  	[tilespmem:s23], [sflag:$0x1] =	stream.indirect.gather [hbm4b:s1+s22], $0x80, s16, s22, $0xb8;
	[tilespmem:$0x1BD80] =	vst v63  }
0x6c: {  	_ =	swait.ge [sflag:s0], $0x4400  }
0x6d: {  	[sflag:s0] =	ssyncset.done $0x0  }
0x6e: {  	s15 =	sadd.s32 $0x880, s15;
	[sflag:s0] =	ssyncadd.s32 $0xFFFFBC00  }
0x6f: {  	[hbm4b:s15+s4] =	stream.linear.scatter [tilespmem:s24], [sflag:$0x7], $0x4400, $0x38;
	[tilespmem:$0x1BD80] =	vst v63  }
0x70: {  	_ =	swait.ge [sflag:s19], $0x4400  }
0x71: {  	[sflag:s19] =	ssyncset.done $0x0  }
0x72: {  	[sflag:s19] =	ssyncadd.s32 $0xFFFFBC00  }
0x73: {  	[tilespmem:s24], [sflag:$0x2] =	stream.indirect.gather [hbm4b:s1+s22], $0x80, s12, s22, $0xb8;
	[tilespmem:$0x1BD80] =	vst v63  }
0x74: {  	_ =	swait.ge [sflag:s26], $0x4400  }
0x75: {  	s16 =	rddreg [dreg:$0x5];
	[sflag:s26] =	ssyncset.done $0x0  }
0x76: {  	[sflag:s26] =	ssyncadd.s32 $0xFFFFBC00;
	s15 =	sadd.s32 s14, s16  }
0x77: {  	[hbm4b:s15+s4] =	stream.linear.scatter [tilespmem:s25], [sflag:$0x7], $0x4400, $0x38;
	[tilespmem:$0x1BD80] =	vst v63  }
0x78: {  	_ =	swait.ge [sflag:s19], $0x4400  }
0x79: {  	[sflag:s19] =	ssyncset.done $0x0  }
0x7a: {  	s16 =	sadd.s32 $0xFFFFFF78, s13;
	[sflag:s19] =	ssyncadd.s32 $0xFFFFBC00  }
0x7b: {  	[tilespmem:s25], [sflag:$0x3] =	stream.indirect.gather [hbm4b:s3+s22], $0x80, s16, s22, $0xb8;
	[tilespmem:$0x1BD80] =	vst v63  }
0x7c: {  	_ =	swait.ge [sflag:s30], $0x4400  }
0x7d: {  	[sflag:s30] =	ssyncset.done $0x0  }
0x7e: {  	s15 =	sadd.s32 $0x880, s15;
	[sflag:s30] =	ssyncadd.s32 $0xFFFFBC00  }
0x7f: {  	[hbm4b:s15+s4] =	stream.linear.scatter [tilespmem:s28], [sflag:$0x7], $0x4400, $0x38;
	[tilespmem:$0x1BD80] =	vst v63  }
0x80: {  	_ =	swait.ge [sflag:s19], $0x4400  }
0x81: {  	[sflag:s19] =	ssyncset.done $0x0  }
0x82: {  	[sflag:s19] =	ssyncadd.s32 $0xFFFFBC00  }
0x83: {  	[tilespmem:s28], [sflag:$0x4] =	stream.indirect.gather [hbm4b:s3+s22], $0x80, s13, s22, $0xb8;
	[tilespmem:$0x1BD80] =	vst v63  }
0x84: {  	_ =	swait.ge [sflag:s6], $0x4400  }
0x85: {  	s16 =	rddreg [dreg:$0x6];
	[sflag:s6] =	ssyncset.done $0x0  }
0x86: {  	[sflag:s6] =	ssyncadd.s32 $0xFFFFBC00;
	s14 =	sadd.s32 s14, s16  }
0x87: {  	[hbm4b:s14+s4] =	stream.linear.scatter [tilespmem:s29], [sflag:$0x7], $0x4400, $0x38;
	[tilespmem:$0x1BD80] =	vst v63  }
0x88: {  	_ =	swait.ge [sflag:s19], $0x4400  }
0x89: {  	[sflag:s19] =	ssyncset.done $0x0  }
0x8a: {  	s16 =	sadd.s32 $0xFFFFFF78, s11;
	[sflag:s19] =	ssyncadd.s32 $0xFFFFBC00  }
0x8b: {  	[tilespmem:s29], [sflag:$0x5] =	stream.indirect.gather [hbm4b:s5+s22], $0x80, s16, s22, $0xb8;
	[tilespmem:$0x1BD80] =	vst v63  }
0x8c: {  	_ =	swait.ge [sflag:s7], $0x4400  }
0x8d: {  	p0 =	sne.s32 s10, $0x9900;
	[sflag:s7] =	ssyncset.done $0x0  }
.Ltmp0:
0x8e: {  	s14 =	sadd.s32 $0x880, s14;
	[sflag:s7] =	ssyncadd.s32 $0xFFFFBC00;
	(pc) =	sbr.rel @p0 .LBB2_2-.Ltmp0, $4  }
0x8f: {  	[hbm4b:s14+s4] =	stream.linear.scatter [tilespmem:s31], [sflag:$0x7], $0x4400, $0x38;
	[tilespmem:$0x1BD80] =	vst v63  }
0x90: {  	s9 =	smov.u32 s11;
	_ =	swait.ge [sflag:s19], $0x4400  }
0x91: {  	s10 =	sadd.s32 $0x1100, s10;
	s12 =	sadd.s32 $0x110, s12;
	[sflag:s19] =	ssyncset.done $0x0  }
0x92: {  	s13 =	sadd.s32 $0x110, s13;
	s11 =	sadd.s32 $0x110, s11;
	[sflag:s19] =	ssyncadd.s32 $0xFFFFBC00  }
0x93: {  	[tilespmem:s31], [sflag:$0x6] =	stream.indirect.gather [hbm4b:s5+s22], $0x80, s9, s22, $0xb8;
	[tilespmem:$0x1BD80] =	vst v63  }
0x94: {  	_ =	swait.ge [sflag:s2], $0x4400  }
0x95: {  	[sflag:s2] =	ssyncset.done $0x0  }
0x96: {  	s13 =	rddreg [dreg:$0xa];
	[sflag:s2] =	ssyncadd.s32 $0xFFFFBC00  }
0x97: {  	[hbm4b:s13+s4] =	stream.linear.scatter [tilespmem:s23], [sflag:$0x7], $0x4400, $0x38;
	[tilespmem:$0x1BD80] =	vst v63  }
0x98: {  	_ =	swait.ge [sflag:s19], $0x4400  }
0x99: {  	[sflag:s19] =	ssyncset.done $0x0  }
0x9a: {  	s14 =	simm.s32 $0xBB0;
	[sflag:s19] =	ssyncadd.s32 $0xFFFFBC00  }
0x9b: {  	[tilespmem:s23], [sflag:$0x1] =	stream.indirect.gather [hbm4b:s1+s22], $0x80, s14, s22, $0xb8;
	[tilespmem:$0x1BD80] =	vst v63  }
0x9c: {  	_ =	swait.ge [sflag:s0], $0x4400  }
0x9d: {  	[sflag:s0] =	ssyncset.done $0x0  }
0x9e: {  	s15 =	rddreg [dreg:$0xb];
	[sflag:s0] =	ssyncadd.s32 $0xFFFFBC00  }
0x9f: {  	[hbm4b:s15+s4] =	stream.linear.scatter [tilespmem:s24], [sflag:$0x7], $0x4400, $0x38;
	[tilespmem:$0x1BD80] =	vst v63  }
0xa0: {  	_ =	swait.ge [sflag:s19], $0x4400  }
0xa1: {  	[sflag:s19] =	ssyncset.done $0x0  }
0xa2: {  	[sflag:s19] =	ssyncadd.s32 $0xFFFFBC00  }
0xa3: {  	_ =	swait.ge [sflag:s2], $0x4400  }
0xa4: {  	[sflag:s2] =	ssyncset.done $0x0  }
0xa5: {  	s16 =	rddreg [dreg:$0xc];
	[sflag:s2] =	ssyncadd.s32 $0xFFFFBC00  }
0xa6: {  	[hbm4b:s16+s4] =	stream.linear.scatter [tilespmem:s23], [sflag:$0x7], $0x4400, $0x38;
	[tilespmem:$0x1BD80] =	vst v63  }
0xa7: {  	_ =	swait.ge [sflag:s19], $0x4400  }
0xa8: {  	[sflag:s19] =	ssyncset.done $0x0  }
0xa9: {  	[sflag:s19] =	ssyncadd.s32 $0xFFFFBC00  }
0xaa: {  	_ =	swait.ge [sflag:s26], $0x4400  }
0xab: {  	[sflag:s26] =	ssyncset.done $0x0  }
0xac: {  	s10 =	rddreg [dreg:$0xd];
	[sflag:s26] =	ssyncadd.s32 $0xFFFFBC00  }
0xad: {  	[hbm4b:s10+s4] =	stream.linear.scatter [tilespmem:s25], [sflag:$0x7], $0x4400, $0x38;
	[tilespmem:$0x1BD80] =	vst v63  }
0xae: {  	_ =	swait.ge [sflag:s19], $0x4400  }
0xaf: {  	[sflag:s19] =	ssyncset.done $0x0  }
0xb0: {  	s11 =	simm.s32 $0x1830;
	[sflag:s19] =	ssyncadd.s32 $0xFFFFBC00  }
0xb1: {  	[tilespmem:s25], [sflag:$0x3] =	stream.indirect.gather [hbm4b:s3+s22], $0x80, s11, s22, $0xb8;
	[tilespmem:$0x1BD80] =	vst v63  }
0xb2: {  	_ =	swait.ge [sflag:s30], $0x4400  }
0xb3: {  	[sflag:s30] =	ssyncset.done $0x0  }
0xb4: {  	s12 =	rddreg [dreg:$0xe];
	[sflag:s30] =	ssyncadd.s32 $0xFFFFBC00  }
0xb5: {  	[hbm4b:s12+s4] =	stream.linear.scatter [tilespmem:s28], [sflag:$0x7], $0x4400, $0x38;
	[tilespmem:$0x1BD80] =	vst v63  }
0xb6: {  	_ =	swait.ge [sflag:s19], $0x4400  }
0xb7: {  	[sflag:s19] =	ssyncset.done $0x0  }
0xb8: {  	[sflag:s19] =	ssyncadd.s32 $0xFFFFBC00  }
0xb9: {  	_ =	swait.ge [sflag:s26], $0x4400  }
0xba: {  	[sflag:s26] =	ssyncset.done $0x0  }
0xbb: {  	s13 =	rddreg [dreg:$0xf];
	[sflag:s26] =	ssyncadd.s32 $0xFFFFBC00  }
0xbc: {  	[hbm4b:s13+s4] =	stream.linear.scatter [tilespmem:s25], [sflag:$0x7], $0x4400, $0x38;
	[tilespmem:$0x1BD80] =	vst v63  }
0xbd: {  	_ =	swait.ge [sflag:s19], $0x4400  }
0xbe: {  	[sflag:s19] =	ssyncset.done $0x0  }
0xbf: {  	[sflag:s19] =	ssyncadd.s32 $0xFFFFBC00  }
0xc0: {  	_ =	swait.ge [sflag:s6], $0x4400  }
0xc1: {  	[sflag:s6] =	ssyncset.done $0x0  }
0xc2: {  	s14 =	rddreg [dreg:$0x10];
	[sflag:s6] =	ssyncadd.s32 $0xFFFFBC00  }
0xc3: {  	[hbm4b:s14+s4] =	stream.linear.scatter [tilespmem:s29], [sflag:$0x7], $0x4400, $0x38;
	[tilespmem:$0x1BD80] =	vst v63  }
0xc4: {  	_ =	swait.ge [sflag:s19], $0x4400  }
0xc5: {  	[sflag:s19] =	ssyncset.done $0x0  }
0xc6: {  	s15 =	simm.s32 $0x24B0;
	[sflag:s19] =	ssyncadd.s32 $0xFFFFBC00  }
0xc7: {  	[tilespmem:s29], [sflag:$0x5] =	stream.indirect.gather [hbm4b:s5+s22], $0x80, s15, s22, $0xb8;
	[tilespmem:$0x1BD80] =	vst v63  }
0xc8: {  	_ =	swait.ge [sflag:s7], $0x4400  }
0xc9: {  	[sflag:s7] =	ssyncset.done $0x0  }
0xca: {  	s16 =	rddreg [dreg:$0x11];
	[sflag:s7] =	ssyncadd.s32 $0xFFFFBC00  }
0xcb: {  	[hbm4b:s16+s4] =	stream.linear.scatter [tilespmem:s31], [sflag:$0x7], $0x4400, $0x38;
	[tilespmem:$0x1BD80] =	vst v63  }
0xcc: {  	_ =	swait.ge [sflag:s19], $0x4400  }
0xcd: {  	[sflag:s19] =	ssyncset.done $0x0  }
0xce: {  	[sflag:s19] =	ssyncadd.s32 $0xFFFFBC00  }
0xcf: {  	s8 =	sadd.s32 $0x1, s8;
	_ =	swait.ge [sflag:s6], $0x4400  }
0xd0: {  	p0 =	sne.s32 s8, s18;
	[sflag:s6] =	ssyncset.done $0x0  }
.Ltmp1:
0xd1: {  	[sflag:s6] =	ssyncadd.s32 $0xFFFFBC00;
	(pc) =	sbr.rel @p0 .LBB2_1-.Ltmp1, $4  }
0xd2: {  	[hbm4b:s17+s4] =	stream.linear.scatter [tilespmem:s29], [sflag:$0x7], $0x4400, $0x38;
	[tilespmem:$0x1BD80] =	vst v63  }
0xd3: {  	_ =	swait.ge [sflag:s19], $0x4400  }
0xd4: {  	[sflag:s19] =	ssyncset.done $0x0  }
0xd5: {  	[sflag:s19] =	ssyncadd.s32 $0xFFFFBC00  }
0xd6: {  	_ =	sfence.sel $0x180000  }
0xd7: {  	[bflag:$0x0] =	sbarrier.arrive $0xFFFF  }
0xd8: {  	_ =	strace $0x9000004D  }
0xd9: {  	s0 =	stileid.u32;
	[bflag:$0x2] =	sbarrier.arrive $0xFFFF  }
0xda: {  	p0 =	sne.s32 s0, $0x0;
	s0 =	rddreg [dreg:$0x3]  }
0xdb: {  	s0 =	sadd.s32 @!p0 $0x100000, s0  }
0xdc: {  	[sflag:s0] =	ssyncadd.tile.s32 @!p0 $0x1;
	_ =	shalt  }
.Lfunc_end2:
_tile_overlayer_lowered:
.L_overlay_start_2:
0xdd: {  	(tag) =	ssettag $0x2  }
0xde: {  	s0 =	rddreg [dreg:$0x0];
	s2 =	stileid.u32  }
0xdf: {  	s1 =	rddreg [dreg:$0x1];
	p0 =	sne.s32 s2, $0x0  }
0xe0: {  	s3 =	rddreg [dreg:$0x2];
	[bflag:$0x3] =	sbarrier.arrive $0xFFFF;
	s2 =	simm.s32 @!p0 $0x1C07  }
0xe1: {  	[timem:s3], [sflag:s2] =	dma.local @!p0 [hbm:s0], s1  }
0xe2: {  	s0 =	simm.s32 @!p0 $0x7  }
0xe3: {  	_ =	swait.ge @!p0 [sflag:s0], s1  }
0xe4: {  	s1 =	ssub.s32 @!p0 $0x0, s1;
	[sflag:s0] =	ssyncset.done @!p0 $0x0  }
0xe5: {  	[sflag:s0] =	ssyncadd.s32 @!p0 s1  }
0xe6: {  	[bflag:$0x3] =	sbarrier.arrive $0xFFFF  }
0xe7: {  	_ =	shalt  }

// kernel: kernel.14.cloned.1.call-start
scs
__scs_entry_jumppad:
0x0: {  	(pc) =	sbr.rel $0x88, $3  }
0x1: {  	(tag) =	ssettag $0x0;
	lr =	simm.s32 $0x1  }
0x2: {  	[smem:$0x3F95] =	sst lr;
	_ =	strace $0xD0000000  }
0x3: {  	_ = 	snop  }
0x4: {  	_ = 	snop  }
0x5: {  	_ = 	snop  }
0x6: {  	_ = 	snop  }
0x7: {  	_ = 	snop  }
__scs_overlays_trampoline_lowered:
0x8: {  	[smem:$0x3FA4] =	sst s0  }
0x9: {  	[smem:$0x3FA5] =	sst s1  }
0xa: {  	[smem:$0x3FA6] =	sst s2  }
0xb: {  	[smem:$0x3FA7] =	sst s3  }
0xc: {  	[smem:$0x3FA8] =	sst s4  }
0xd: {  	[smem:$0x3FA9] =	sst s5  }
0xe: {  	[smem:$0x3FAA] =	sst s6  }
0xf: {  	[smem:$0x3FAB] =	sst s7  }
0x10: {  	[smem:$0x3FAC] =	sst s8  }
0x11: {  	[smem:$0x3FAD] =	sst s9;
	s0 =	simm.s32 @!p0 $0x0  }
0x12: {  	s1 =	sld [smem:$0x3F93];
	s0 =	simm.s32 @p0 $0x1  }
0x13: {  	[smem:$0x3FAE] =	sst s0;
	s0 =	simm.s32 @!p1 $0x0  }
0x14: {  	s2 =	sld [smem:$0x3F92];
	s0 =	simm.s32 @p1 $0x1  }
0x15: {  	[smem:$0x3FAF] =	sst s0;
	s0 =	simm.s32 @!p2 $0x0  }
0x16: {  	s3 =	sld [smem:$0x3FDB];
	s0 =	simm.s32 @p2 $0x1  }
0x17: {  	s4 =	simm.s32 $0x1BF5;
	[smem:$0x3FB1] =	sst s0  }
0x18: {  	s0 =	sld [smem:$0x3F94];
	_ =	swait.ge [sflag:s4], $0x0  }
0x19: {  	s7 =	sld [smem:$0x3F95]  }
0x1a: {  	s8 =	sadd.s32 $0xFFFFE003, lr  }
0x1b: {  	s9 =	sadd.s32 $0xFFFFFEF7, lr;
	s5 =	simm.s32 $0xFFFFFFFF;
	p2 =	slt.u32 s8, $0xFFFFF086  }
0x1c: {  	p1 =	slt.u32 s9, $0xF7A;
	s5 =	simm.s32 @!p2 $0x0  }
0x1d: {  	s5 =	simm.s32 @p1 $0x1;
	p0 =	seq.s32 s7, s2  }
0x1e: {  	s7 =	smul.u32 @!p0 $0xF7A, s2;
	p2 =	seq.s32 @!p0 s5, $0x0  }
0x1f: {  	s9 =	smul.u32 $0xF7A, s1;
	s8 =	simm.s32 @!p0 $0x1BF5;
	p2 =	por !p2, p0  }
0x20: {  	[sflag:s8] =	ssyncset.s32 @!p0 $0xFFFFF086;
	s6 =	sadd.s32 @!p0 s3, s7;
	s7 =	simm.s32 @!p0 $0x108  }
0x21: {  	s3 =	sadd.s32 s3, s9;
	s6 =	sadd.s32 @!p0 $0x88, s6;
	s7 =	simm.s32 @p2 $0x1082  }
0x22: {  	[simem:s7], [sflag:s8] =	dma.local @!p0 [hbm:s6], $0xF7A  }
0x23: {  	s9 =	sor.u32 $0xD0000000, s2;
	s6 =	simm.s32 $0x108;
	_ =	swait.ge @!p0 [sflag:s8], $0x0  }
0x24: {  	s3 =	sadd.s32 $0x88, s3;
	s6 =	simm.s32 @!p1 $0x1082;
	[sflag:s4] =	ssyncset.s32 $0xFFFFF086  }
0x25: {  	[simem:s6], [sflag:s4] =	dma.local [hbm:s3], $0xF7A  }
0x26: {  	[smem:$0x3F95] =	sst s1;
	(tag) =	ssettag s2;
	_ =	strace s9  }
0x27: {  	s1 =	sld [smem:$0x3FA5]  }
0x28: {  	s2 =	sld [smem:$0x3FA6]  }
0x29: {  	s4 =	sld [smem:$0x3FA8]  }
0x2a: {  	p0 =	seq.s32 s5, $0x0;
	s5 =	sld [smem:$0x3FA9]  }
0x2b: {  	s6 =	sld [smem:$0x3FAA]  }
0x2c: {  	s7 =	sld [smem:$0x3FAB]  }
0x2d: {  	s3 =	simm.s32 $0x108;
	s8 =	sld [smem:$0x3FAC]  }
0x2e: {  	s3 =	simm.s32 @!p0 $0x1082;
	s9 =	sld [smem:$0x3FAD]  }
0x2f: {  	lr =	sadd.s32 s0, s3;
	s0 =	sld [smem:$0x3FA4]  }
0x30: {  	s3 =	sld [smem:$0x3FA7]  }
0x31: {  	[smem:$0x3FB0] =	sst s10  }
0x32: {  	s10 =	sld [smem:$0x3FAE];
	_ =	sdelay $0x3  }
0x33: {  	p0 =	seq.s32 s10, $0x1;
	s10 =	sld [smem:$0x3FB0];
	_ =	sdelay $0x3  }
0x34: {  	[smem:$0x3FB0] =	sst s10  }
0x35: {  	s10 =	sld [smem:$0x3FAF];
	_ =	sdelay $0x3  }
0x36: {  	p1 =	seq.s32 s10, $0x1;
	s10 =	sld [smem:$0x3FB0];
	_ =	sdelay $0x3  }
0x37: {  	[smem:$0x3FB0] =	sst s10  }
0x38: {  	s10 =	sld [smem:$0x3FB1]  }
0x39: {  	_ = 	snop;
	(pc) =	sbr.ind lr, $3  }
0x3a: {  	_ = 	snop  }
0x3b: {  	_ = 	snop  }
0x3c: {  	p2 =	seq.s32 s10, $0x1;
	s10 =	sld [smem:$0x3FB0]  }
0x3d: {  	_ =	shalt  }
0x3e: {  	_ =	shalt  }
0x3f: {  	_ =	shalt  }
0x40: {  	_ =	shalt  }
0x41: {  	_ =	shalt  }
0x42: {  	_ =	shalt  }
0x43: {  	_ =	shalt  }
0x44: {  	_ =	shalt  }
0x45: {  	_ =	shalt  }
0x46: {  	_ =	shalt  }
0x47: {  	_ =	shalt  }
0x48: {  	_ =	shalt  }
0x49: {  	_ =	shalt  }
0x4a: {  	_ =	shalt  }
0x4b: {  	_ =	shalt  }
0x4c: {  	_ =	shalt  }
0x4d: {  	_ =	shalt  }
0x4e: {  	_ =	shalt  }
0x4f: {  	_ =	shalt  }
0x50: {  	_ =	shalt  }
0x51: {  	_ =	shalt  }
0x52: {  	_ =	shalt  }
0x53: {  	_ =	shalt  }
0x54: {  	_ =	shalt  }
0x55: {  	_ =	shalt  }
0x56: {  	_ =	shalt  }
0x57: {  	_ =	shalt  }
0x58: {  	_ =	shalt  }
0x59: {  	_ =	shalt  }
0x5a: {  	_ =	shalt  }
0x5b: {  	_ =	shalt  }
0x5c: {  	_ =	shalt  }
0x5d: {  	_ =	shalt  }
0x5e: {  	_ =	shalt  }
0x5f: {  	_ =	shalt  }
0x60: {  	_ =	shalt  }
0x61: {  	_ =	shalt  }
0x62: {  	_ =	shalt  }
0x63: {  	_ =	shalt  }
0x64: {  	_ =	shalt  }
0x65: {  	_ =	shalt  }
0x66: {  	_ =	shalt  }
0x67: {  	_ =	shalt  }
0x68: {  	_ =	shalt  }
0x69: {  	_ =	shalt  }
0x6a: {  	_ =	shalt  }
0x6b: {  	_ =	shalt  }
0x6c: {  	_ =	shalt  }
0x6d: {  	_ =	shalt  }
0x6e: {  	_ =	shalt  }
0x6f: {  	_ =	shalt  }
0x70: {  	_ =	shalt  }
0x71: {  	_ =	shalt  }
0x72: {  	_ =	shalt  }
0x73: {  	_ =	shalt  }
0x74: {  	_ =	shalt  }
0x75: {  	_ =	shalt  }
0x76: {  	_ =	shalt  }
0x77: {  	_ =	shalt  }
0x78: {  	_ =	shalt  }
0x79: {  	_ =	shalt  }
0x7a: {  	_ =	shalt  }
0x7b: {  	_ =	shalt  }
0x7c: {  	_ =	shalt  }
0x7d: {  	_ =	shalt  }
0x7e: {  	_ =	shalt  }
0x7f: {  	_ =	shalt  }
0x80: {  	_ =	shalt  }
0x81: {  	_ =	shalt  }
0x82: {  	_ =	shalt  }
0x83: {  	_ =	shalt  }
0x84: {  	_ =	shalt  }
0x85: {  	_ =	shalt  }
0x86: {  	_ =	shalt  }
0x87: {  	_ =	shalt  }
.Lfunc_end0:
.L_simem_size_0:
called_computation.3_lowered:
.L_overlay_start_0:
0x88: {  	s2 =	sld [smem:$0x3FD9]  }
0x89: {  	s3 =	sld [smem:$0x3FFE];
	_ =	sdelay $0x1  }
0x8a: {  	s1 =	srdreg.scid  }
0x8b: {  	s0 =	sand.u32 $0x1, s1  }
0x8c: {  	s17 =	sshll.u32 s0, $0xA;
	s2 =	sadd.s32 s3, s2  }
0x8d: {  	s2 =	sadd.s32 s2, s17  }
0x8e: {  	[smem:$0x3FBC] =	sst s2  }
0x8f: {  	_ = 	snop  }
0x90: {  	s2 =	sld [smem:$0x3FC0]  }
0x91: {  	s18 =	sld [smem:$0x3FBF];
	(tm) =	ssettm $0x1  }
0x92: {  	s4 =	sld [smem:$0x3FFB];
	_ =	sdelay $0x3  }
0x93: {  	_ =	strace s4  }
0x94: {  	s4 =	sld [smem:$0x3FFC];
	_ =	sdelay $0x3  }
0x95: {  	_ =	strace s4  }
0x96: {  	s4 =	sld [smem:$0x3FFD];
	_ =	sdelay $0x3  }
0x97: {  	_ =	strace s4  }
0x98: {  	_ =	strace $0x8FFFFFFF  }
0x99: {  	s19 =	sld [smem:$0x3FDB];
	_ =	sdelay $0x1  }
0x9a: {  	s5 =	simm.s32 $_scs_section_size  }
0x9b: {  	s6 =	simm.s32 $_size__tile_overlayer_lowered;
	s7 =	simm.s32 $_tile_overlayer_lowered  }
0x9c: {  	s22 =	simm.s32 $0x1BFF;
	s21 =	sshll.u32 s7, $0x1;
	s4 =	sadd.s32 s5, s19  }
0x9d: {  	s8 =	simm.s32 $0x0;
	s20 =	sshll.u32 s6, $0x1;
	s6 =	sadd.s32 s21, s4  }
0x9e: {  	[timem:s8], [sflag:s22] =	dma.local [hbm:s6], s20  }
0x9f: {  	_ =	swait.ge [sflag:s22], s20  }
0xa0: {  	s5 =	ssub.s32 $0x0, s20;
	[sflag:s22] =	ssyncset.done $0x0  }
0xa1: {  	[sflag:s22] =	ssyncadd.s32 s5;
	_ =	sdelay $0x1  }
0xa2: {  	s23 =	simm.s32 $0x1B8B  }
0xa3: {  	_ =	swait.ge [sflag:s23], $0x1  }
0xa4: {  	[sflag:s23] =	ssyncset.done $0x0  }
0xa5: {  	s25 =	simm.s32 $0x1B8E;
	s24 =	sld [smem:$0x3FFE];
	[sflag:s23] =	ssyncadd.s32 $0xFFFFFFFF  }
0xa6: {  	s26 =	simm.s32 $execute0_lowered;
	[smem:$0x3FD2] =	sst s25  }
0xa7: {  	s6 =	sshll.u32 s26, $0x1;
	_ =	strace $0x8000004F;
	[dreg:$0x1] =	wrdreg $0xFFFFFFFF  }
0xa8: {  	s28 =	simm.s32 $_size_execute0_lowered;
	s4 =	sadd.s32 s4, s6;
	[dreg:$0x0] =	wrdreg $0x0  }
0xa9: {  	s6 =	sshll.u32 s28, $0x1;
	[dreg:$0x2] =	wrdreg s4  }
0xaa: {  	[dreg:$0x3] =	wrdreg s6  }
0xab: {  	[dreg:$0x4] =	wrdreg $0xC0  }
0xac: {  	_ =	task [dreg:s8], $0x5FFFF  }
0xad: {  	[dreg:$0x1] =	wrdreg $0xFFFFFFFF  }
0xae: {  	[dreg:$0x0] =	wrdreg $0x60  }
0xaf: {  	[dreg:$0x2] =	wrdreg s24  }
0xb0: {  	[dreg:$0x3] =	wrdreg s2  }
0xb1: {  	[dreg:$0x4] =	wrdreg s18  }
0xb2: {  	[dreg:$0x5] =	wrdreg $0x9  }
0xb3: {  	_ =	task.clear_ibuf [dreg:s8], $0x6FFFF;
	_ =	strace $0x9000004F  }
0xb4: {  	s29 =	simm.s32 $0x9;
	_ =	strace $0x80000051  }
0xb5: {  	_ =	swait.ge [sflag:s29], $0x1  }
0xb6: {  	[sflag:s29] =	ssyncadd.s32 $0xFFFFFFFF  }
0xb7: {  	_ =	strace $0x90000051  }
0xb8: {  	_ =	sfence  }
0xb9: {  	s30 =	sld [smem:$0x0];
	_ =	sdelay $0x2  }
0xba: {  	s31 =	sshll.u32 s1, $0xD;
	s1 =	sshrl.u32 s1, $0x2  }
0xbb: {  	s3 =	sand.u32 $0x4000, s31;
	s1 =	sadd.s32 s1, s30  }
0xbc: {  	s0 =	sor.u32 s3, s0;
	s1 =	sshll.u32 s1, $0x11  }
0xbd: {  	s0 =	sor.u32 s1, s0  }
0xbe: {  	s0 =	sadd.s32 $0x8F2B, s0  }
0xbf: {  	[sflag:s0] =	ssyncadd.remote.s32 $0x1  }
0xc0: {  	_ =	sfence.sel $0xFFFF  }
0xc1: {  	[dreg:$0x0] =	wrdreg $0xFFFFFFFF;
	(pc) =	sbr.abs _section_cstart, $3  }
0xc2: {  	[dreg:$0x1] =	wrdreg $0xFFFFFFFF  }
0xc3: {  	_ =	task.clear_ibuf [dreg:s8], $0x2FFFF;
	_ =	strace $0x9FFFFFFF  }
0xc4: {  	(tm) =	ssettm $0x7FFFFFFF  }
0xc5: {  	_ =	shalt  }
tec
execute0_lowered:
.L_overlay_start_1:
0x0: {  	(tag) =	ssettag $0x1  }
0x1: {  	s5 =	rddreg [dreg:$0x0]  }
0x2: {  	s6 =	rddreg [dreg:$0x1]  }
0x3: {  	s7 =	rddreg [dreg:$0x2];
	s2 =	simm.s32 $0x0  }
0x4: {  	s3 =	srdreg.scid;
	s0 =	stileid.u32;
	s17 =	simm.s32 $0x4F00  }
0x5: {  	s18 =	simm.s32 $0xB300;
	s19 =	simm.s32 $0x11700;
	s21 =	simm.s32 $0x17B00  }
0x6: {  	s22 =	simm.s32 $0x1;
	s23 =	simm.s32 $0x2;
	s24 =	simm.s32 $0x3  }
0x7: {  	s25 =	simm.s32 $0x4;
	s26 =	simm.s32 $0x0;
	[smem:$0x7FF] =	sst s2  }
0x8: {  	s11 =	sand.u32 $0x1, s3;
	s4 =	sshll.u32 s0, $0x1;
	s3 =	sadd.s32 $0x8EF400, s5  }
0x9: {  	s12 =	sadd.s32 $0x4200, s5;
	s15 =	smul.u32 $0x4E200, s0;
	s8 =	sor.u32 s11, s4  }
0xa: {  	s13 =	sadd.s32 $0xBFD400, s5;
	s10 =	ssub.s32 $0x2, s11;
	s9 =	smul.u32 $0x2710, s8  }
0xb: {  	_ =	strace $0x80000050;
	s8 =	smul.u32 $0x138800, s8;
	s29 =	sshrl.u32 s10, $0x1  }
0xc: {  	s4 =	sadd.s32 $0xA76400, s5;
	s16 =	smul.u32 $0x27100, s11;
	s14 =	ssub.s32 s10, s29  }
0xd: {  	s9 =	sshrl.u32 s9, $0x3;
	s8 =	sshrl.u32 s8, $0x3;
	s11 =	smax.u32 s14, $0x1  }
0xe: {  	s14 =	simm.s32 $0x5;
	s5 =	sadd.s32 s6, s9;
	s30 =	sadd.s32 $0x25800, s8  }
0xf: {  	s6 =	sadd.s32 s7, s9;
	s31 =	sadd.s32 $0x26480, s8;
	s7 =	sadd.s32 s12, s30  }
0x10: {  	s8 =	sadd.s32 s12, s31;
	s9 =	sadd.s32 s13, s30;
	s10 =	sadd.s32 s13, s31  }
0x11: {  	s12 =	sadd.s32 s15, s12;
	s13 =	sadd.s32 s15, s13;
	s15 =	simm.s32 $0x2780  }
0x12: {  	s12 =	sadd.s32 s16, s12;
	s13 =	sadd.s32 s16, s13;
	s16 =	simm.s32 $0xC8  }
.LBB2_1:
0x13: {  	[tilespmem:s2], [sflag:$0x5] =	stream.linear.gather [hbm4b:s5+s2], $0x2710, $0x38;
	[tilespmem:$0x1DF00] =	vst v63  }
0x14: {  	_ =	swait.ge [sflag:s14], $0x2710  }
0x15: {  	[sflag:s14] =	ssyncset.done $0x0  }
0x16: {  	[sflag:s14] =	ssyncadd.s32 $0xFFFFD8F0  }
0x17: {  	[tilespmem:s15], [sflag:$0x5] =	stream.linear.gather [hbm4b:s6+s2], $0x2710, $0x38;
	[tilespmem:$0x1DF00] =	vst v63  }
0x18: {  	_ =	swait.ge [sflag:s14], $0x2710  }
0x19: {  	[sflag:s14] =	ssyncset.done $0x0  }
0x1a: {  	[sflag:s14] =	ssyncadd.s32 $0xFFFFD8F0  }
0x1b: {  	[tilespmem:s17], [sflag:$0x1] =	stream.indirect.gather [hbm4b:s3+s16], $0x80, s2, s16, $0xb8;
	[tilespmem:$0x1DF00] =	vst v63  }
0x1c: {  	_ = 	snop  }
0x1d: {  	[tilespmem:s18], [sflag:$0x2] =	stream.indirect.gather [hbm4b:s3+s16], $0x80, s16, s16, $0xb8;
	[tilespmem:$0x1DF00] =	vst v63  }
0x1e: {  	_ = 	snop  }
0x1f: {  	[tilespmem:s19], [sflag:$0x3] =	stream.indirect.gather [hbm4b:s4+s16], $0x80, s15, s16, $0xb8;
	[tilespmem:$0x1DF00] =	vst v63  }
0x20: {  	s0 =	simm.s32 $0x2848  }
0x21: {  	[tilespmem:s21], [sflag:$0x4] =	stream.indirect.gather [hbm4b:s4+s16], $0x80, s0, s16, $0xb8;
	[tilespmem:$0x1DF00] =	vst v63  }
0x22: {  	_ =	swait.ge [sflag:s22], $0x6400  }
0x23: {  	[sflag:s22] =	ssyncset.done $0x0  }
0x24: {  	s28 =	sadd.s32 $0x0, s12;
	[sflag:s22] =	ssyncadd.s32 $0xFFFF9C00  }
0x25: {  	[hbm4b:s28+s2] =	stream.linear.scatter [tilespmem:s17], [sflag:$0x5], $0x6400, $0x38;
	[tilespmem:$0x1DF00] =	vst v63  }
0x26: {  	_ =	swait.ge [sflag:s14], $0x6400  }
0x27: {  	[sflag:s14] =	ssyncset.done $0x0  }
0x28: {  	s29 =	simm.s32 $0x190;
	[sflag:s14] =	ssyncadd.s32 $0xFFFF9C00  }
0x29: {  	[tilespmem:s17], [sflag:$0x1] =	stream.indirect.gather [hbm4b:s3+s16], $0x80, s29, s16, $0xb8;
	[tilespmem:$0x1DF00] =	vst v63  }
0x2a: {  	_ =	swait.ge [sflag:s23], $0x6400  }
0x2b: {  	[sflag:s23] =	ssyncset.done $0x0  }
0x2c: {  	s28 =	sadd.s32 $0xC80, s28;
	[sflag:s23] =	ssyncadd.s32 $0xFFFF9C00  }
0x2d: {  	[hbm4b:s28+s2] =	stream.linear.scatter [tilespmem:s18], [sflag:$0x5], $0x6400, $0x38;
	[tilespmem:$0x1DF00] =	vst v63  }
0x2e: {  	_ =	swait.ge [sflag:s14], $0x6400  }
0x2f: {  	[sflag:s14] =	ssyncset.done $0x0  }
0x30: {  	s28 =	simm.s32 $0x258;
	[sflag:s14] =	ssyncadd.s32 $0xFFFF9C00  }
0x31: {  	[tilespmem:s18], [sflag:$0x2] =	stream.indirect.gather [hbm4b:s3+s16], $0x80, s28, s16, $0xb8;
	[tilespmem:$0x1DF00] =	vst v63  }
0x32: {  	_ =	swait.ge [sflag:s24], $0x6400  }
0x33: {  	[sflag:s24] =	ssyncset.done $0x0  }
0x34: {  	s28 =	sadd.s32 $0x0, s13;
	[sflag:s24] =	ssyncadd.s32 $0xFFFF9C00  }
0x35: {  	[hbm4b:s28+s2] =	stream.linear.scatter [tilespmem:s19], [sflag:$0x5], $0x6400, $0x38;
	[tilespmem:$0x1DF00] =	vst v63  }
0x36: {  	_ =	swait.ge [sflag:s14], $0x6400  }
0x37: {  	[sflag:s14] =	ssyncset.done $0x0  }
0x38: {  	s29 =	simm.s32 $0x2910;
	[sflag:s14] =	ssyncadd.s32 $0xFFFF9C00  }
0x39: {  	[tilespmem:s19], [sflag:$0x3] =	stream.indirect.gather [hbm4b:s4+s16], $0x80, s29, s16, $0xb8;
	[tilespmem:$0x1DF00] =	vst v63  }
0x3a: {  	_ =	swait.ge [sflag:s25], $0x6400  }
0x3b: {  	[sflag:s25] =	ssyncset.done $0x0  }
0x3c: {  	s28 =	sadd.s32 $0xC80, s28;
	[sflag:s25] =	ssyncadd.s32 $0xFFFF9C00  }
0x3d: {  	[hbm4b:s28+s2] =	stream.linear.scatter [tilespmem:s21], [sflag:$0x5], $0x6400, $0x38;
	[tilespmem:$0x1DF00] =	vst v63  }
0x3e: {  	_ =	swait.ge [sflag:s14], $0x6400  }
0x3f: {  	s30 =	simm.s32 $0x3E8;
	s31 =	simm.s32 $0x2B68;
	[sflag:s14] =	ssyncset.done $0x0  }
0x40: {  	s29 =	simm.s32 $0x1900;
	s28 =	simm.s32 $0x29D8;
	[sflag:s14] =	ssyncadd.s32 $0xFFFF9C00  }
.LBB2_2:
0x41: {  	[tilespmem:s21], [sflag:$0x4] =	stream.indirect.gather [hbm4b:s4+s16], $0x80, s28, s16, $0xb8;
	[tilespmem:$0x1DF00] =	vst v63  }
0x42: {  	s0 =	smov.u32 s29;
	s28 =	smov.u32 s31  }
0x43: {  	p0 =	sne.s32 s29, $0x23F00;
	s29 =	sadd.s32 $0x1900, s29;
	_ =	swait.ge [sflag:s22], $0x6400  }
0x44: {  	[sflag:s22] =	ssyncset.done $0x0  }
0x45: {  	s1 =	sadd.s32 s0, s12;
	[sflag:s22] =	ssyncadd.s32 $0xFFFF9C00  }
0x46: {  	[hbm4b:s1+s2] =	stream.linear.scatter [tilespmem:s17], [sflag:$0x5], $0x6400, $0x38;
	[tilespmem:$0x1DF00] =	vst v63  }
0x47: {  	_ =	swait.ge [sflag:s14], $0x6400  }
0x48: {  	[sflag:s14] =	ssyncset.done $0x0  }
0x49: {  	s20 =	sadd.s32 $0xFFFFFF38, s30;
	[sflag:s14] =	ssyncadd.s32 $0xFFFF9C00  }
0x4a: {  	[tilespmem:s17], [sflag:$0x1] =	stream.indirect.gather [hbm4b:s3+s16], $0x80, s20, s16, $0xb8;
	[tilespmem:$0x1DF00] =	vst v63  }
0x4b: {  	_ =	swait.ge [sflag:s23], $0x6400  }
0x4c: {  	[sflag:s23] =	ssyncset.done $0x0  }
0x4d: {  	s1 =	sadd.s32 $0xC80, s1;
	[sflag:s23] =	ssyncadd.s32 $0xFFFF9C00  }
0x4e: {  	[hbm4b:s1+s2] =	stream.linear.scatter [tilespmem:s18], [sflag:$0x5], $0x6400, $0x38;
	[tilespmem:$0x1DF00] =	vst v63  }
0x4f: {  	_ =	swait.ge [sflag:s14], $0x6400  }
0x50: {  	[sflag:s14] =	ssyncset.done $0x0  }
0x51: {  	[sflag:s14] =	ssyncadd.s32 $0xFFFF9C00  }
0x52: {  	[tilespmem:s18], [sflag:$0x2] =	stream.indirect.gather [hbm4b:s3+s16], $0x80, s30, s16, $0xb8;
	[tilespmem:$0x1DF00] =	vst v63  }
0x53: {  	_ =	swait.ge [sflag:s24], $0x6400  }
0x54: {  	[sflag:s24] =	ssyncset.done $0x0  }
0x55: {  	s0 =	sadd.s32 s0, s13;
	[sflag:s24] =	ssyncadd.s32 $0xFFFF9C00  }
0x56: {  	[hbm4b:s0+s2] =	stream.linear.scatter [tilespmem:s19], [sflag:$0x5], $0x6400, $0x38;
	[tilespmem:$0x1DF00] =	vst v63  }
0x57: {  	_ =	swait.ge [sflag:s14], $0x6400  }
0x58: {  	[sflag:s14] =	ssyncset.done $0x0  }
0x59: {  	s1 =	sadd.s32 $0xFFFFFF38, s31;
	[sflag:s14] =	ssyncadd.s32 $0xFFFF9C00  }
0x5a: {  	[tilespmem:s19], [sflag:$0x3] =	stream.indirect.gather [hbm4b:s4+s16], $0x80, s1, s16, $0xb8;
	[tilespmem:$0x1DF00] =	vst v63  }
0x5b: {  	_ =	swait.ge [sflag:s25], $0x6400  }
0x5c: {  	[sflag:s25] =	ssyncset.done $0x0  }
.Ltmp0:
0x5d: {  	s0 =	sadd.s32 $0xC80, s0;
	[sflag:s25] =	ssyncadd.s32 $0xFFFF9C00;
	(pc) =	sbr.rel @p0 .LBB2_2-.Ltmp0, $4  }
0x5e: {  	[hbm4b:s0+s2] =	stream.linear.scatter [tilespmem:s21], [sflag:$0x5], $0x6400, $0x38;
	[tilespmem:$0x1DF00] =	vst v63  }
0x5f: {  	_ =	swait.ge [sflag:s14], $0x6400  }
0x60: {  	[sflag:s14] =	ssyncset.done $0x0  }
0x61: {  	s31 =	sadd.s32 $0x190, s31;
	s30 =	sadd.s32 $0x190, s30;
	[sflag:s14] =	ssyncadd.s32 $0xFFFF9C00  }
0x62: {  	[tilespmem:s21], [sflag:$0x4] =	stream.indirect.gather [hbm4b:s4+s16], $0x80, s28, s16, $0xb8;
	[tilespmem:$0x1DF00] =	vst v63  }
0x63: {  	_ =	swait.ge [sflag:s22], $0x6400  }
0x64: {  	[sflag:s22] =	ssyncset.done $0x0  }
0x65: {  	[sflag:s22] =	ssyncadd.s32 $0xFFFF9C00  }
0x66: {  	[hbm4b:s7+s2] =	stream.linear.scatter [tilespmem:s17], [sflag:$0x5], $0x6400, $0x38;
	[tilespmem:$0x1DF00] =	vst v63  }
0x67: {  	_ =	swait.ge [sflag:s14], $0x6400  }
0x68: {  	[sflag:s14] =	ssyncset.done $0x0  }
0x69: {  	[sflag:s14] =	ssyncadd.s32 $0xFFFF9C00  }
0x6a: {  	_ =	swait.ge [sflag:s23], $0x6400  }
0x6b: {  	[sflag:s23] =	ssyncset.done $0x0  }
0x6c: {  	[sflag:s23] =	ssyncadd.s32 $0xFFFF9C00  }
0x6d: {  	[hbm4b:s8+s2] =	stream.linear.scatter [tilespmem:s18], [sflag:$0x5], $0x6400, $0x38;
	[tilespmem:$0x1DF00] =	vst v63  }
0x6e: {  	_ =	swait.ge [sflag:s14], $0x6400  }
0x6f: {  	[sflag:s14] =	ssyncset.done $0x0  }
0x70: {  	[sflag:s14] =	ssyncadd.s32 $0xFFFF9C00  }
0x71: {  	_ =	swait.ge [sflag:s24], $0x6400  }
0x72: {  	[sflag:s24] =	ssyncset.done $0x0  }
0x73: {  	[sflag:s24] =	ssyncadd.s32 $0xFFFF9C00  }
0x74: {  	[hbm4b:s9+s2] =	stream.linear.scatter [tilespmem:s19], [sflag:$0x5], $0x6400, $0x38;
	[tilespmem:$0x1DF00] =	vst v63  }
0x75: {  	_ =	swait.ge [sflag:s14], $0x6400  }
0x76: {  	[sflag:s14] =	ssyncset.done $0x0  }
0x77: {  	[sflag:s14] =	ssyncadd.s32 $0xFFFF9C00  }
0x78: {  	s26 =	sadd.s32 $0x1, s26;
	_ =	swait.ge [sflag:s25], $0x6400  }
0x79: {  	p0 =	sne.s32 s26, s11;
	[sflag:s25] =	ssyncset.done $0x0  }
.Ltmp1:
0x7a: {  	[sflag:s25] =	ssyncadd.s32 $0xFFFF9C00;
	(pc) =	sbr.rel @p0 .LBB2_1-.Ltmp1, $4  }
0x7b: {  	[hbm4b:s10+s2] =	stream.linear.scatter [tilespmem:s21], [sflag:$0x5], $0x6400, $0x38;
	[tilespmem:$0x1DF00] =	vst v63  }
0x7c: {  	_ =	swait.ge [sflag:s14], $0x6400  }
0x7d: {  	[sflag:s14] =	ssyncset.done $0x0  }
0x7e: {  	[sflag:s14] =	ssyncadd.s32 $0xFFFF9C00  }
0x7f: {  	_ =	sfence.sel $0x180000  }
0x80: {  	[bflag:$0x0] =	sbarrier.arrive $0xFFFF  }
0x81: {  	_ =	strace $0x90000050  }
0x82: {  	s0 =	stileid.u32;
	[bflag:$0x2] =	sbarrier.arrive $0xFFFF  }
0x83: {  	p0 =	sne.s32 s0, $0x0;
	s0 =	rddreg [dreg:$0x3]  }
0x84: {  	s0 =	sadd.s32 @!p0 $0x100000, s0  }
0x85: {  	[sflag:s0] =	ssyncadd.tile.s32 @!p0 $0x1;
	_ =	shalt  }
.Lfunc_end2:
_tile_overlayer_lowered:
.L_overlay_start_2:
0x86: {  	(tag) =	ssettag $0x2  }
0x87: {  	s0 =	rddreg [dreg:$0x0];
	s2 =	stileid.u32  }
0x88: {  	s1 =	rddreg [dreg:$0x1];
	p0 =	sne.s32 s2, $0x0  }
0x89: {  	s3 =	rddreg [dreg:$0x2];
	[bflag:$0x3] =	sbarrier.arrive $0xFFFF;
	s2 =	simm.s32 @!p0 $0x1C05  }
0x8a: {  	[timem:s3], [sflag:s2] =	dma.local @!p0 [hbm:s0], s1  }
0x8b: {  	s0 =	simm.s32 @!p0 $0x5  }
0x8c: {  	_ =	swait.ge @!p0 [sflag:s0], s1  }
0x8d: {  	s1 =	ssub.s32 @!p0 $0x0, s1;
	[sflag:s0] =	ssyncset.done @!p0 $0x0  }
0x8e: {  	[sflag:s0] =	ssyncadd.s32 @!p0 s1  }
0x8f: {  	[bflag:$0x3] =	sbarrier.arrive $0xFFFF  }
0x90: {  	_ =	shalt  }

// kernel: kernel.8.cloned.1.call-start
scs
__scs_entry_jumppad:
0x0: {  	(pc) =	sbr.rel $0x88, $3  }
0x1: {  	(tag) =	ssettag $0x0;
	lr =	simm.s32 $0x1  }
0x2: {  	[smem:$0x3F95] =	sst lr;
	_ =	strace $0xD0000000  }
0x3: {  	_ = 	snop  }
0x4: {  	_ = 	snop  }
0x5: {  	_ = 	snop  }
0x6: {  	_ = 	snop  }
0x7: {  	_ = 	snop  }
__scs_overlays_trampoline_lowered:
0x8: {  	[smem:$0x3FA4] =	sst s0  }
0x9: {  	[smem:$0x3FA5] =	sst s1  }
0xa: {  	[smem:$0x3FA6] =	sst s2  }
0xb: {  	[smem:$0x3FA7] =	sst s3  }
0xc: {  	[smem:$0x3FA8] =	sst s4  }
0xd: {  	[smem:$0x3FA9] =	sst s5  }
0xe: {  	[smem:$0x3FAA] =	sst s6  }
0xf: {  	[smem:$0x3FAB] =	sst s7  }
0x10: {  	[smem:$0x3FAC] =	sst s8  }
0x11: {  	[smem:$0x3FAD] =	sst s9;
	s0 =	simm.s32 @!p0 $0x0  }
0x12: {  	s1 =	sld [smem:$0x3F93];
	s0 =	simm.s32 @p0 $0x1  }
0x13: {  	[smem:$0x3FAE] =	sst s0;
	s0 =	simm.s32 @!p1 $0x0  }
0x14: {  	s2 =	sld [smem:$0x3F92];
	s0 =	simm.s32 @p1 $0x1  }
0x15: {  	[smem:$0x3FAF] =	sst s0;
	s0 =	simm.s32 @!p2 $0x0  }
0x16: {  	s3 =	sld [smem:$0x3FDB];
	s0 =	simm.s32 @p2 $0x1  }
0x17: {  	s4 =	simm.s32 $0x1BF5;
	[smem:$0x3FB1] =	sst s0  }
0x18: {  	s0 =	sld [smem:$0x3F94];
	_ =	swait.ge [sflag:s4], $0x0  }
0x19: {  	s7 =	sld [smem:$0x3F95]  }
0x1a: {  	s8 =	sadd.s32 $0xFFFFE003, lr  }
0x1b: {  	s9 =	sadd.s32 $0xFFFFFEF7, lr;
	s5 =	simm.s32 $0xFFFFFFFF;
	p2 =	slt.u32 s8, $0xFFFFF086  }
0x1c: {  	p1 =	slt.u32 s9, $0xF7A;
	s5 =	simm.s32 @!p2 $0x0  }
0x1d: {  	s5 =	simm.s32 @p1 $0x1;
	p0 =	seq.s32 s7, s2  }
0x1e: {  	s7 =	smul.u32 @!p0 $0xF7A, s2;
	p2 =	seq.s32 @!p0 s5, $0x0  }
0x1f: {  	s9 =	smul.u32 $0xF7A, s1;
	s8 =	simm.s32 @!p0 $0x1BF5;
	p2 =	por !p2, p0  }
0x20: {  	[sflag:s8] =	ssyncset.s32 @!p0 $0xFFFFF086;
	s6 =	sadd.s32 @!p0 s3, s7;
	s7 =	simm.s32 @!p0 $0x108  }
0x21: {  	s3 =	sadd.s32 s3, s9;
	s6 =	sadd.s32 @!p0 $0x88, s6;
	s7 =	simm.s32 @p2 $0x1082  }
0x22: {  	[simem:s7], [sflag:s8] =	dma.local @!p0 [hbm:s6], $0xF7A  }
0x23: {  	s9 =	sor.u32 $0xD0000000, s2;
	s6 =	simm.s32 $0x108;
	_ =	swait.ge @!p0 [sflag:s8], $0x0  }
0x24: {  	s3 =	sadd.s32 $0x88, s3;
	s6 =	simm.s32 @!p1 $0x1082;
	[sflag:s4] =	ssyncset.s32 $0xFFFFF086  }
0x25: {  	[simem:s6], [sflag:s4] =	dma.local [hbm:s3], $0xF7A  }
0x26: {  	[smem:$0x3F95] =	sst s1;
	(tag) =	ssettag s2;
	_ =	strace s9  }
0x27: {  	s1 =	sld [smem:$0x3FA5]  }
0x28: {  	s2 =	sld [smem:$0x3FA6]  }
0x29: {  	s4 =	sld [smem:$0x3FA8]  }
0x2a: {  	p0 =	seq.s32 s5, $0x0;
	s5 =	sld [smem:$0x3FA9]  }
0x2b: {  	s6 =	sld [smem:$0x3FAA]  }
0x2c: {  	s7 =	sld [smem:$0x3FAB]  }
0x2d: {  	s3 =	simm.s32 $0x108;
	s8 =	sld [smem:$0x3FAC]  }
0x2e: {  	s3 =	simm.s32 @!p0 $0x1082;
	s9 =	sld [smem:$0x3FAD]  }
0x2f: {  	lr =	sadd.s32 s0, s3;
	s0 =	sld [smem:$0x3FA4]  }
0x30: {  	s3 =	sld [smem:$0x3FA7]  }
0x31: {  	[smem:$0x3FB0] =	sst s10  }
0x32: {  	s10 =	sld [smem:$0x3FAE];
	_ =	sdelay $0x3  }
0x33: {  	p0 =	seq.s32 s10, $0x1;
	s10 =	sld [smem:$0x3FB0];
	_ =	sdelay $0x3  }
0x34: {  	[smem:$0x3FB0] =	sst s10  }
0x35: {  	s10 =	sld [smem:$0x3FAF];
	_ =	sdelay $0x3  }
0x36: {  	p1 =	seq.s32 s10, $0x1;
	s10 =	sld [smem:$0x3FB0];
	_ =	sdelay $0x3  }
0x37: {  	[smem:$0x3FB0] =	sst s10  }
0x38: {  	s10 =	sld [smem:$0x3FB1]  }
0x39: {  	_ = 	snop;
	(pc) =	sbr.ind lr, $3  }
0x3a: {  	_ = 	snop  }
0x3b: {  	_ = 	snop  }
0x3c: {  	p2 =	seq.s32 s10, $0x1;
	s10 =	sld [smem:$0x3FB0]  }
0x3d: {  	_ =	shalt  }
0x3e: {  	_ =	shalt  }
0x3f: {  	_ =	shalt  }
0x40: {  	_ =	shalt  }
0x41: {  	_ =	shalt  }
0x42: {  	_ =	shalt  }
0x43: {  	_ =	shalt  }
0x44: {  	_ =	shalt  }
0x45: {  	_ =	shalt  }
0x46: {  	_ =	shalt  }
0x47: {  	_ =	shalt  }
0x48: {  	_ =	shalt  }
0x49: {  	_ =	shalt  }
0x4a: {  	_ =	shalt  }
0x4b: {  	_ =	shalt  }
0x4c: {  	_ =	shalt  }
0x4d: {  	_ =	shalt  }
0x4e: {  	_ =	shalt  }
0x4f: {  	_ =	shalt  }
0x50: {  	_ =	shalt  }
0x51: {  	_ =	shalt  }
0x52: {  	_ =	shalt  }
0x53: {  	_ =	shalt  }
0x54: {  	_ =	shalt  }
0x55: {  	_ =	shalt  }
0x56: {  	_ =	shalt  }
0x57: {  	_ =	shalt  }
0x58: {  	_ =	shalt  }
0x59: {  	_ =	shalt  }
0x5a: {  	_ =	shalt  }
0x5b: {  	_ =	shalt  }
0x5c: {  	_ =	shalt  }
0x5d: {  	_ =	shalt  }
0x5e: {  	_ =	shalt  }
0x5f: {  	_ =	shalt  }
0x60: {  	_ =	shalt  }
0x61: {  	_ =	shalt  }
0x62: {  	_ =	shalt  }
0x63: {  	_ =	shalt  }
0x64: {  	_ =	shalt  }
0x65: {  	_ =	shalt  }
0x66: {  	_ =	shalt  }
0x67: {  	_ =	shalt  }
0x68: {  	_ =	shalt  }
0x69: {  	_ =	shalt  }
0x6a: {  	_ =	shalt  }
0x6b: {  	_ =	shalt  }
0x6c: {  	_ =	shalt  }
0x6d: {  	_ =	shalt  }
0x6e: {  	_ =	shalt  }
0x6f: {  	_ =	shalt  }
0x70: {  	_ =	shalt  }
0x71: {  	_ =	shalt  }
0x72: {  	_ =	shalt  }
0x73: {  	_ =	shalt  }
0x74: {  	_ =	shalt  }
0x75: {  	_ =	shalt  }
0x76: {  	_ =	shalt  }
0x77: {  	_ =	shalt  }
0x78: {  	_ =	shalt  }
0x79: {  	_ =	shalt  }
0x7a: {  	_ =	shalt  }
0x7b: {  	_ =	shalt  }
0x7c: {  	_ =	shalt  }
0x7d: {  	_ =	shalt  }
0x7e: {  	_ =	shalt  }
0x7f: {  	_ =	shalt  }
0x80: {  	_ =	shalt  }
0x81: {  	_ =	shalt  }
0x82: {  	_ =	shalt  }
0x83: {  	_ =	shalt  }
0x84: {  	_ =	shalt  }
0x85: {  	_ =	shalt  }
0x86: {  	_ =	shalt  }
0x87: {  	_ =	shalt  }
.Lfunc_end0:
.L_simem_size_0:
called_computation.1_lowered:
.L_overlay_start_0:
0x88: {  	s2 =	sld [smem:$0x3FD9]  }
0x89: {  	s3 =	sld [smem:$0x3FFE];
	_ =	sdelay $0x1  }
0x8a: {  	s1 =	srdreg.scid  }
0x8b: {  	s0 =	sand.u32 $0x1, s1  }
0x8c: {  	s17 =	sshll.u32 s0, $0xA;
	s2 =	sadd.s32 s3, s2  }
0x8d: {  	s2 =	sadd.s32 s2, s17  }
0x8e: {  	[smem:$0x3FBC] =	sst s2  }
0x8f: {  	_ = 	snop  }
0x90: {  	s18 =	sld [smem:$0x3FC0]  }
0x91: {  	s4 =	sld [smem:$0x3FBF];
	(tm) =	ssettm $0x1  }
0x92: {  	s19 =	sld [smem:$0x3FFB];
	_ =	sdelay $0x3  }
0x93: {  	_ =	strace s19  }
0x94: {  	s2 =	sld [smem:$0x3FFC];
	_ =	sdelay $0x3  }
0x95: {  	_ =	strace s2  }
0x96: {  	s2 =	sld [smem:$0x3FFD];
	_ =	sdelay $0x3  }
0x97: {  	_ =	strace s2  }
0x98: {  	_ =	strace $0x8FFFFFFF  }
0x99: {  	s20 =	sld [smem:$0x3FDB];
	_ =	sdelay $0x1  }
0x9a: {  	s5 =	simm.s32 $_scs_section_size  }
0x9b: {  	s6 =	simm.s32 $_size__tile_overlayer_lowered;
	s7 =	simm.s32 $_tile_overlayer_lowered  }
0x9c: {  	s8 =	simm.s32 $0x1BFF;
	s21 =	sshll.u32 s7, $0x1;
	s5 =	sadd.s32 s5, s20  }
0x9d: {  	s22 =	simm.s32 $0x0;
	s6 =	sshll.u32 s6, $0x1;
	s7 =	sadd.s32 s21, s5  }
0x9e: {  	[timem:s22], [sflag:s8] =	dma.local [hbm:s7], s6  }
0x9f: {  	_ =	swait.ge [sflag:s8], s6  }
0xa0: {  	s6 =	ssub.s32 $0x0, s6;
	[sflag:s8] =	ssyncset.done $0x0  }
0xa1: {  	[sflag:s8] =	ssyncadd.s32 s6;
	_ =	sdelay $0x1  }
0xa2: {  	s23 =	simm.s32 $0x1B8B  }
0xa3: {  	_ =	swait.ge [sflag:s23], $0x1  }
0xa4: {  	[sflag:s23] =	ssyncset.done $0x0  }
0xa5: {  	[sflag:s23] =	ssyncadd.s32 $0xFFFFFFFF  }
0xa6: {  	s6 =	sld [smem:$0x0]  }
0xa7: {  	s7 =	sand.u32 $0xFFFFFFFE, s1  }
0xa8: {  	p0 =	sne.s32 s1, s7  }
0xa9: {  	s7 =	sshll.u32 @p0 s7, $0xE  }
0xaa: {  	s7 =	sadd.s32 @p0 $0x11B8D, s7;
	s8 =	sshll.u32 @p0 s6, $0x11  }
0xab: {  	s7 =	sor.u32 @p0 s8, s7  }
0xac: {  	[sflag:s7] =	ssyncadd.remote.s32 @p0 $0x1;
	_ =	sdelay $0x1  }
0xad: {  	s7 =	simm.s32 @p0 $0x1B8D  }
0xae: {  	_ =	swait.eq @p0 [sflag:s7], $0x1  }
0xaf: {  	[sflag:s7] =	ssyncadd.s32 @p0 $0xFFFFFFFF  }
0xb0: {  	s8 =	sshll.u32 @!p0 s1, $0xE  }
0xb1: {  	s8 =	sor.u32 @!p0 $0x4000, s8;
	s7 =	simm.s32 @!p0 $0x1B8D  }
0xb2: {  	s6 =	sshll.u32 @!p0 s6, $0x11;
	s8 =	sadd.s32 @!p0 $0x11B8D, s8;
	_ =	swait.eq @!p0 [sflag:s7], $0x1  }
0xb3: {  	s6 =	sor.u32 @!p0 s6, s8;
	[sflag:s7] =	ssyncadd.s32 @!p0 $0xFFFFFFFF  }
0xb4: {  	s25 =	simm.s32 $0x1B8E;
	s24 =	sld [smem:$0x3FFE];
	[sflag:s6] =	ssyncadd.remote.s32 @!p0 $0x1  }
0xb5: {  	s26 =	simm.s32 $execute0_lowered;
	[smem:$0x3FD2] =	sst s25  }
0xb6: {  	s7 =	sshll.u32 s26, $0x1;
	_ =	strace $0x80000049;
	[dreg:$0x1] =	wrdreg $0xFFFFFFFF  }
0xb7: {  	s28 =	simm.s32 $_size_execute0_lowered;
	s5 =	sadd.s32 s5, s7;
	[dreg:$0x0] =	wrdreg $0x0  }
0xb8: {  	s7 =	sshll.u32 s28, $0x1;
	[dreg:$0x2] =	wrdreg s5  }
0xb9: {  	[dreg:$0x3] =	wrdreg s7  }
0xba: {  	[dreg:$0x4] =	wrdreg $0xC0  }
0xbb: {  	_ =	task [dreg:s22], $0x5FFFF  }
0xbc: {  	[dreg:$0x1] =	wrdreg $0xFFFFFFFF  }
0xbd: {  	[dreg:$0x0] =	wrdreg $0x60  }
0xbe: {  	[dreg:$0x2] =	wrdreg s18  }
0xbf: {  	[dreg:$0x3] =	wrdreg s4  }
0xc0: {  	[dreg:$0x4] =	wrdreg s24  }
0xc1: {  	[dreg:$0x5] =	wrdreg $0xA  }
0xc2: {  	_ =	task.clear_ibuf [dreg:s22], $0x6FFFF;
	_ =	strace $0x90000049  }
0xc3: {  	s29 =	simm.s32 $0xA;
	_ =	strace $0x8000004B  }
0xc4: {  	_ =	swait.ge [sflag:s29], $0x1  }
0xc5: {  	[sflag:s29] =	ssyncadd.s32 $0xFFFFFFFF  }
0xc6: {  	_ =	strace $0x9000004B  }
0xc7: {  	_ =	sfence  }
0xc8: {  	s30 =	sld [smem:$0x0];
	_ =	sdelay $0x2  }
0xc9: {  	s31 =	sshll.u32 s1, $0xD;
	s1 =	sshrl.u32 s1, $0x2  }
0xca: {  	s4 =	sand.u32 $0x4000, s31;
	s1 =	sadd.s32 s1, s30  }
0xcb: {  	s0 =	sor.u32 s4, s0;
	s1 =	sshll.u32 s1, $0x11  }
0xcc: {  	s0 =	sor.u32 s1, s0  }
0xcd: {  	s0 =	sadd.s32 $0x8F2B, s0  }
0xce: {  	[sflag:s0] =	ssyncadd.remote.s32 $0x1  }
0xcf: {  	_ =	sfence.sel $0xFFFF  }
0xd0: {  	[dreg:$0x0] =	wrdreg $0xFFFFFFFF;
	(pc) =	sbr.abs _section_cstart, $3  }
0xd1: {  	[dreg:$0x1] =	wrdreg $0xFFFFFFFF  }
0xd2: {  	_ =	task.clear_ibuf [dreg:s22], $0x2FFFF;
	_ =	strace $0x9FFFFFFF  }
0xd3: {  	(tm) =	ssettm $0x7FFFFFFF  }
tec
execute0_lowered:
.L_overlay_start_1:
0x0: {  	(tag) =	ssettag $0x1  }
0x1: {  	s1 =	srdreg.scid;
	s3 =	rddreg [dreg:$0x0]  }
0x2: {  	s0 =	stileid.u32;
	s6 =	rddreg [dreg:$0x1]  }
0x3: {  	s7 =	rddreg [dreg:$0x2];
	s2 =	simm.s32 $0x0;
	s12 =	simm.s32 $0x80  }
0x4: {  	s13 =	simm.s32 $0x400;
	s14 =	simm.s32 $0x3;
	s15 =	simm.s32 $0x2  }
0x5: {  	s16 =	simm.s32 $0x0;
	s5 =	sand.u32 $0x1, s1;
	s26 =	sshll.u32 s0, $0x1  }
0x6: {  	s28 =	sshrl.u32 s0, $0x2;
	s1 =	rddreg [dreg:$0x3];
	s10 =	smul.u32 $0x4E20, s0  }
0x7: {  	[smem:$0x7FF] =	sst s2;
	s4 =	sor.u32 s5, s26;
	s8 =	smul.u32 $0xC3800, s28  }
0x8: {  	s29 =	ssub.s32 $0x2, s5;
	s9 =	sshll.u32 s4, $0x7;
	s4 =	smul.u32 $0x2710, s4  }
0x9: {  	v0 =	vimm.s32 $0xFFFFFFFF;
	vm0 =	vcmask $0x704;
	_ =	strace $0x8000004A;
	s11 =	smul.u32 $0x2710, s5;
	s9 =	sand.u32 $0x380, s9  }
0xa: {  	vm1 =	vcmask $0xB08;
	vm2 =	vcmask $0xF0C;
	vm14 =	vcmask $0x3F3C;
	s30 =	sshrl.u32 s29, $0x1;
	s8 =	sor.u32 s8, s9;
	s31 =	sshrl.u32 s4, $0x3  }
0xb: {  	vm3 =	vcmask $0x1310;
	vm4 =	vcmask $0x1714;
	vm5 =	vcmask $0x1B18;
	s9 =	simm.s32 $0x18700;
	s8 =	sshrl.u32 s8, $0x3;
	s3 =	sadd.s32 s3, s31  }
0xc: {  	vm6 =	vcmask $0x1F1C;
	vm7 =	vcmask $0x2320;
	vm8 =	vcmask $0x2724;
	s5 =	sadd.s32 s6, s31;
	s7 =	sadd.s32 s8, s7;
	s8 =	ssub.s32 s29, s30  }
0xd: {  	v1 =	vlaneseq.u32;
	vm9 =	vcmask $0x2B28;
	vm10 =	vcmask $0x2F2C;
	s4 =	sadd.s32 $0x61EA00, s7;
	s6 =	sadd.s32 $0x680600, s7;
	s7 =	smax.u32 s8, $0x1  }
0xe: {  	vm11 =	vcmask $0x3330;
	vm12 =	vcmask $0x3734;
	vm13 =	vcmask $0x3B38;
	s8 =	sadd.s32 s11, s10;
	s10 =	simm.s32 $0x1AE80;
	s11 =	simm.s32 $0x1  }
.LBB2_1:
0xf: {  	[tilespmem:s9], [sflag:$0x1] =	stream.linear.gather [hbm4b:s3+s2], $0x2710, $0x38;
	[tilespmem:$0x1D600] =	vst v63  }
0x10: {  	s18 =	simm.s32 $0x100;
	s17 =	simm.s32 $0x0  }
0x11: {  	[tilespmem:s10], [sflag:$0x2] =	stream.linear.gather [hbm4b:s5+s2], $0x2710, $0x38;
	[tilespmem:$0x1D600] =	vst v63  }
.LBB2_2:
0x12: {  	p0 =	sne.s32 s18, $0x61B00;
	[tilespmem:s17+$0x30] =	vst v0;
	s19 =	smov.u32 s18;
	s18 =	sadd.s32 $0x100, s18  }
.Ltmp0:
0x13: {  	[tilespmem:s17+$0x20] =	vst v0;
	(pc) =	sbr.rel @p0 .LBB2_2-.Ltmp0, $3  }
0x14: {  	[tilespmem:s17+$0x0] =	vst v0  }
0x15: {  	[tilespmem:s17+$0x10] =	vst v0;
	_ =	sdelay $0x1  }
0x16: {  	s17 =	sshra.s32 s19, $0x2  }
0x17: {  	[tilespmem:s17+$0x30] =	vst v0  }
0x18: {  	[tilespmem:s17+$0x20] =	vst v0  }
0x19: {  	[tilespmem:s17+$0x0] =	vst v0  }
0x1a: {  	[tilespmem:s17+$0x10] =	vst v0  }
0x1b: {  	_ =	swait.ge [sflag:s11], $0x2710  }
0x1c: {  	[sflag:s11] =	ssyncset.done $0x0  }
0x1d: {  	s31 =	simm.s32 $0x0;
	[sflag:s11] =	ssyncadd.s32 $0xFFFFD8F0  }
0x1e: {  	v2 =	vld [tilespmem:s31+$0x18700];
	_ =	sdelay $0x6  }
0x1f: {  	v3 =	vor.u32 s8, v1  }
0x20: {  	[tilespmem:v2+s2+$0x0] =	vst.idx.msk $0x1, v3  }
0x21: {  	[tilespmem:v2+s2+$0x0] =	vst.idx.msk vm0, v3  }
0x22: {  	[tilespmem:v2+s2+$0x0] =	vst.idx.msk vm1, v3  }
0x23: {  	[tilespmem:v2+s2+$0x0] =	vst.idx.msk vm2, v3  }
0x24: {  	[tilespmem:v2+s2+$0x0] =	vst.idx.msk vm3, v3  }
0x25: {  	[tilespmem:v2+s2+$0x0] =	vst.idx.msk vm4, v3  }
0x26: {  	[tilespmem:v2+s2+$0x0] =	vst.idx.msk vm5, v3  }
0x27: {  	[tilespmem:v2+s2+$0x0] =	vst.idx.msk vm6, v3  }
0x28: {  	[tilespmem:v2+s2+$0x0] =	vst.idx.msk vm7, v3  }
0x29: {  	[tilespmem:v2+s2+$0x0] =	vst.idx.msk vm8, v3  }
0x2a: {  	[tilespmem:v2+s2+$0x0] =	vst.idx.msk vm9, v3  }
0x2b: {  	[tilespmem:v2+s2+$0x0] =	vst.idx.msk vm10, v3  }
0x2c: {  	[tilespmem:v2+s2+$0x0] =	vst.idx.msk vm11, v3  }
0x2d: {  	[tilespmem:v2+s2+$0x0] =	vst.idx.msk vm12, v3  }
0x2e: {  	s18 =	simm.s32 $0x40;
	s19 =	simm.s32 $0x80;
	s17 =	smov.u32 s8;
	[tilespmem:v2+s2+$0x0] =	vst.idx.msk vm13, v3  }
.LBB2_4:
0x2f: {  	s20 =	sshra.s32 s18, $0x2  }
0x30: {  	[tilespmem:v2+s2+$0x0] =	vst.idx.msk vm14, v3;
	s17 =	sadd.s32 $0x10, s17;
	s18 =	smov.u32 s19;
	s21 =	sadd.s32 $0x40, s19  }
0x31: {  	p0 =	sne.s32 s19, $0x9C00;
	v2 =	vld [tilespmem:s20+$0x18700];
	_ =	sdelay $0x6  }
0x32: {  	v3 =	vor.u32 s17, v1  }
0x33: {  	[tilespmem:v2+s2+$0x0] =	vst.idx.msk $0x1, v3  }
0x34: {  	[tilespmem:v2+s2+$0x0] =	vst.idx.msk vm0, v3  }
0x35: {  	[tilespmem:v2+s2+$0x0] =	vst.idx.msk vm1, v3  }
0x36: {  	[tilespmem:v2+s2+$0x0] =	vst.idx.msk vm2, v3  }
0x37: {  	[tilespmem:v2+s2+$0x0] =	vst.idx.msk vm3, v3  }
0x38: {  	[tilespmem:v2+s2+$0x0] =	vst.idx.msk vm4, v3  }
0x39: {  	[tilespmem:v2+s2+$0x0] =	vst.idx.msk vm5, v3  }
0x3a: {  	[tilespmem:v2+s2+$0x0] =	vst.idx.msk vm6, v3  }
0x3b: {  	[tilespmem:v2+s2+$0x0] =	vst.idx.msk vm7, v3  }
0x3c: {  	[tilespmem:v2+s2+$0x0] =	vst.idx.msk vm8, v3  }
.Ltmp1:
0x3d: {  	[tilespmem:v2+s2+$0x0] =	vst.idx.msk vm9, v3;
	(pc) =	sbr.rel @p0 .LBB2_4-.Ltmp1, $4  }
0x3e: {  	[tilespmem:v2+s2+$0x0] =	vst.idx.msk vm10, v3  }
0x3f: {  	[tilespmem:v2+s2+$0x0] =	vst.idx.msk vm11, v3  }
0x40: {  	[tilespmem:v2+s2+$0x0] =	vst.idx.msk vm12, v3  }
0x41: {  	s19 =	smov.u32 s21;
	[tilespmem:v2+s2+$0x0] =	vst.idx.msk vm13, v3  }
0x42: {  	_ =	sdelay $0x4  }
0x43: {  	s18 =	sshra.s32 s18, $0x2;
	[tilespmem:v2+s2+$0x0] =	vst.idx.msk vm14, v3  }
0x44: {  	v2 =	vld [tilespmem:s18+$0x18700];
	_ =	sdelay $0x5  }
0x45: {  	s17 =	sadd.s32 $0x10, s17  }
0x46: {  	v3 =	vor.u32 s17, v1  }
0x47: {  	[tilespmem:v2+s2+$0x0] =	vst.idx.msk $0x1, v3  }
0x48: {  	[tilespmem:v2+s2+$0x0] =	vst.idx.msk vm0, v3  }
0x49: {  	[tilespmem:v2+s2+$0x0] =	vst.idx.msk vm1, v3  }
0x4a: {  	[tilespmem:v2+s2+$0x0] =	vst.idx.msk vm2, v3  }
0x4b: {  	[tilespmem:v2+s2+$0x0] =	vst.idx.msk vm3, v3  }
0x4c: {  	[tilespmem:v2+s2+$0x0] =	vst.idx.msk vm4, v3  }
0x4d: {  	[tilespmem:v2+s2+$0x0] =	vst.idx.msk vm5, v3  }
0x4e: {  	[tilespmem:v2+s2+$0x0] =	vst.idx.msk vm6, v3  }
0x4f: {  	[tilespmem:v2+s2+$0x0] =	vst.idx.msk vm7, v3  }
0x50: {  	[tilespmem:v2+s2+$0x0] =	vst.idx.msk vm8, v3  }
0x51: {  	[tilespmem:v2+s2+$0x0] =	vst.idx.msk vm9, v3  }
0x52: {  	[tilespmem:v2+s2+$0x0] =	vst.idx.msk vm10, v3  }
0x53: {  	[tilespmem:v2+s2+$0x0] =	vst.idx.msk vm11, v3  }
0x54: {  	[tilespmem:v2+s2+$0x0] =	vst.idx.msk vm12, v3  }
0x55: {  	[tilespmem:v2+s2+$0x0] =	vst.idx.msk vm13, v3  }
0x56: {  	s31 =	simm.s32 $0x0;
	[tilespmem:v2+s2+$0x0] =	vst.idx.msk vm14, v3  }
0x57: {  	[hbm4b:s4+s12] =	stream.strided.scatter [tilespmem:s31], [sflag:$0x3], $0x18700, s13, s12, $0x38;
	[tilespmem:$0x1D600] =	vst v63  }
0x58: {  	_ =	swait.ge [sflag:s14], $0x18700  }
0x59: {  	[sflag:s14] =	ssyncset.done $0x0  }
0x5a: {  	s18 =	simm.s32 $0x100;
	s17 =	simm.s32 $0x0;
	[sflag:s14] =	ssyncadd.s32 $0xFFFE7900  }
.LBB2_6:
0x5b: {  	p0 =	sne.s32 s18, $0x61B00;
	[tilespmem:s17+$0x30] =	vst v0;
	s19 =	smov.u32 s18;
	s18 =	sadd.s32 $0x100, s18  }
.Ltmp2:
0x5c: {  	[tilespmem:s17+$0x20] =	vst v0;
	(pc) =	sbr.rel @p0 .LBB2_6-.Ltmp2, $3  }
0x5d: {  	[tilespmem:s17+$0x0] =	vst v0  }
0x5e: {  	[tilespmem:s17+$0x10] =	vst v0;
	_ =	sdelay $0x1  }
0x5f: {  	s17 =	sshra.s32 s19, $0x2  }
0x60: {  	[tilespmem:s17+$0x30] =	vst v0  }
0x61: {  	[tilespmem:s17+$0x20] =	vst v0  }
0x62: {  	[tilespmem:s17+$0x0] =	vst v0  }
0x63: {  	[tilespmem:s17+$0x10] =	vst v0  }
0x64: {  	_ =	swait.ge [sflag:s15], $0x2710  }
0x65: {  	[sflag:s15] =	ssyncset.done $0x0  }
0x66: {  	s31 =	simm.s32 $0x0;
	[sflag:s15] =	ssyncadd.s32 $0xFFFFD8F0  }
0x67: {  	v2 =	vld [tilespmem:s31+$0x1AE80];
	_ =	sdelay $0x6  }
0x68: {  	v3 =	vor.u32 s8, v1  }
0x69: {  	[tilespmem:v2+s2+$0x0] =	vst.idx.msk $0x1, v3  }
0x6a: {  	[tilespmem:v2+s2+$0x0] =	vst.idx.msk vm0, v3  }
0x6b: {  	[tilespmem:v2+s2+$0x0] =	vst.idx.msk vm1, v3  }
0x6c: {  	[tilespmem:v2+s2+$0x0] =	vst.idx.msk vm2, v3  }
0x6d: {  	[tilespmem:v2+s2+$0x0] =	vst.idx.msk vm3, v3  }
0x6e: {  	[tilespmem:v2+s2+$0x0] =	vst.idx.msk vm4, v3  }
0x6f: {  	[tilespmem:v2+s2+$0x0] =	vst.idx.msk vm5, v3  }
0x70: {  	[tilespmem:v2+s2+$0x0] =	vst.idx.msk vm6, v3  }
0x71: {  	[tilespmem:v2+s2+$0x0] =	vst.idx.msk vm7, v3  }
0x72: {  	[tilespmem:v2+s2+$0x0] =	vst.idx.msk vm8, v3  }
0x73: {  	[tilespmem:v2+s2+$0x0] =	vst.idx.msk vm9, v3  }
0x74: {  	[tilespmem:v2+s2+$0x0] =	vst.idx.msk vm10, v3  }
0x75: {  	[tilespmem:v2+s2+$0x0] =	vst.idx.msk vm11, v3  }
0x76: {  	[tilespmem:v2+s2+$0x0] =	vst.idx.msk vm12, v3  }
0x77: {  	s18 =	simm.s32 $0x40;
	s19 =	simm.s32 $0x80;
	s17 =	smov.u32 s8;
	[tilespmem:v2+s2+$0x0] =	vst.idx.msk vm13, v3  }
.LBB2_8:
0x78: {  	s20 =	sshra.s32 s18, $0x2  }
0x79: {  	[tilespmem:v2+s2+$0x0] =	vst.idx.msk vm14, v3;
	s17 =	sadd.s32 $0x10, s17;
	s18 =	smov.u32 s19;
	s21 =	sadd.s32 $0x40, s19  }
0x7a: {  	p0 =	sne.s32 s19, $0x9C00;
	v2 =	vld [tilespmem:s20+$0x1AE80];
	_ =	sdelay $0x6  }
0x7b: {  	v3 =	vor.u32 s17, v1  }
0x7c: {  	[tilespmem:v2+s2+$0x0] =	vst.idx.msk $0x1, v3  }
0x7d: {  	[tilespmem:v2+s2+$0x0] =	vst.idx.msk vm0, v3  }
0x7e: {  	[tilespmem:v2+s2+$0x0] =	vst.idx.msk vm1, v3  }
0x7f: {  	[tilespmem:v2+s2+$0x0] =	vst.idx.msk vm2, v3  }
0x80: {  	[tilespmem:v2+s2+$0x0] =	vst.idx.msk vm3, v3  }
0x81: {  	[tilespmem:v2+s2+$0x0] =	vst.idx.msk vm4, v3  }
0x82: {  	[tilespmem:v2+s2+$0x0] =	vst.idx.msk vm5, v3  }
0x83: {  	[tilespmem:v2+s2+$0x0] =	vst.idx.msk vm6, v3  }
0x84: {  	[tilespmem:v2+s2+$0x0] =	vst.idx.msk vm7, v3  }
0x85: {  	[tilespmem:v2+s2+$0x0] =	vst.idx.msk vm8, v3  }
.Ltmp3:
0x86: {  	[tilespmem:v2+s2+$0x0] =	vst.idx.msk vm9, v3;
	(pc) =	sbr.rel @p0 .LBB2_8-.Ltmp3, $4  }
0x87: {  	[tilespmem:v2+s2+$0x0] =	vst.idx.msk vm10, v3  }
0x88: {  	[tilespmem:v2+s2+$0x0] =	vst.idx.msk vm11, v3  }
0x89: {  	[tilespmem:v2+s2+$0x0] =	vst.idx.msk vm12, v3  }
0x8a: {  	s19 =	smov.u32 s21;
	[tilespmem:v2+s2+$0x0] =	vst.idx.msk vm13, v3  }
0x8b: {  	_ =	sdelay $0x4  }
0x8c: {  	s18 =	sshra.s32 s18, $0x2;
	[tilespmem:v2+s2+$0x0] =	vst.idx.msk vm14, v3  }
0x8d: {  	v2 =	vld [tilespmem:s18+$0x1AE80];
	_ =	sdelay $0x5  }
0x8e: {  	s17 =	sadd.s32 $0x10, s17  }
0x8f: {  	v3 =	vor.u32 s17, v1  }
0x90: {  	[tilespmem:v2+s2+$0x0] =	vst.idx.msk $0x1, v3  }
0x91: {  	[tilespmem:v2+s2+$0x0] =	vst.idx.msk vm0, v3  }
0x92: {  	[tilespmem:v2+s2+$0x0] =	vst.idx.msk vm1, v3  }
0x93: {  	[tilespmem:v2+s2+$0x0] =	vst.idx.msk vm2, v3  }
0x94: {  	[tilespmem:v2+s2+$0x0] =	vst.idx.msk vm3, v3  }
0x95: {  	[tilespmem:v2+s2+$0x0] =	vst.idx.msk vm4, v3  }
0x96: {  	[tilespmem:v2+s2+$0x0] =	vst.idx.msk vm5, v3  }
0x97: {  	[tilespmem:v2+s2+$0x0] =	vst.idx.msk vm6, v3  }
0x98: {  	[tilespmem:v2+s2+$0x0] =	vst.idx.msk vm7, v3  }
0x99: {  	[tilespmem:v2+s2+$0x0] =	vst.idx.msk vm8, v3  }
0x9a: {  	[tilespmem:v2+s2+$0x0] =	vst.idx.msk vm9, v3  }
0x9b: {  	[tilespmem:v2+s2+$0x0] =	vst.idx.msk vm10, v3  }
0x9c: {  	[tilespmem:v2+s2+$0x0] =	vst.idx.msk vm11, v3  }
0x9d: {  	s16 =	sadd.s32 $0x1, s16;
	[tilespmem:v2+s2+$0x0] =	vst.idx.msk vm12, v3  }
0x9e: {  	p0 =	sne.s32 s16, s7;
	[tilespmem:v2+s2+$0x0] =	vst.idx.msk vm13, v3  }
.Ltmp4:
0x9f: {  	[tilespmem:v2+s2+$0x0] =	vst.idx.msk vm14, v3;
	(pc) =	sbr.rel @p0 .LBB2_1-.Ltmp4, $4  }
0xa0: {  	[hbm4b:s6+s12] =	stream.strided.scatter [tilespmem:s2], [sflag:$0x3], $0x18700, s13, s12, $0x38;
	[tilespmem:$0x1D600] =	vst v63  }
0xa1: {  	_ =	swait.ge [sflag:s14], $0x18700  }
0xa2: {  	[sflag:s14] =	ssyncset.done $0x0  }
0xa3: {  	[sflag:s14] =	ssyncadd.s32 $0xFFFE7900  }
0xa4: {  	_ =	sfence.sel $0x180000  }
0xa5: {  	[bflag:$0x0] =	sbarrier.arrive $0xFFFF  }
0xa6: {  	p0 =	sne.s32 s0, $0x0;
	_ =	strace $0x9000004A  }
0xa7: {  	s0 =	sadd.s32 @!p0 $0x100000, s1;
	[bflag:$0x2] =	sbarrier.arrive $0xFFFF  }
0xa8: {  	[sflag:s0] =	ssyncadd.tile.s32 @!p0 $0x1;
	_ =	shalt  }
.Lfunc_end2:
_tile_overlayer_lowered:
.L_overlay_start_2:
0xa9: {  	(tag) =	ssettag $0x2  }
0xaa: {  	s0 =	rddreg [dreg:$0x0];
	s2 =	stileid.u32  }
0xab: {  	s1 =	rddreg [dreg:$0x1];
	p0 =	sne.s32 s2, $0x0  }
0xac: {  	s3 =	rddreg [dreg:$0x2];
	[bflag:$0x3] =	sbarrier.arrive $0xFFFF;
	s2 =	simm.s32 @!p0 $0x1C03  }
0xad: {  	[timem:s3], [sflag:s2] =	dma.local @!p0 [hbm:s0], s1  }
0xae: {  	s0 =	simm.s32 @!p0 $0x3  }
0xaf: {  	_ =	swait.ge @!p0 [sflag:s0], s1  }
0xb0: {  	s1 =	ssub.s32 @!p0 $0x0, s1;
	[sflag:s0] =	ssyncset.done @!p0 $0x0  }
0xb1: {  	[sflag:s0] =	ssyncadd.s32 @!p0 s1  }
0xb2: {  	[bflag:$0x3] =	sbarrier.arrive $0xFFFF  }
0xb3: {  	_ =	shalt  }

// kernel: sparse-core-data-format-call.cloned.1.call-start
scs
called_computation_lowered:
.L_overlay_start_0:
0x0: {  	s1 =	sld [smem:$0x3FD9]  }
0x1: {  	s2 =	sld [smem:$0x3FFE];
	_ =	sdelay $0x1  }
0x2: {  	s3 =	srdreg.scid  }
0x3: {  	s0 =	sand.u32 $0x1, s3  }
0x4: {  	s17 =	sshll.u32 s0, $0xA;
	s1 =	sadd.s32 s2, s1  }
0x5: {  	s1 =	sadd.s32 s1, s17  }
0x6: {  	[smem:$0x3FBC] =	sst s1  }
0x7: {  	_ = 	snop  }
0x8: {  	(tm) =	ssettm $0x1  }
0x9: {  	s18 =	sld [smem:$0x3FFB];
	_ =	sdelay $0x3  }
0xa: {  	_ =	strace s18  }
0xb: {  	s1 =	sld [smem:$0x3FFC];
	_ =	sdelay $0x3  }
0xc: {  	_ =	strace s1  }
0xd: {  	s1 =	sld [smem:$0x3FFD];
	_ =	sdelay $0x3  }
0xe: {  	_ =	strace s1  }
0xf: {  	_ =	strace $0x8FFFFFFF  }
0x10: {  	s19 =	sld [smem:$0x3FDB];
	_ =	sdelay $0x1  }
0x11: {  	s20 =	simm.s32 $_scs_section_size  }
0x12: {  	s4 =	simm.s32 $_size__tile_overlayer_lowered;
	s5 =	simm.s32 $_tile_overlayer_lowered  }
0x13: {  	s23 =	simm.s32 $0x1BFF;
	s22 =	sshll.u32 s5, $0x1;
	s1 =	sadd.s32 s20, s19  }
0x14: {  	s6 =	simm.s32 $0x0;
	s21 =	sshll.u32 s4, $0x1;
	s4 =	sadd.s32 s22, s1  }
0x15: {  	[timem:s6], [sflag:s23] =	dma.local [hbm:s4], s21  }
0x16: {  	_ =	swait.ge [sflag:s23], s21  }
0x17: {  	s2 =	ssub.s32 $0x0, s21;
	[sflag:s23] =	ssyncset.done $0x0  }
0x18: {  	[sflag:s23] =	ssyncadd.s32 s2;
	_ =	sdelay $0x1  }
0x19: {  	s24 =	simm.s32 $0x1B8B  }
0x1a: {  	_ =	swait.ge [sflag:s24], $0x1  }
0x1b: {  	[sflag:s24] =	ssyncset.done $0x0  }
0x1c: {  	s26 =	simm.s32 $0x1B8E;
	s25 =	sld [smem:$0x3FFE];
	[sflag:s24] =	ssyncadd.s32 $0xFFFFFFFF  }
0x1d: {  	s27 =	simm.s32 $execute0_lowered;
	[smem:$0x3FD2] =	sst s26  }
0x1e: {  	s4 =	sshll.u32 s27, $0x1;
	_ =	strace $0x80000046;
	[dreg:$0x1] =	wrdreg $0xFFFFFFFF  }
0x1f: {  	s28 =	simm.s32 $_size_execute0_lowered;
	s1 =	sadd.s32 s1, s4;
	[dreg:$0x0] =	wrdreg $0x0  }
0x20: {  	s4 =	sshll.u32 s28, $0x1;
	[dreg:$0x2] =	wrdreg s1  }
0x21: {  	[dreg:$0x3] =	wrdreg s4  }
0x22: {  	[dreg:$0x4] =	wrdreg $0xC0  }
0x23: {  	_ =	task [dreg:s6], $0x5FFFF  }
0x24: {  	[dreg:$0x1] =	wrdreg $0xFFFFFFFF  }
0x25: {  	[dreg:$0x0] =	wrdreg $0x60  }
0x26: {  	[dreg:$0x2] =	wrdreg s25  }
0x27: {  	[dreg:$0x3] =	wrdreg $0x9  }
0x28: {  	_ =	task.clear_ibuf [dreg:s6], $0x4FFFF;
	_ =	strace $0x90000046  }
0x29: {  	s29 =	simm.s32 $0x9;
	_ =	strace $0x80000048  }
0x2a: {  	_ =	swait.ge [sflag:s29], $0x1  }
0x2b: {  	[sflag:s29] =	ssyncadd.s32 $0xFFFFFFFF  }
0x2c: {  	_ =	strace $0x90000048  }
0x2d: {  	_ =	sfence  }
0x2e: {  	s30 =	sld [smem:$0x0];
	_ =	sdelay $0x2  }
0x2f: {  	s31 =	sshll.u32 s3, $0xD;
	s3 =	sshrl.u32 s3, $0x2  }
0x30: {  	s2 =	sand.u32 $0x4000, s31;
	s1 =	sadd.s32 s3, s30  }
0x31: {  	s0 =	sor.u32 s2, s0;
	s1 =	sshll.u32 s1, $0x11  }
0x32: {  	s0 =	sor.u32 s1, s0  }
0x33: {  	s0 =	sadd.s32 $0x8F2B, s0  }
0x34: {  	[sflag:s0] =	ssyncadd.remote.s32 $0x1  }
0x35: {  	_ =	sfence.sel $0xFFFF  }
0x36: {  	[dreg:$0x0] =	wrdreg $0xFFFFFFFF;
	(pc) =	sbr.abs _section_cstart, $3  }
0x37: {  	[dreg:$0x1] =	wrdreg $0xFFFFFFFF  }
0x38: {  	_ =	task.clear_ibuf [dreg:s6], $0x2FFFF;
	_ =	strace $0x9FFFFFFF  }
0x39: {  	(tm) =	ssettm $0x7FFFFFFF  }
tec
execute0_lowered:
.L_overlay_start_1:
0x0: {  	(tag) =	ssettag $0x1  }
0x1: {  	s0 =	srdreg.scid  }
0x2: {  	s6 =	rddreg [dreg:$0x0];
	s7 =	simm.s32 $0x1;
	s1 =	sshll.u32 s0, $0x4  }
0x3: {  	s8 =	simm.s32 $0x2;
	s0 =	stileid.u32;
	s1 =	sand.u32 $0x10, s1  }
0x4: {  	s13 =	simm.s32 $0x0;
	s12 =	simm.s32 $0x0;
	s1 =	sor.u32 s0, s1  }
0x5: {  	s10 =	simm.s32 $0x0;
	s11 =	simm.s32 $0x0;
	s2 =	sshll.u32 s1, $0x9  }
0x6: {  	s3 =	sadd.s32 $0x4200, s6;
	s6 =	sadd.s32 $0x13CA00, s6;
	s5 =	ssub.s32 $0x4E200, s2  }
.Ltmp0:
0x7: {  	s1 =	rddreg [dreg:$0x1];
	s4 =	sand.u32 $0x3E00, s5;
	(pc) =	sbr.rel .LBB1_1-.Ltmp0, $4  }
0x8: {  	_ =	strace $0x80000047;
	s9 =	smov.u32 s2;
	p0 =	sne.s32 s4, $0x0  }
0x9: {  	s5 =	sshrl.u32 s5, $0xE;
	s4 =	simm.s32 $0x1;
	s7 =	simm.s32 @!p0 $0x0  }
0xa: {  	[sflag:s4] =	ssyncpa.u1 $0x0;
	p0 =	por $0x0, $0x0;
	s5 =	sadd.s32 s7, s5  }
0xb: {  	[sflag:s8] =	ssyncpa.u1 $0x0;
	s8 =	simm.s32 $0x80;
	s7 =	sadd.s32 $0x1, s5  }
.LBB1_4:
0xc: {  	_ = 	snop  }
0xd: {  	[tilespmem:s18+$0x2D60 ss:$0x21] =	vst.msk $0xffff, v7  }
0xe: {  	[tilespmem:s18+$0x2F70 ss:$0x21] =	vst.msk $0xffff, v6  }
0xf: {  	[tilespmem:s18+$0x3390 ss:$0x21] =	vst.msk $0xffff, v3  }
0x10: {  	s21 =	sor.u32 s24, s23;
	v31 =	vld.idx.msk [tilespmem:v0+s16+$0xC70 ss:$0x1], $0xffff;
	[tilespmem:s18+$0x35A0 ss:$0x21] =	vst.msk $0xffff, v1  }
0x11: {  	[tilespmem:s18+$0x37B0 ss:$0x21] =	vst.msk $0xffff, v2;
	v43 =	vld.idx.msk [tilespmem:v0+s21+$0x410 ss:$0x1], $0xffff  }
0x12: {  	[tilespmem:s18+$0x39C0 ss:$0x21] =	vst.msk $0xffff, v4;
	v44 =	vld.idx.msk [tilespmem:v0+s21+$0x420 ss:$0x1], $0xffff  }
0x13: {  	[tilespmem:s18+$0x3BD0 ss:$0x21] =	vst.msk $0xffff, v5;
	s22 =	sand.u32 $0x3200, s21;
	v45 =	vld.idx.msk [tilespmem:v0+s21+$0x430 ss:$0x1], $0xffff  }
0x14: {  	s20 =	sand.u32 $0x180, s20;
	s25 =	sshra.s32 s19, $0x2;
	[tilespmem:s18+$0x3DE0 ss:$0x21] =	vst.msk $0xffff, v8;
	v46 =	vld.idx.msk [tilespmem:v0+s21+$0x440 ss:$0x1], $0xffff;
	s15 =	sadd.s32 s22, s15  }
0x15: {  	v47 =	vld.idx.msk [tilespmem:v0+s21+$0x450 ss:$0x1], $0xffff;
	s24 =	sadd.s32 s20, s15;
	s15 =	sadd.s32 s25, s17;
	[tilespmem:s18+$0x3FF0 ss:$0x21] =	vst.msk $0xffff, v31  }
0x16: {  	v48 =	vld.idx.msk [tilespmem:v0+s21+$0x460 ss:$0x1], $0xffff;
	[tilespmem:s15+$0x1290 ss:$0x21] =	vst.msk $0xffff, v43  }
0x17: {  	v49 =	vld.idx.msk [tilespmem:v0+s21+$0x470 ss:$0x1], $0xffff;
	[tilespmem:s15+$0x14A0 ss:$0x21] =	vst.msk $0xffff, v44  }
0x18: {  	v50 =	vld.idx.msk [tilespmem:v0+s21+$0x810 ss:$0x1], $0xffff;
	[tilespmem:s15+$0x16B0 ss:$0x21] =	vst.msk $0xffff, v45  }
0x19: {  	v51 =	vld.idx.msk [tilespmem:v0+s21+$0x820 ss:$0x1], $0xffff;
	[tilespmem:s15+$0x18C0 ss:$0x21] =	vst.msk $0xffff, v46  }
0x1a: {  	v52 =	vld.idx.msk [tilespmem:v0+s21+$0x830 ss:$0x1], $0xffff;
	[tilespmem:s15+$0x1AD0 ss:$0x21] =	vst.msk $0xffff, v47  }
0x1b: {  	v53 =	vld.idx.msk [tilespmem:v0+s21+$0x840 ss:$0x1], $0xffff;
	[tilespmem:s15+$0x1CE0 ss:$0x21] =	vst.msk $0xffff, v48  }
0x1c: {  	v54 =	vld.idx.msk [tilespmem:v0+s21+$0x850 ss:$0x1], $0xffff;
	[tilespmem:s15+$0x1EF0 ss:$0x21] =	vst.msk $0xffff, v49  }
0x1d: {  	v55 =	vld.idx.msk [tilespmem:v0+s21+$0x860 ss:$0x1], $0xffff;
	[tilespmem:s15+$0x2310 ss:$0x21] =	vst.msk $0xffff, v50  }
0x1e: {  	v56 =	vld.idx.msk [tilespmem:v0+s21+$0x870 ss:$0x1], $0xffff;
	[tilespmem:s15+$0x2520 ss:$0x21] =	vst.msk $0xffff, v51  }
0x1f: {  	v57 =	vld.idx.msk [tilespmem:v0+s21+$0xC10 ss:$0x1], $0xffff;
	[tilespmem:s15+$0x2730 ss:$0x21] =	vst.msk $0xffff, v52  }
0x20: {  	v58 =	vld.idx.msk [tilespmem:v0+s21+$0xC20 ss:$0x1], $0xffff;
	[tilespmem:s15+$0x2940 ss:$0x21] =	vst.msk $0xffff, v53  }
0x21: {  	v59 =	vld.idx.msk [tilespmem:v0+s21+$0xC30 ss:$0x1], $0xffff;
	[tilespmem:s15+$0x2B50 ss:$0x21] =	vst.msk $0xffff, v54  }
0x22: {  	v60 =	vld.idx.msk [tilespmem:v0+s21+$0xC40 ss:$0x1], $0xffff;
	[tilespmem:s15+$0x2D60 ss:$0x21] =	vst.msk $0xffff, v55  }
0x23: {  	v61 =	vld.idx.msk [tilespmem:v0+s21+$0xC50 ss:$0x1], $0xffff;
	[tilespmem:s15+$0x2F70 ss:$0x21] =	vst.msk $0xffff, v56  }
0x24: {  	v62 =	vld.idx.msk [tilespmem:v0+s21+$0xC60 ss:$0x1], $0xffff;
	[tilespmem:s15+$0x3390 ss:$0x21] =	vst.msk $0xffff, v57  }
0x25: {  	v63 =	vld.idx.msk [tilespmem:v0+s21+$0xC70 ss:$0x1], $0xffff;
	[tilespmem:s15+$0x35A0 ss:$0x21] =	vst.msk $0xffff, v58  }
0x26: {  	v32 =	vld [tilespmem:s24+$0xC00];
	[tilespmem:s15+$0x37B0 ss:$0x21] =	vst.msk $0xffff, v59  }
0x27: {  	v33 =	vld [tilespmem:s24+$0x0];
	[tilespmem:s15+$0x39C0 ss:$0x21] =	vst.msk $0xffff, v60  }
0x28: {  	v34 =	vld [tilespmem:s24+$0x10];
	[tilespmem:s15+$0x3BD0 ss:$0x21] =	vst.msk $0xffff, v61  }
0x29: {  	s13 =	sshll.u32 s13, $0x7;
	s26 =	sshll.u32 s12, $0x3;
	v35 =	vld [tilespmem:s24+$0x20];
	[tilespmem:s15+$0x3DE0 ss:$0x21] =	vst.msk $0xffff, v62  }
0x2a: {  	s27 =	sand.u32 $0xFFFFFC00, s13;
	s16 =	sand.u32 $0xFFFFFC00, s26;
	v36 =	vld [tilespmem:s24+$0x30];
	[tilespmem:s15+$0x3FF0 ss:$0x21] =	vst.msk $0xffff, v63  }
0x2b: {  	s13 =	sand.u32 $0x380, s13;
	s16 =	sadd.s32 s16, s27;
	v37 =	vld [tilespmem:s24+$0x40];
	[tilespmem:s15+$0x3180 ss:$0x21] =	vst.msk $0xffff, v32  }
0x2c: {  	s13 =	sor.u32 s13, s16;
	v38 =	vld [tilespmem:s24+$0x50];
	[tilespmem:s15+$0x0 ss:$0x21] =	vst.msk $0xffff, v33  }
0x2d: {  	v39 =	vld [tilespmem:s24+$0x60];
	s13 =	sshrl.u32 s13, $0x7;
	[tilespmem:s15+$0x210 ss:$0x21] =	vst.msk $0xffff, v34  }
0x2e: {  	v40 =	vld [tilespmem:s24+$0x70];
	s28 =	smulhi.u32 $0x1A36E2F, s13;
	[tilespmem:s15+$0x420 ss:$0x21] =	vst.msk $0xffff, v35  }
0x2f: {  	v41 =	vld [tilespmem:s24+$0x400];
	[tilespmem:s15+$0x630 ss:$0x21] =	vst.msk $0xffff, v36  }
0x30: {  	v42 =	vld [tilespmem:s24+$0x800];
	s16 =	sshrl.u32 s28, $0xB;
	[tilespmem:s15+$0x840 ss:$0x21] =	vst.msk $0xffff, v37  }
0x31: {  	s16 =	smul.u32 $0x4E200, s16;
	[tilespmem:s15+$0xA50 ss:$0x21] =	vst.msk $0xffff, v38  }
0x32: {  	s29 =	sshrl.u32 s12, $0x3;
	[tilespmem:s15+$0xC60 ss:$0x21] =	vst.msk $0xffff, v39  }
0x33: {  	s31 =	sand.u32 $0x7, s12;
	s30 =	sand.u32 $0xF, s29;
	[tilespmem:s15+$0xE70 ss:$0x21] =	vst.msk $0xffff, v40;
	s13 =	ssub.s32 s13, s16  }
0x34: {  	s12 =	sshll.u32 s31, $0x12;
	[tilespmem:s15+$0x1080 ss:$0x21] =	vst.msk $0xffff, v41;
	s16 =	sadd.s32 s6, s30;
	s13 =	sshll.u32 s13, $0x4  }
0x35: {  	s12 =	sor.u32 $0x20, s12;
	[tilespmem:s15+$0x2100 ss:$0x21] =	vst.msk $0xffff, v42;
	s13 =	sadd.s32 s13, s16  }
0x36: {  	[hbm4b:s13+s12] =	stream.strided.scatter [tilespmem:s14], [sflag:$0x2], $0x4000, s8, s12, $0x10;
	[tilespmem:$0x10400] =	vst v63  }
.LBB1_5:
0x37: {  	s14 =	sadd.s32 $0x4000, s9  }
0x38: {  	s12 =	sadd.s32 $0x20, s10;
	s16 =	smov.u32 s10;
	p2 =	sgt.s32 s14, $0x4E1FF  }
0x39: {  	s16 =	smov.u32 @p2 s12  }
0x3a: {  	s14 =	smov.u32 @p2 s2;
	p2 =	sgt.s32 s16, $0x1F  }
0x3b: {  	s16 =	simm.s32 @p2 $0x0;
	p2 =	sne.s32 s11, s7  }
.Ltmp1:
0x3c: {  	p1 =	slt.u32 s11, $0x2;
	(pc) =	sbr.rel @!p2 .LBB1_6-.Ltmp1, $4  }
0x3d: {  	s15 =	simm.s32 @!p1 $0x2  }
0x3e: {  	s13 =	smov.u32 s9;
	p0 =	por !p0, !p0;
	_ =	swait.ge @!p1 [sflag:s15], $0x4000  }
0x3f: {  	s12 =	smov.u32 s10;
	[sflag:s15] =	ssyncset.done @!p1 $0x0;
	s9 =	smov.u32 s14  }
0x40: {  	s11 =	sadd.s32 $0x1, s11;
	[sflag:s15] =	ssyncadd.s32 @!p1 $0xFFFFC000;
	s10 =	smov.u32 s16  }
.LBB1_1:
0x41: {  	p1 =	sge.u32 s11, s5  }
0x42: {  	s14 =	sshrl.u32 @!p1 s10, $0x3  }
0x43: {  	s15 =	sshll.u32 @!p1 s9, $0x3;
	s14 =	smul.u32 @!p1 $0x271000, s14  }
0x44: {  	s16 =	sshll.u32 @!p1 s10, $0x7;
	s15 =	sand.u32 @!p1 $0xFFFFFC00, s15  }
0x45: {  	s14 =	sadd.s32 @!p1 s14, s15;
	s15 =	sand.u32 @!p1 $0x380, s16  }
0x46: {  	s16 =	sand.u32 @!p1 $0x7F, s9;
	s14 =	sor.u32 @!p1 s15, s14  }
0x47: {  	s15 =	sor.u32 @!p1 s16, s14  }
0x48: {  	s16 =	smulhi.u32 @!p1 $0xD1B71759, s15;
	_ =	sdelay $0x1  }
0x49: {  	s14 =	smulhi.u32 @!p1 $0xD1B71759, s14;
	s16 =	sshrl.u32 @!p1 s16, $0x12  }
0x4a: {  	s16 =	smul.u32 @!p1 $0x4E200, s16  }
0x4b: {  	s31 =	sadd.s32 $0xFFFFFFFF, s11;
	s17 =	sxor.u32 @!p1 $0xFFFFFFFF, s11;
	s14 =	sshrl.u32 @!p1 s14, $0x12  }
0x4c: {  	s17 =	sshll.u32 @!p1 s17, $0xE;
	s14 =	sand.u32 @!p1 $0x1F, s14;
	s15 =	ssub.s32 @!p1 s15, s16  }
0x4d: {  	s14 =	smul.u32 @!p1 $0x9C40, s14;
	s16 =	sshrl.u32 @!p1 s15, $0x3;
	s15 =	sand.u32 @!p1 $0x7, s15  }
0x4e: {  	s17 =	sand.u32 @!p1 $0x4000, s17;
	s16 =	sadd.s32 @!p1 s3, s16;
	s15 =	sshll.u32 @!p1 s15, $0x12  }
0x4f: {  	s14 =	sadd.s32 @!p1 s14, s16;
	s15 =	sor.u32 @!p1 $0x1000, s15;
	s16 =	simm.s32 @!p1 $0x271000  }
0x50: {  	[tilespmem:s17], [sflag:$0x1] =	stream.strided.gather @!p1 [hbm4b:s14+s15], $0x4000, s16, s15, $0x38;
	[tilespmem:$0x10400] =	vst v63  }
0x51: {  	p1 =	sge.u32 s31, s5  }
.Ltmp2:
0x52: {  	_ = 	snop;
	(pc) =	sbr.rel @p1 .LBB1_5-.Ltmp2, $1  }
0x53: {  	_ =	sdelay $0x3  }
0x54: {  	s17 =	simm.s32 $0x0  }
0x55: {  	s16 =	sand.u32 $0x3000, s17;
	s18 =	sand.u32 $0x380, s17  }
0x56: {  	s14 =	sand.u32 $0x1, s11;
	s16 =	sor.u32 s18, s16  }
0x57: {  	_ =	swait.ge [sflag:s4], $0x4000;
	s15 =	sshll.u32 s14, $0xE;
	s18 =	sand.u32 $0x3200, s16  }
0x58: {  	[sflag:s4] =	ssyncset.done $0x0;
	s17 =	sand.u32 $0x180, s17;
	s18 =	sadd.s32 s18, s15  }
0x59: {  	[sflag:s4] =	ssyncadd.s32 $0xFFFFC000;
	s20 =	sadd.s32 s17, s18  }
0x5a: {  	v4 =	vld [tilespmem:s20+$0xC00]  }
0x5b: {  	s19 =	simm.s32 $0x1;
	v0 =	vmov s15;
	v5 =	vld [tilespmem:s20+$0x0]  }
0x5c: {  	s19 =	simm.s32 @!p0 $0x0;
	v6 =	vld [tilespmem:s20+$0x10]  }
0x5d: {  	s31 =	smul.u32 $0x10800, s19;
	v7 =	vld [tilespmem:s20+$0x20]  }
0x5e: {  	v8 =	vld [tilespmem:s20+$0x30]  }
0x5f: {  	s17 =	sshrl.u32 s31, $0x2;
	v9 =	vld [tilespmem:s20+$0x40]  }
0x60: {  	s17 =	sor.u32 $0x8000, s17;
	v1 =	vld.idx.msk [tilespmem:v0+s16+$0x410 ss:$0x1], $0xffff  }
0x61: {  	v2 =	vld.idx.msk [tilespmem:v0+s16+$0x420 ss:$0x1], $0xffff;
	s18 =	sadd.s32 $0x0, s17  }
0x62: {  	v3 =	vld.idx.msk [tilespmem:v0+s16+$0x430 ss:$0x1], $0xffff;
	[tilespmem:s18+$0x3180 ss:$0x21] =	vst.msk $0xffff, v4  }
0x63: {  	v10 =	vld.idx.msk [tilespmem:v0+s16+$0x820 ss:$0x1], $0xffff;
	[tilespmem:s18+$0x0 ss:$0x21] =	vst.msk $0xffff, v5  }
0x64: {  	v11 =	vld.idx.msk [tilespmem:v0+s16+$0x830 ss:$0x1], $0xffff;
	[tilespmem:s18+$0x210 ss:$0x21] =	vst.msk $0xffff, v6  }
0x65: {  	v12 =	vld.idx.msk [tilespmem:v0+s16+$0x840 ss:$0x1], $0xffff;
	[tilespmem:s18+$0x420 ss:$0x21] =	vst.msk $0xffff, v7  }
0x66: {  	v13 =	vld.idx.msk [tilespmem:v0+s16+$0x850 ss:$0x1], $0xffff;
	[tilespmem:s18+$0x630 ss:$0x21] =	vst.msk $0xffff, v8  }
0x67: {  	v4 =	vld [tilespmem:s20+$0x50];
	[tilespmem:s18+$0x840 ss:$0x21] =	vst.msk $0xffff, v9  }
0x68: {  	v5 =	vld [tilespmem:s20+$0x60];
	[tilespmem:s18+$0x1290 ss:$0x21] =	vst.msk $0xffff, v1  }
0x69: {  	v6 =	vld [tilespmem:s20+$0x70];
	[tilespmem:s18+$0x14A0 ss:$0x21] =	vst.msk $0xffff, v2  }
0x6a: {  	v7 =	vld [tilespmem:s20+$0x400];
	[tilespmem:s18+$0x16B0 ss:$0x21] =	vst.msk $0xffff, v3  }
0x6b: {  	v8 =	vld [tilespmem:s20+$0x800];
	[tilespmem:s18+$0x2520 ss:$0x21] =	vst.msk $0xffff, v10  }
0x6c: {  	v9 =	vld.idx.msk [tilespmem:v0+s16+$0x470 ss:$0x1], $0xffff;
	[tilespmem:s18+$0x2730 ss:$0x21] =	vst.msk $0xffff, v11  }
0x6d: {  	v3 =	vld.idx.msk [tilespmem:v0+s16+$0xC10 ss:$0x1], $0xffff;
	[tilespmem:s18+$0x2940 ss:$0x21] =	vst.msk $0xffff, v12  }
0x6e: {  	v1 =	vld.idx.msk [tilespmem:v0+s16+$0xC20 ss:$0x1], $0xffff;
	[tilespmem:s18+$0x2B50 ss:$0x21] =	vst.msk $0xffff, v13  }
0x6f: {  	v2 =	vld.idx.msk [tilespmem:v0+s16+$0xC30 ss:$0x1], $0xffff;
	[tilespmem:s18+$0xA50 ss:$0x21] =	vst.msk $0xffff, v4  }
0x70: {  	[tilespmem:s18+$0xE70 ss:$0x21] =	vst.msk $0xffff, v6;
	v6 =	vld.idx.msk [tilespmem:v0+s16+$0x460 ss:$0x1], $0xffff  }
0x71: {  	v4 =	vld.idx.msk [tilespmem:v0+s16+$0x440 ss:$0x1], $0xffff;
	[tilespmem:s18+$0xC60 ss:$0x21] =	vst.msk $0xffff, v5  }
0x72: {  	v5 =	vld.idx.msk [tilespmem:v0+s16+$0x450 ss:$0x1], $0xffff;
	[tilespmem:s18+$0x1080 ss:$0x21] =	vst.msk $0xffff, v7  }
0x73: {  	[tilespmem:s18+$0x2100 ss:$0x21] =	vst.msk $0xffff, v8;
	v8 =	vld.idx.msk [tilespmem:v0+s16+$0x810 ss:$0x1], $0xffff  }
0x74: {  	v7 =	vld.idx.msk [tilespmem:v0+s16+$0x860 ss:$0x1], $0xffff;
	[tilespmem:s18+$0x1EF0 ss:$0x21] =	vst.msk $0xffff, v9  }
0x75: {  	s14 =	smul.u32 $0x10800, s14;
	[tilespmem:s18+$0x1CE0 ss:$0x21] =	vst.msk $0xffff, v6;
	v6 =	vld.idx.msk [tilespmem:v0+s16+$0x870 ss:$0x1], $0xffff  }
0x76: {  	s21 =	simm.s32 $0x200;
	s22 =	simm.s32 $0x8;
	[tilespmem:s18+$0x18C0 ss:$0x21] =	vst.msk $0xffff, v4;
	v4 =	vld.idx.msk [tilespmem:v0+s16+$0xC40 ss:$0x1], $0xffff  }
0x77: {  	s23 =	sand.u32 $0x3000, s21;
	s14 =	sshrl.u32 s14, $0x2;
	s20 =	simm.s32 $0x80;
	[tilespmem:s18+$0x1AD0 ss:$0x21] =	vst.msk $0xffff, v5;
	v5 =	vld.idx.msk [tilespmem:v0+s16+$0xC50 ss:$0x1], $0xffff  }
0x78: {  	s19 =	simm.s32 $0x4;
	s14 =	sor.u32 $0x8000, s14;
	s24 =	sand.u32 $0x380, s20;
	[tilespmem:s18+$0x2310 ss:$0x21] =	vst.msk $0xffff, v8;
	v8 =	vld.idx.msk [tilespmem:v0+s16+$0xC60 ss:$0x1], $0xffff  }
.LBB1_3:
0x79: {  	p1 =	sne.s32 s22, $0x7C;
	[tilespmem:s18+$0x2D60 ss:$0x21] =	vst.msk $0xffff, v7;
	v7 =	vld.idx.msk [tilespmem:v0+s16+$0xC70 ss:$0x1], $0xffff;
	s16 =	sor.u32 s24, s23  }
0x7a: {  	s23 =	sand.u32 $0x3200, s16;
	v9 =	vld.idx.msk [tilespmem:v0+s16+$0x410 ss:$0x1], $0xffff;
	[tilespmem:s18+$0x2F70 ss:$0x21] =	vst.msk $0xffff, v6  }
0x7b: {  	s24 =	sand.u32 $0x180, s20;
	s23 =	sadd.s32 s23, s15;
	v6 =	vld.idx.msk [tilespmem:v0+s16+$0x420 ss:$0x1], $0xffff;
	[tilespmem:s18+$0x3390 ss:$0x21] =	vst.msk $0xffff, v3  }
0x7c: {  	s23 =	sadd.s32 s24, s23;
	v3 =	vld.idx.msk [tilespmem:v0+s16+$0x430 ss:$0x1], $0xffff;
	[tilespmem:s18+$0x35A0 ss:$0x21] =	vst.msk $0xffff, v1  }
0x7d: {  	v1 =	vld [tilespmem:s23+$0xC00];
	[tilespmem:s18+$0x37B0 ss:$0x21] =	vst.msk $0xffff, v2  }
0x7e: {  	v2 =	vld [tilespmem:s23+$0x0];
	[tilespmem:s18+$0x39C0 ss:$0x21] =	vst.msk $0xffff, v4  }
0x7f: {  	v4 =	vld [tilespmem:s23+$0x10];
	[tilespmem:s18+$0x3BD0 ss:$0x21] =	vst.msk $0xffff, v5  }
0x80: {  	s24 =	sshra.s32 s19, $0x2;
	s19 =	smov.u32 s22;
	v5 =	vld [tilespmem:s23+$0x20];
	[tilespmem:s18+$0x3DE0 ss:$0x21] =	vst.msk $0xffff, v8  }
0x81: {  	v8 =	vld [tilespmem:s23+$0x30];
	[tilespmem:s18+$0x3FF0 ss:$0x21] =	vst.msk $0xffff, v7;
	s18 =	sadd.s32 s24, s17  }
0x82: {  	v7 =	vld [tilespmem:s23+$0x40];
	[tilespmem:s18+$0x3180 ss:$0x21] =	vst.msk $0xffff, v1  }
0x83: {  	[tilespmem:s18+$0x0 ss:$0x21] =	vst.msk $0xffff, v2;
	v1 =	vld [tilespmem:s23+$0x50]  }
0x84: {  	[tilespmem:s18+$0x210 ss:$0x21] =	vst.msk $0xffff, v4;
	v2 =	vld [tilespmem:s23+$0x60]  }
0x85: {  	[tilespmem:s18+$0x420 ss:$0x21] =	vst.msk $0xffff, v5;
	v4 =	vld [tilespmem:s23+$0x70]  }
0x86: {  	[tilespmem:s18+$0x630 ss:$0x21] =	vst.msk $0xffff, v8;
	v5 =	vld [tilespmem:s23+$0x400]  }
0x87: {  	[tilespmem:s18+$0x840 ss:$0x21] =	vst.msk $0xffff, v7;
	v7 =	vld [tilespmem:s23+$0x800]  }
0x88: {  	[tilespmem:s18+$0xA50 ss:$0x21] =	vst.msk $0xffff, v1;
	v1 =	vld.idx.msk [tilespmem:v0+s16+$0x440 ss:$0x1], $0xffff  }
0x89: {  	[tilespmem:s18+$0xC60 ss:$0x21] =	vst.msk $0xffff, v2;
	v2 =	vld.idx.msk [tilespmem:v0+s16+$0x450 ss:$0x1], $0xffff  }
0x8a: {  	[tilespmem:s18+$0xE70 ss:$0x21] =	vst.msk $0xffff, v4;
	v4 =	vld.idx.msk [tilespmem:v0+s16+$0x460 ss:$0x1], $0xffff  }
0x8b: {  	[tilespmem:s18+$0x1080 ss:$0x21] =	vst.msk $0xffff, v5;
	v5 =	vld.idx.msk [tilespmem:v0+s16+$0x470 ss:$0x1], $0xffff  }
0x8c: {  	[tilespmem:s18+$0x2100 ss:$0x21] =	vst.msk $0xffff, v7;
	v8 =	vld.idx.msk [tilespmem:v0+s16+$0x810 ss:$0x1], $0xffff  }
0x8d: {  	[tilespmem:s18+$0x1290 ss:$0x21] =	vst.msk $0xffff, v9;
	v9 =	vld.idx.msk [tilespmem:v0+s16+$0x820 ss:$0x1], $0xffff  }
0x8e: {  	[tilespmem:s18+$0x14A0 ss:$0x21] =	vst.msk $0xffff, v6;
	v10 =	vld.idx.msk [tilespmem:v0+s16+$0x830 ss:$0x1], $0xffff  }
0x8f: {  	[tilespmem:s18+$0x16B0 ss:$0x21] =	vst.msk $0xffff, v3;
	v11 =	vld.idx.msk [tilespmem:v0+s16+$0x840 ss:$0x1], $0xffff  }
0x90: {  	[tilespmem:s18+$0x18C0 ss:$0x21] =	vst.msk $0xffff, v1;
	v12 =	vld.idx.msk [tilespmem:v0+s16+$0x850 ss:$0x1], $0xffff  }
0x91: {  	[tilespmem:s18+$0x1AD0 ss:$0x21] =	vst.msk $0xffff, v2;
	v7 =	vld.idx.msk [tilespmem:v0+s16+$0x860 ss:$0x1], $0xffff  }
0x92: {  	[tilespmem:s18+$0x1CE0 ss:$0x21] =	vst.msk $0xffff, v4;
	v6 =	vld.idx.msk [tilespmem:v0+s16+$0x870 ss:$0x1], $0xffff  }
0x93: {  	[tilespmem:s18+$0x1EF0 ss:$0x21] =	vst.msk $0xffff, v5;
	v3 =	vld.idx.msk [tilespmem:v0+s16+$0xC10 ss:$0x1], $0xffff  }
.Ltmp3:
0x94: {  	[tilespmem:s18+$0x2310 ss:$0x21] =	vst.msk $0xffff, v8;
	v1 =	vld.idx.msk [tilespmem:v0+s16+$0xC20 ss:$0x1], $0xffff;
	(pc) =	sbr.rel @p1 .LBB1_3-.Ltmp3, $4  }
0x95: {  	[tilespmem:s18+$0x2520 ss:$0x21] =	vst.msk $0xffff, v9;
	v2 =	vld.idx.msk [tilespmem:v0+s16+$0xC30 ss:$0x1], $0xffff  }
0x96: {  	[tilespmem:s18+$0x2730 ss:$0x21] =	vst.msk $0xffff, v10;
	v4 =	vld.idx.msk [tilespmem:v0+s16+$0xC40 ss:$0x1], $0xffff  }
0x97: {  	s20 =	sadd.s32 $0x80, s20;
	s21 =	sadd.s32 $0x200, s21;
	[tilespmem:s18+$0x2940 ss:$0x21] =	vst.msk $0xffff, v11;
	v5 =	vld.idx.msk [tilespmem:v0+s16+$0xC50 ss:$0x1], $0xffff  }
0x98: {  	s22 =	sadd.s32 $0x4, s22;
	s24 =	sand.u32 $0x380, s20;
	s23 =	sand.u32 $0x3000, s21;
	[tilespmem:s18+$0x2B50 ss:$0x21] =	vst.msk $0xffff, v12;
	v8 =	vld.idx.msk [tilespmem:v0+s16+$0xC60 ss:$0x1], $0xffff  }
.Ltmp4:
0x99: {  	_ = 	snop;
	(pc) =	sbr.rel .LBB1_4-.Ltmp4, $1  }
0x9a: {  	_ =	sdelay $0x3  }
.LBB1_6:
0x9b: {  	_ =	sfence.sel $0x180000  }
0x9c: {  	s2 =	simm.s32 $0x1;
	[bflag:$0x0] =	sbarrier.arrive $0xFFFF  }
0x9d: {  	s31 =	simm.s32 $0x2;
	[sflag:s2] =	ssyncpa.u1 $0x1  }
0x9e: {  	[sflag:s31] =	ssyncpa.u1 $0x1  }
0x9f: {  	p0 =	sne.s32 s0, $0x0;
	_ =	strace $0x90000047  }
0xa0: {  	s0 =	sadd.s32 @!p0 $0x100000, s1;
	[bflag:$0x2] =	sbarrier.arrive $0xFFFF  }
0xa1: {  	[sflag:s0] =	ssyncadd.tile.s32 @!p0 $0x1;
	_ =	shalt  }
.Lfunc_end1:
_tile_overlayer_lowered:
.L_overlay_start_2:
0xa2: {  	(tag) =	ssettag $0x2  }
0xa3: {  	s0 =	rddreg [dreg:$0x0];
	s2 =	stileid.u32  }
0xa4: {  	s1 =	rddreg [dreg:$0x1];
	p0 =	sne.s32 s2, $0x0  }
0xa5: {  	s3 =	rddreg [dreg:$0x2];
	[bflag:$0x3] =	sbarrier.arrive $0xFFFF;
	s2 =	simm.s32 @!p0 $0x1C01  }
0xa6: {  	[timem:s3], [sflag:s2] =	dma.local @!p0 [hbm:s0], s1  }
0xa7: {  	s0 =	simm.s32 @!p0 $0x1  }
0xa8: {  	_ =	swait.ge @!p0 [sflag:s0], s1  }
0xa9: {  	s1 =	ssub.s32 @!p0 $0x0, s1;
	[sflag:s0] =	ssyncset.done @!p0 $0x0  }
0xaa: {  	[sflag:s0] =	ssyncadd.s32 @!p0 s1  }
0xab: {  	[bflag:$0x3] =	sbarrier.arrive $0xFFFF  }
0xac: {  	_ =	shalt  }

</sc_bundles>
